<compile_context>
chip_gen: v7x
topology: tpu7x:2x2x1
jax: 0.10.2.dev20260603
libtpu: 0.0.44.dev20260713+nightly
codegen_flags: <defaults>
</compile_context>

<pallas_src>
import functools

import jax
import jax.numpy as jnp
from jax import lax
from jax.experimental import pallas as pl
from jax.experimental.pallas import tpu as pltpu
from jax.experimental.pallas import tpu_sc as plsc

N = 10000
E = 320000
D_IN = 128
D_HID = 128
D_OUT = 64

_NP = 10240
_NB = 32
_BKN = _NP // _NB
_CAP = E
_CH = 80
_C = 512
_NCH = E // _C



def _rank_body(dst_ref, src_ref, tri_ref, pos_ref, pk_ref, cnt_ref, carry):
    c = pl.program_id(0)

    @pl.when(c == 0)
    def _():
        carry[...] = jnp.zeros_like(carry)

    for r in range(8):
        d = dst_ref[r]
        b = d // _BKN
        real = (c * 8 + r < _NCH).astype(jnp.float32)
        oh = (b[:, None] == lax.broadcasted_iota(jnp.int32, (_C, _NB), 1)
              ).astype(jnp.float32) * real
        pr = jax.lax.dot(tri_ref[...], oh, precision=jax.lax.Precision.HIGHEST,
                         preferred_element_type=jnp.float32)
        rank = jnp.sum(pr * oh, axis=1)
        pg = jnp.sum(carry[0][None, :] * oh, axis=1)
        pos_ref[r, :] = b * _CAP + (rank + pg).astype(jnp.int32)
        pk_ref[r, :] = (src_ref[r] << 14) | d
        carry[...] = carry[...] + jnp.sum(oh, axis=0)[None]
    cnt_ref[...] = carry[...]


_NCHP = 640


def _rank(dst2d, src2d, tri):
    return pl.pallas_call(
        _rank_body,
        grid=(_NCHP // 8,),
        in_specs=[
            pl.BlockSpec((8, _C), lambda i: (i, 0)),
            pl.BlockSpec((8, _C), lambda i: (i, 0)),
            pl.BlockSpec((_C, _C), lambda i: (0, 0)),
        ],
        out_specs=[
            pl.BlockSpec((8, _C), lambda i: (i, 0)),
            pl.BlockSpec((8, _C), lambda i: (i, 0)),
            pl.BlockSpec((1, _NB), lambda i: (0, 0)),
        ],
        out_shape=[
            jax.ShapeDtypeStruct((_NCHP, _C), jnp.int32),
            jax.ShapeDtypeStruct((_NCHP, _C), jnp.int32),
            jax.ShapeDtypeStruct((1, _NB), jnp.float32),
        ],
        scratch_shapes=[pltpu.VMEM((1, _NB), jnp.float32)],
    )(dst2d, src2d, tri)



_mesh = plsc.VectorSubcoreMesh(core_axis_name="c", subcore_axis_name="s")
_EPT = E // _NB


@functools.partial(
    pl.kernel,
    out_type=jax.ShapeDtypeStruct((_NB * _CAP,), jnp.int32),
    mesh=_mesh,
    scratch_types=[
        pltpu.VMEM((_CH,), jnp.int32),
        pltpu.VMEM((_CH,), jnp.int32),
    ],
)
def _group(pk_hbm, pos_hbm, pkg_hbm, posv, pkv):
    w = lax.axis_index("c") * 16 + lax.axis_index("s")
    base = w * _EPT

    def chunk(c, carry):
        off = base + c * _CH
        pltpu.sync_copy(pk_hbm.at[pl.ds(off, _CH)], pkv)
        pltpu.sync_copy(pos_hbm.at[pl.ds(off, _CH)], posv)
        pltpu.sync_copy(pkv, pkg_hbm.at[posv])
        return carry

    lax.fori_loop(0, _EPT // _CH, chunk, 0)




def _make_agg(with_cnt):
    outs = jax.ShapeDtypeStruct((_NP, D_IN), jnp.float32)
    if with_cnt:
        outs = (outs, jax.ShapeDtypeStruct((_NP, 16), jnp.float32))
    scratch = [pltpu.VMEM((_BKN + 8, D_IN), jnp.float32)]
    if with_cnt:
        scratch.append(pltpu.VMEM((_BKN + 8, 16), jnp.float32))
    scratch += [
        pltpu.VMEM((_CH,), jnp.int32),
        pltpu.VMEM((_CH + 16,), jnp.int32),
        pltpu.VMEM((_CH, D_IN), jnp.float32),
        pltpu.VMEM((_NB + 16,), jnp.int32),
        pltpu.SemaphoreType.DMA,
    ]

    @functools.partial(pl.kernel, out_type=outs, mesh=_mesh,
                       scratch_types=scratch)
    def _agg(*refs):
        if with_cnt:
            (x_hbm, pkg_hbm, cnts_hbm, zacc_hbm, zcnt_hbm,
             agg_hbm, cnt_hbm,
             acc, cntacc, srcv, dstv, rows, cntv, sem) = refs
        else:
            (x_hbm, pkg_hbm, cnts_hbm, zacc_hbm,
             agg_hbm,
             acc, srcv, dstv, rows, cntv, sem) = refs
        w = lax.axis_index("c") * 16 + lax.axis_index("s")
        lo = w * _BKN
        base = w * _CAP

        pltpu.sync_copy(zacc_hbm, acc)
        if with_cnt:
            pltpu.sync_copy(zcnt_hbm, cntacc)
        pltpu.sync_copy(cnts_hbm, cntv)
        cb = cntv[pl.ds(w, 16)][0]
        nch = (cb + (_CH - 1)) // _CH

        def chunk(c, carry):
            off = base + c * _CH
            pltpu.sync_copy(pkg_hbm.at[pl.ds(off, _CH)], dstv.at[pl.ds(0, _CH)])
            for j in range(_CH // 16):
                sl = pl.ds(j * 16, 16)
                srcv[sl] = jnp.clip(dstv[sl] >> 14, 0, _NP - 1)
            pltpu.async_copy(x_hbm.at[srcv], rows, sem).wait()
            ne = jnp.minimum(cb - c * _CH, _CH)

            def edge(i, carry2):
                ld = jnp.clip((dstv[pl.ds(i, 16)][0] & 16383) - lo, 0, _BKN)
                if with_cnt:
                    cntacc[ld, :] = cntacc[ld, :] + 1.0
                for v in range(D_IN // 16):
                    sl = pl.ds(v * 16, 16)
                    acc[ld, sl] = acc[ld, sl] + rows[i, sl]
                return carry2

            lax.fori_loop(0, ne, edge, 0)
            return carry

        lax.fori_loop(0, nch, chunk, 0)

        pltpu.sync_copy(acc.at[pl.ds(0, _BKN)], agg_hbm.at[pl.ds(lo, _BKN)])
        if with_cnt:
            pltpu.sync_copy(cntacc.at[pl.ds(0, _BKN)],
                            cnt_hbm.at[pl.ds(lo, _BKN)])

    return _agg


_agg_cnt = _make_agg(True)
_agg_nocnt = _make_agg(False)



_R1 = 1024
_R2 = 1000


def _dense1_body(agg_ref, c_ref, x_ref, wl_ref, b_ref, wr_ref, o_ref):
    cnt = jnp.clip(c_ref[:, 0:1], 1.0, None)
    agg = agg_ref[...] / cnt
    acc = jax.lax.dot(agg, wl_ref[...], precision=jax.lax.Precision.HIGHEST,
                      preferred_element_type=jnp.float32)
    acc += jax.lax.dot(x_ref[...], wr_ref[...], precision=jax.lax.Precision.HIGHEST,
                       preferred_element_type=jnp.float32)
    o_ref[...] = jnp.maximum(acc + b_ref[...], 0.0)


def _dense1(agg, cnt, x, wlT, b, wrT):
    return pl.pallas_call(
        _dense1_body,
        grid=(_NP // _R1,),
        in_specs=[
            pl.BlockSpec((_R1, D_IN), lambda i: (i, 0)),
            pl.BlockSpec((_R1, 16), lambda i: (i, 0)),
            pl.BlockSpec((_R1, D_IN), lambda i: (i, 0)),
            pl.BlockSpec((D_IN, D_HID), lambda i: (0, 0)),
            pl.BlockSpec((1, D_HID), lambda i: (0, 0)),
            pl.BlockSpec((D_IN, D_HID), lambda i: (0, 0)),
        ],
        out_specs=pl.BlockSpec((_R1, D_HID), lambda i: (i, 0)),
        out_shape=jax.ShapeDtypeStruct((_NP, D_HID), jnp.float32),
    )(agg, cnt, x, wlT, b, wrT)


def _dense2_body(p_ref, c_ref, h_ref, wl_ref, b_ref, wr_ref, wa_ref, ba_ref,
                 o_ref):
    cnt = jnp.clip(c_ref[:, 0:1], 1.0, None)
    agg = p_ref[...] / cnt
    acc = jax.lax.dot(agg, wl_ref[...], precision=jax.lax.Precision.HIGHEST,
                      preferred_element_type=jnp.float32)
    acc += jax.lax.dot(h_ref[...], wr_ref[...], precision=jax.lax.Precision.HIGHEST,
                       preferred_element_type=jnp.float32)
    h2 = jnp.maximum(acc + b_ref[...], 0.0)
    o_ref[...] = jax.lax.dot(h2, wa_ref[...], precision=jax.lax.Precision.HIGHEST,
                             preferred_element_type=jnp.float32) + ba_ref[...]


def _dense2(agg, cnt, h, wlT, b, wrT, waT, ba):
    return pl.pallas_call(
        _dense2_body,
        grid=(N // _R2,),
        in_specs=[
            pl.BlockSpec((_R2, D_HID), lambda i: (i, 0)),
            pl.BlockSpec((_R2, 16), lambda i: (i, 0)),
            pl.BlockSpec((_R2, D_HID), lambda i: (i, 0)),
            pl.BlockSpec((D_HID, D_HID), lambda i: (0, 0)),
            pl.BlockSpec((1, D_HID), lambda i: (0, 0)),
            pl.BlockSpec((D_HID, D_HID), lambda i: (0, 0)),
            pl.BlockSpec((D_HID, D_OUT), lambda i: (0, 0)),
            pl.BlockSpec((1, D_OUT), lambda i: (0, 0)),
        ],
        out_specs=pl.BlockSpec((_R2, D_OUT), lambda i: (i, 0)),
        out_shape=jax.ShapeDtypeStruct((N, D_OUT), jnp.float32),
    )(agg, cnt, h, wlT, b, wrT, waT, ba)




def kernel(x, edge_index, W1_l, b1, W1_r, W2_l, b2, W2_r, Wa, ba):
    src = edge_index[0].astype(jnp.int32)
    dst = edge_index[1].astype(jnp.int32)

    tri = jnp.tril(jnp.ones((_C, _C), jnp.float32), -1)
    dstp = jnp.pad(dst, (0, _NCHP * _C - E)).reshape(_NCHP, _C)
    srcp = jnp.pad(src, (0, _NCHP * _C - E)).reshape(_NCHP, _C)
    pos2d, pk2d, cntf = _rank(dstp, srcp, tri)
    pos = pos2d.reshape(_NCHP * _C)[:E]
    pk = pk2d.reshape(_NCHP * _C)[:E]
    cnts = jnp.pad(cntf[0].astype(jnp.int32), (0, 16))

    pkg = _group(pk, pos)

    xpad = jnp.pad(x, ((0, _NP - N), (0, 0)))
    zacc = jnp.zeros((_BKN + 8, D_IN), jnp.float32)
    zcnt = jnp.zeros((_BKN + 8, 16), jnp.float32)

    agg1, cnt = _agg_cnt(xpad, pkg, cnts, zacc, zcnt)
    h1 = _dense1(agg1, cnt, xpad, W1_l.T, b1[None, :], W1_r.T)
    agg2 = _agg_nocnt(h1, pkg, cnts, zacc)
    return _dense2(agg2, cnt, h1, W2_l.T, b2[None, :], W2_r.T, Wa.T, ba[None, :])

# --- scband reference (transcript-rebuilt; emitter-appended) ---
"""Pipeline reference for scband-gnnpolicy-20332375179288 (READ-ONLY COPY).

The authoritative reference and input builder live on the scoring server;
editing this copy changes nothing except your own understanding.
"""

import jax, jax.numpy as jnp
import numpy as np

N_NODES = 10000
N_EDGES = 320000
D_IN = 128
D_HID = 128
D_OUT = 64


def setup_inputs(seed: int = 0) -> dict:
    key = jax.random.key(seed)
    ks = jax.random.split(key, 10)
    x = jax.random.normal(ks[0], (N_NODES, D_IN), dtype=jnp.float32)
    edge_index = jax.random.randint(ks[1], (2, N_EDGES), 0, N_NODES, dtype=jnp.int64)
    s_in = 1.0 / np.sqrt(D_IN)
    s_hid = 1.0 / np.sqrt(D_HID)
    # SAGEConv 1: lin_l (applied to aggregated neighbors, with bias), lin_r (applied to root, no bias)
    W1_l = jax.random.uniform(ks[2], (D_HID, D_IN), jnp.float32, -s_in, s_in)
    b1 = jax.random.uniform(ks[3], (D_HID,), jnp.float32, -s_in, s_in)
    W1_r = jax.random.uniform(ks[4], (D_HID, D_IN), jnp.float32, -s_in, s_in)
    # SAGEConv 2
    W2_l = jax.random.uniform(ks[5], (D_HID, D_HID), jnp.float32, -s_hid, s_hid)
    b2 = jax.random.uniform(ks[6], (D_HID,), jnp.float32, -s_hid, s_hid)
    W2_r = jax.random.uniform(ks[7], (D_HID, D_HID), jnp.float32, -s_hid, s_hid)
    # actor linear
    Wa = jax.random.uniform(ks[8], (D_OUT, D_HID), jnp.float32, -s_hid, s_hid)
    ba = jax.random.uniform(ks[9], (D_OUT,), jnp.float32, -s_hid, s_hid)
    return {"x": x, "edge_index": edge_index, "W1_l": W1_l, "b1": b1, "W1_r": W1_r,
            "W2_l": W2_l, "b2": b2, "W2_r": W2_r, "Wa": Wa, "ba": ba}


def _sage_conv(x, edge_index, W_l, b_l, W_r):
    # mean aggregation of source-node features onto destination nodes
    src = edge_index[0]
    dst = edge_index[1]
    n = x.shape[0]
    msg = jnp.take(x, src, axis=0)                      # gather  [E, d]
    agg = jax.ops.segment_sum(msg, dst, num_segments=n)  # scatter-add [N, d]
    cnt = jax.ops.segment_sum(jnp.ones((msg.shape[0],), dtype=x.dtype), dst, num_segments=n)
    agg = agg / jnp.clip(cnt, 1.0, None)[:, None]
    return agg @ W_l.T + b_l + x @ W_r.T


def reference(x, edge_index, W1_l, b1, W1_r, W2_l, b2, W2_r, Wa, ba):
    h = jax.nn.relu(_sage_conv(x, edge_index, W1_l, b1, W1_r))
    h = jax.nn.relu(_sage_conv(h, edge_index, W2_l, b2, W2_r))
    logits = h @ Wa.T + ba
    return logits

if __name__ == "__main__":
    import jax
    _d = setup_inputs()
    print(jax.jit(kernel)(*tuple(_d.values())))

</pallas_src>

<mosaic_0001>
#map = affine_map<(d0, d1) -> (0, 0)>
#map1 = affine_map<(d0, d1) -> (0)>
module attributes {stable_mosaic.version = 14 : i64} {
  func.func @_agg(%arg0: i32, %arg1: i32, %arg2: memref<10240x128xf32, #tpu.memory_space<hbm>>, %arg3: memref<10240000xi32, #tpu.memory_space<hbm>>, %arg4: memref<48xi32, #tpu.memory_space<hbm>>, %arg5: memref<328x128xf32, #tpu.memory_space<hbm>>, %arg6: memref<10240x128xf32, #tpu.memory_space<hbm>>, %arg7: memref<328x128xf32, #tpu.memory_space<vmem>>, %arg8: memref<80xi32, #tpu.memory_space<vmem>>, %arg9: memref<96xi32, #tpu.memory_space<vmem>>, %arg10: memref<80x128xf32, #tpu.memory_space<vmem>>, %arg11: memref<48xi32, #tpu.memory_space<vmem>>, %arg12: memref<!tpu.dma_semaphore, #tpu.memory_space<semaphore_mem>>) attributes {dimension_semantics = [#tpu.dimension_semantics<core_parallel>, #tpu.dimension_semantics<subcore_parallel>], iteration_bounds = array<i64: 2, 16>, scalar_prefetch = 0 : i64, scratch_operands = 6 : i64, tpu.core_type = #tpu.core_type<sc_vector_subcore>, window_params = [{transform_indices = #map}, {transform_indices = #map1}, {transform_indices = #map1}, {transform_indices = #map}, {transform_indices = #map}]} {
    %mul3A = arith.constant 16 : i32
    %mul3A_0 = arith.muli %arg0, %mul3A : i32
    %add3A = arith.addi %mul3A_0, %arg1 : i32
    %mul3A_1 = arith.constant 320 : i32
    %mul3A_2 = arith.muli %add3A, %mul3A_1 : i32
    %mul3A_3 = arith.constant 320000 : i32
    %mul3A_4 = arith.muli %add3A, %mul3A_3 : i32
    "tpu.region"() ({
      %run_scoped3A = tpu.sem_alloc : memref<!tpu.dma_semaphore, #tpu.memory_space<semaphore_mem>>
      tpu.enqueue_dma source(%arg5 : memref<328x128xf32, #tpu.memory_space<hbm>>) target(%arg7 : memref<328x128xf32, #tpu.memory_space<vmem>>) target_semaphore(%run_scoped3A : memref<!tpu.dma_semaphore, #tpu.memory_space<semaphore_mem>>)
      tpu.wait_dma2 semaphore(%run_scoped3A : memref<!tpu.dma_semaphore, #tpu.memory_space<semaphore_mem>>) src(%arg5 : memref<328x128xf32, #tpu.memory_space<hbm>>) dst(%arg7 : memref<328x128xf32, #tpu.memory_space<vmem>>)
      tpu.yield
    }) : () -> ()
    "tpu.region"() ({
      %run_scoped3A = tpu.sem_alloc : memref<!tpu.dma_semaphore, #tpu.memory_space<semaphore_mem>>
      tpu.enqueue_dma source(%arg4 : memref<48xi32, #tpu.memory_space<hbm>>) target(%arg11 : memref<48xi32, #tpu.memory_space<vmem>>) target_semaphore(%run_scoped3A : memref<!tpu.dma_semaphore, #tpu.memory_space<semaphore_mem>>)
      tpu.wait_dma2 semaphore(%run_scoped3A : memref<!tpu.dma_semaphore, #tpu.memory_space<semaphore_mem>>) src(%arg4 : memref<48xi32, #tpu.memory_space<hbm>>) dst(%arg11 : memref<48xi32, #tpu.memory_space<vmem>>)
      tpu.yield
    }) : () -> ()
    %get3A = arith.index_cast %add3A : i32 to index
    %get3A_5 = tpu.vector_load %arg11[%get3A] {strides = array<i32>} : memref<48xi32, #tpu.memory_space<vmem>>, vector<16xi32>,
    %get3A_6 = vector.shape_cast %get3A_5 : vector<16xi32> to vector<16xi32>
    %slice3A = vector.extract_strided_slice %get3A_6 {offsets = [0], sizes = [1], strides = [1]} : vector<16xi32> to vector<1xi32>
    %squeeze3A = vector.extract %slice3A[0] : i32 from vector<1xi32>
    %add3A_7 = arith.constant 79 : i32
    %add3A_8 = arith.addi %squeeze3A, %add3A_7 : i32
    %jit3A = arith.constant 80 : i32
    %div3A = arith.divsi %add3A_8, %jit3A : i32
    %sign3A = arith.constant 0 : i32
    %sign3A_9 = arith.cmpi sgt, %add3A_8, %sign3A : i32
    %sign3A_10 = arith.extui %sign3A_9 : i1 to i32
    %sign3A_11 = arith.constant 0 : i32
    %sign3A_12 = arith.cmpi slt, %add3A_8, %sign3A_11 : i32
    %sign3A_13 = arith.extui %sign3A_12 : i1 to i32
    %sign3A_14 = arith.subi %sign3A_10, %sign3A_13 : i32
    %sign3A_15 = arith.constant 0 : i32
    %sign3A_16 = arith.cmpi sgt, %jit3A, %sign3A_15 : i32
    %sign3A_17 = arith.extui %sign3A_16 : i1 to i32
    %sign3A_18 = arith.constant 0 : i32
    %sign3A_19 = arith.cmpi slt, %jit3A, %sign3A_18 : i32
    %sign3A_20 = arith.extui %sign3A_19 : i1 to i32
    %sign3A_21 = arith.subi %sign3A_17, %sign3A_20 : i32
    %ne3A = arith.cmpi ne, %sign3A_14, %sign3A_21 : i32
    %rem3A = arith.remsi %add3A_8, %jit3A : i32
    %ne3A_22 = arith.constant 0 : i32
    %ne3A_23 = arith.cmpi ne, %rem3A, %ne3A_22 : i32
    %and3A = arith.andi %ne3A, %ne3A_23 : i1
    %sub3A = arith.constant 1 : i32
    %sub3A_24 = arith.subi %div3A, %sub3A : i32
    %select_n3A = arith.select %and3A, %sub3A_24, %div3A : i32
    %while3A = arith.constant 0 : i32
    %while3A_25 = arith.constant 0 : i32
    %while3A_26 = arith.subi %select_n3A, %while3A_25 : i32
    %while3A_27 = arith.addi %while3A_25, %while3A_26 : i32
    %while3A_28 = arith.constant 1 : i32
    %while3A_29 = arith.divsi %while3A_26, %while3A_28 : i32
    %while3A_30 = arith.muli %while3A_29, %while3A_28 : i32
    %while3A_31 = arith.addi %while3A_25, %while3A_30 : i32
    %while3A_32 = arith.constant 1 : i32
    scf.for %while3A_34 = %while3A_25 to %while3A_31 step %while3A_32  : i32 {
      %mul3A_35 = arith.constant 80 : i32
      %mul3A_36 = arith.muli %while3A_34, %mul3A_35 : i32
      %add3A_37 = arith.addi %mul3A_4, %mul3A_36 : i32
      "tpu.region"() ({
        %run_scoped3A = tpu.sem_alloc : memref<!tpu.dma_semaphore, #tpu.memory_space<semaphore_mem>>
        %dma_start3A_133 = arith.constant 0 : i32
        %dma_start3A_134 = tpu.memref_slice %arg9[%dma_start3A_133] : memref<96xi32, #tpu.memory_space<vmem>> -> memref<80xi32, #tpu.memory_space<vmem>>
        %dma_start3A_135 = tpu.memref_slice %arg3[%add3A_37] : memref<10240000xi32, #tpu.memory_space<hbm>> -> memref<80xi32, #tpu.memory_space<hbm>>
        %dma_start3A_136 = arith.constant 0 : i32
        %dma_start3A_137 = tpu.memref_slice %arg9[%dma_start3A_136] : memref<96xi32, #tpu.memory_space<vmem>> -> memref<80xi32, #tpu.memory_space<vmem>>
        %dma_start3A_138 = tpu.memref_slice %arg3[%add3A_37] : memref<10240000xi32, #tpu.memory_space<hbm>> -> memref<80xi32, #tpu.memory_space<hbm>>
        tpu.enqueue_dma source(%dma_start3A_138 : memref<80xi32, #tpu.memory_space<hbm>>) target(%dma_start3A_137 : memref<80xi32, #tpu.memory_space<vmem>>) target_semaphore(%run_scoped3A : memref<!tpu.dma_semaphore, #tpu.memory_space<semaphore_mem>>)
        %dma_wait3A_139 = arith.constant 0 : i32
        %dma_wait3A_140 = tpu.memref_slice %arg9[%dma_wait3A_139] : memref<96xi32, #tpu.memory_space<vmem>> -> memref<80xi32, #tpu.memory_space<vmem>>
        %dma_wait3A_141 = tpu.memref_slice %arg3[%add3A_37] : memref<10240000xi32, #tpu.memory_space<hbm>> -> memref<80xi32, #tpu.memory_space<hbm>>
        %dma_wait3A_142 = arith.constant 0 : i32
        %dma_wait3A_143 = tpu.memref_slice %arg9[%dma_wait3A_142] : memref<96xi32, #tpu.memory_space<vmem>> -> memref<80xi32, #tpu.memory_space<vmem>>
        %dma_wait3A_144 = tpu.memref_slice %arg3[%add3A_37] : memref<10240000xi32, #tpu.memory_space<hbm>> -> memref<80xi32, #tpu.memory_space<hbm>>
        tpu.wait_dma2 semaphore(%run_scoped3A : memref<!tpu.dma_semaphore, #tpu.memory_space<semaphore_mem>>) src(%dma_wait3A_144 : memref<80xi32, #tpu.memory_space<hbm>>) dst(%dma_wait3A_143 : memref<80xi32, #tpu.memory_space<vmem>>)
        tpu.yield
      }) : () -> ()
      %get3A_38 = arith.constant 0 : index
      %get3A_39 = tpu.vector_load %arg9[%get3A_38] {strides = array<i32>} : memref<96xi32, #tpu.memory_space<vmem>>, vector<16xi32>,
      %get3A_40 = vector.shape_cast %get3A_39 : vector<16xi32> to vector<16xi32>
      %shift_right_arithmetic3A = arith.constant 14 : i32
      %shift_right_arithmetic3A_41 = vector.broadcast %shift_right_arithmetic3A : i32 to vector<16xi32>
      %shift_right_arithmetic3A_42 = arith.shrsi %get3A_40, %shift_right_arithmetic3A_41 : vector<16xi32>
      %jit3A_43 = arith.constant 0 : i32
      %jit3A_44 = arith.constant 10239 : i32
      %max3A = vector.broadcast %jit3A_43 : i32 to vector<16xi32>
      %max3A_45 = arith.maxsi %max3A, %shift_right_arithmetic3A_42 : vector<16xi32>
      %min3A = vector.broadcast %jit3A_44 : i32 to vector<16xi32>
      %min3A_46 = arith.minsi %min3A, %max3A_45 : vector<16xi32>
      %swap3A = arith.constant 0 : index
      %swap3A_47 = tpu.vector_load %arg8[%swap3A] {strides = array<i32>} : memref<80xi32, #tpu.memory_space<vmem>>, vector<16xi32>,
      %swap3A_48 = vector.shape_cast %swap3A_47 : vector<16xi32> to vector<16xi32>
      %swap3A_49 = vector.shape_cast %min3A_46 : vector<16xi32> to vector<16xi32>
      tpu.vector_store %arg8[%swap3A], %swap3A_49 {strides = array<i32>} : memref<80xi32, #tpu.memory_space<vmem>>, vector<16xi32>,
      %get3A_50 = arith.constant 16 : index
      %get3A_51 = tpu.vector_load %arg9[%get3A_50] {strides = array<i32>} : memref<96xi32, #tpu.memory_space<vmem>>, vector<16xi32>,
      %get3A_52 = vector.shape_cast %get3A_51 : vector<16xi32> to vector<16xi32>
      %shift_right_arithmetic3A_53 = arith.constant 14 : i32
      %shift_right_arithmetic3A_54 = vector.broadcast %shift_right_arithmetic3A_53 : i32 to vector<16xi32>
      %shift_right_arithmetic3A_55 = arith.shrsi %get3A_52, %shift_right_arithmetic3A_54 : vector<16xi32>
      %jit3A_56 = arith.constant 0 : i32
      %jit3A_57 = arith.constant 10239 : i32
      %max3A_58 = vector.broadcast %jit3A_56 : i32 to vector<16xi32>
      %max3A_59 = arith.maxsi %max3A_58, %shift_right_arithmetic3A_55 : vector<16xi32>
      %min3A_60 = vector.broadcast %jit3A_57 : i32 to vector<16xi32>
      %min3A_61 = arith.minsi %min3A_60, %max3A_59 : vector<16xi32>
      %swap3A_62 = arith.constant 16 : index
      %swap3A_63 = tpu.vector_load %arg8[%swap3A_62] {strides = array<i32>} : memref<80xi32, #tpu.memory_space<vmem>>, vector<16xi32>,
      %swap3A_64 = vector.shape_cast %swap3A_63 : vector<16xi32> to vector<16xi32>
      %swap3A_65 = vector.shape_cast %min3A_61 : vector<16xi32> to vector<16xi32>
      tpu.vector_store %arg8[%swap3A_62], %swap3A_65 {strides = array<i32>} : memref<80xi32, #tpu.memory_space<vmem>>, vector<16xi32>,
      %get3A_66 = arith.constant 32 : index
      %get3A_67 = tpu.vector_load %arg9[%get3A_66] {strides = array<i32>} : memref<96xi32, #tpu.memory_space<vmem>>, vector<16xi32>,
      %get3A_68 = vector.shape_cast %get3A_67 : vector<16xi32> to vector<16xi32>
      %shift_right_arithmetic3A_69 = arith.constant 14 : i32
      %shift_right_arithmetic3A_70 = vector.broadcast %shift_right_arithmetic3A_69 : i32 to vector<16xi32>
      %shift_right_arithmetic3A_71 = arith.shrsi %get3A_68, %shift_right_arithmetic3A_70 : vector<16xi32>
      %jit3A_72 = arith.constant 0 : i32
      %jit3A_73 = arith.constant 10239 : i32
      %max3A_74 = vector.broadcast %jit3A_72 : i32 to vector<16xi32>
      %max3A_75 = arith.maxsi %max3A_74, %shift_right_arithmetic3A_71 : vector<16xi32>
      %min3A_76 = vector.broadcast %jit3A_73 : i32 to vector<16xi32>
      %min3A_77 = arith.minsi %min3A_76, %max3A_75 : vector<16xi32>
      %swap3A_78 = arith.constant 32 : index
      %swap3A_79 = tpu.vector_load %arg8[%swap3A_78] {strides = array<i32>} : memref<80xi32, #tpu.memory_space<vmem>>, vector<16xi32>,
      %swap3A_80 = vector.shape_cast %swap3A_79 : vector<16xi32> to vector<16xi32>
      %swap3A_81 = vector.shape_cast %min3A_77 : vector<16xi32> to vector<16xi32>
      tpu.vector_store %arg8[%swap3A_78], %swap3A_81 {strides = array<i32>} : memref<80xi32, #tpu.memory_space<vmem>>, vector<16xi32>,
      %get3A_82 = arith.constant 48 : index
      %get3A_83 = tpu.vector_load %arg9[%get3A_82] {strides = array<i32>} : memref<96xi32, #tpu.memory_space<vmem>>, vector<16xi32>,
      %get3A_84 = vector.shape_cast %get3A_83 : vector<16xi32> to vector<16xi32>
      %shift_right_arithmetic3A_85 = arith.constant 14 : i32
      %shift_right_arithmetic3A_86 = vector.broadcast %shift_right_arithmetic3A_85 : i32 to vector<16xi32>
      %shift_right_arithmetic3A_87 = arith.shrsi %get3A_84, %shift_right_arithmetic3A_86 : vector<16xi32>
      %jit3A_88 = arith.constant 0 : i32
      %jit3A_89 = arith.constant 10239 : i32
      %max3A_90 = vector.broadcast %jit3A_88 : i32 to vector<16xi32>
      %max3A_91 = arith.maxsi %max3A_90, %shift_right_arithmetic3A_87 : vector<16xi32>
      %min3A_92 = vector.broadcast %jit3A_89 : i32 to vector<16xi32>
      %min3A_93 = arith.minsi %min3A_92, %max3A_91 : vector<16xi32>
      %swap3A_94 = arith.constant 48 : index
      %swap3A_95 = tpu.vector_load %arg8[%swap3A_94] {strides = array<i32>} : memref<80xi32, #tpu.memory_space<vmem>>, vector<16xi32>,
      %swap3A_96 = vector.shape_cast %swap3A_95 : vector<16xi32> to vector<16xi32>
      %swap3A_97 = vector.shape_cast %min3A_93 : vector<16xi32> to vector<16xi32>
      tpu.vector_store %arg8[%swap3A_94], %swap3A_97 {strides = array<i32>} : memref<80xi32, #tpu.memory_space<vmem>>, vector<16xi32>,
      %get3A_98 = arith.constant 64 : index
      %get3A_99 = tpu.vector_load %arg9[%get3A_98] {strides = array<i32>} : memref<96xi32, #tpu.memory_space<vmem>>, vector<16xi32>,
      %get3A_100 = vector.shape_cast %get3A_99 : vector<16xi32> to vector<16xi32>
      %shift_right_arithmetic3A_101 = arith.constant 14 : i32
      %shift_right_arithmetic3A_102 = vector.broadcast %shift_right_arithmetic3A_101 : i32 to vector<16xi32>
      %shift_right_arithmetic3A_103 = arith.shrsi %get3A_100, %shift_right_arithmetic3A_102 : vector<16xi32>
      %jit3A_104 = arith.constant 0 : i32
      %jit3A_105 = arith.constant 10239 : i32
      %max3A_106 = vector.broadcast %jit3A_104 : i32 to vector<16xi32>
      %max3A_107 = arith.maxsi %max3A_106, %shift_right_arithmetic3A_103 : vector<16xi32>
      %min3A_108 = vector.broadcast %jit3A_105 : i32 to vector<16xi32>
      %min3A_109 = arith.minsi %min3A_108, %max3A_107 : vector<16xi32>
      %swap3A_110 = arith.constant 64 : index
      %swap3A_111 = tpu.vector_load %arg8[%swap3A_110] {strides = array<i32>} : memref<80xi32, #tpu.memory_space<vmem>>, vector<16xi32>,
      %swap3A_112 = vector.shape_cast %swap3A_111 : vector<16xi32> to vector<16xi32>
      %swap3A_113 = vector.shape_cast %min3A_109 : vector<16xi32> to vector<16xi32>
      tpu.vector_store %arg8[%swap3A_110], %swap3A_113 {strides = array<i32>} : memref<80xi32, #tpu.memory_space<vmem>>, vector<16xi32>,
      %dma_start3A = arith.constant 0 : i32
      %dma_start3A_114 = arith.constant 0 : i32
      %dma_start3A_115 = tpu.memref_slice %arg2[%dma_start3A, %dma_start3A_114] : memref<10240x128xf32, #tpu.memory_space<hbm>> -> memref<10240x128xf32, #tpu.memory_space<hbm>>
      tpu.enqueue_indirect_dma source(%dma_start3A_115 : memref<10240x128xf32, #tpu.memory_space<hbm>>) target(%arg10 : memref<80x128xf32, #tpu.memory_space<vmem>>) offsets(%arg8 : memref<80xi32, #tpu.memory_space<vmem>>) semaphore(%arg12 : memref<!tpu.dma_semaphore, #tpu.memory_space<semaphore_mem>>)
      %dma_wait3A = arith.constant 0 : i32
      %dma_wait3A_116 = arith.constant 0 : i32
      %dma_wait3A_117 = tpu.memref_slice %arg2[%dma_wait3A, %dma_wait3A_116] : memref<10240x128xf32, #tpu.memory_space<hbm>> -> memref<10240x128xf32, #tpu.memory_space<hbm>>
      tpu.wait_indirect_dma semaphore(%arg12 : memref<!tpu.dma_semaphore, #tpu.memory_space<semaphore_mem>>) src(%dma_wait3A_117 : memref<10240x128xf32, #tpu.memory_space<hbm>>) dst(%arg10 : memref<80x128xf32, #tpu.memory_space<vmem>>)
      %mul3A_118 = arith.constant 80 : i32
      %mul3A_119 = arith.muli %while3A_34, %mul3A_118 : i32
      %sub3A_120 = arith.subi %squeeze3A, %mul3A_119 : i32
      %min3A_121 = arith.constant 80 : i32
      %min3A_122 = arith.minsi %sub3A_120, %min3A_121 : i32
      %while3A_123 = arith.constant 0 : i32
      %while3A_124 = arith.constant 0 : i32
      %while3A_125 = arith.subi %min3A_122, %while3A_124 : i32
      %while3A_126 = arith.addi %while3A_124, %while3A_125 : i32
      %while3A_127 = arith.constant 1 : i32
      %while3A_128 = arith.divsi %while3A_125, %while3A_127 : i32
      %while3A_129 = arith.muli %while3A_128, %while3A_127 : i32
      %while3A_130 = arith.addi %while3A_124, %while3A_129 : i32
      %while3A_131 = arith.constant 1 : i32
      scf.for %while3A_133 = %while3A_124 to %while3A_130 step %while3A_131  : i32 {
        %get3A_134 = arith.index_cast %while3A_133 : i32 to index
        %get3A_135 = tpu.vector_load %arg9[%get3A_134] {strides = array<i32>} : memref<96xi32, #tpu.memory_space<vmem>>, vector<16xi32>,
        %get3A_136 = vector.shape_cast %get3A_135 : vector<16xi32> to vector<16xi32>
        %slice3A_137 = vector.extract_strided_slice %get3A_136 {offsets = [0], sizes = [1], strides = [1]} : vector<16xi32> to vector<1xi32>
        %squeeze3A_138 = vector.extract %slice3A_137[0] : i32 from vector<1xi32>
        %and3A_139 = arith.constant 16383 : i32
        %and3A_140 = arith.andi %squeeze3A_138, %and3A_139 : i32
        %sub3A_141 = arith.subi %and3A_140, %mul3A_2 : i32
        %jit3A_142 = arith.constant 0 : i32
        %jit3A_143 = arith.constant 320 : i32
        %max3A_144 = arith.maxsi %jit3A_142, %sub3A_141 : i32
        %min3A_145 = arith.minsi %jit3A_143, %max3A_144 : i32
        %get3A_146 = arith.index_cast %min3A_145 : i32 to index
        %get3A_147 = arith.constant 0 : index
        %get3A_148 = tpu.vector_load %arg7[%get3A_146, %get3A_147] {strides = array<i32>} : memref<328x128xf32, #tpu.memory_space<vmem>>, vector<1x16xf32>,
        %get3A_149 = vector.shape_cast %get3A_148 : vector<1x16xf32> to vector<16xf32>
        %get3A_150 = arith.index_cast %while3A_133 : i32 to index
        %get3A_151 = arith.constant 0 : index
        %get3A_152 = tpu.vector_load %arg10[%get3A_150, %get3A_151] {strides = array<i32>} : memref<80x128xf32, #tpu.memory_space<vmem>>, vector<1x16xf32>,
        %get3A_153 = vector.shape_cast %get3A_152 : vector<1x16xf32> to vector<16xf32>
        %add3A_154 = arith.addf %get3A_149, %get3A_153 : vector<16xf32>
        %swap3A_155 = arith.index_cast %min3A_145 : i32 to index
        %swap3A_156 = arith.constant 0 : index
        %swap3A_157 = tpu.vector_load %arg7[%swap3A_155, %swap3A_156] {strides = array<i32>} : memref<328x128xf32, #tpu.memory_space<vmem>>, vector<1x16xf32>,
        %swap3A_158 = vector.shape_cast %swap3A_157 : vector<1x16xf32> to vector<16xf32>
        %swap3A_159 = vector.shape_cast %add3A_154 : vector<16xf32> to vector<1x16xf32>
        tpu.vector_store %arg7[%swap3A_155, %swap3A_156], %swap3A_159 {strides = array<i32>} : memref<328x128xf32, #tpu.memory_space<vmem>>, vector<1x16xf32>,
        %get3A_160 = arith.index_cast %min3A_145 : i32 to index
        %get3A_161 = arith.constant 16 : index
        %get3A_162 = tpu.vector_load %arg7[%get3A_160, %get3A_161] {strides = array<i32>} : memref<328x128xf32, #tpu.memory_space<vmem>>, vector<1x16xf32>,
        %get3A_163 = vector.shape_cast %get3A_162 : vector<1x16xf32> to vector<16xf32>
        %get3A_164 = arith.index_cast %while3A_133 : i32 to index
        %get3A_165 = arith.constant 16 : index
        %get3A_166 = tpu.vector_load %arg10[%get3A_164, %get3A_165] {strides = array<i32>} : memref<80x128xf32, #tpu.memory_space<vmem>>, vector<1x16xf32>,
        %get3A_167 = vector.shape_cast %get3A_166 : vector<1x16xf32> to vector<16xf32>
        %add3A_168 = arith.addf %get3A_163, %get3A_167 : vector<16xf32>
        %swap3A_169 = arith.index_cast %min3A_145 : i32 to index
        %swap3A_170 = arith.constant 16 : index
        %swap3A_171 = tpu.vector_load %arg7[%swap3A_169, %swap3A_170] {strides = array<i32>} : memref<328x128xf32, #tpu.memory_space<vmem>>, vector<1x16xf32>,
        %swap3A_172 = vector.shape_cast %swap3A_171 : vector<1x16xf32> to vector<16xf32>
        %swap3A_173 = vector.shape_cast %add3A_168 : vector<16xf32> to vector<1x16xf32>
        tpu.vector_store %arg7[%swap3A_169, %swap3A_170], %swap3A_173 {strides = array<i32>} : memref<328x128xf32, #tpu.memory_space<vmem>>, vector<1x16xf32>,
        %get3A_174 = arith.index_cast %min3A_145 : i32 to index
        %get3A_175 = arith.constant 32 : index
        %get3A_176 = tpu.vector_load %arg7[%get3A_174, %get3A_175] {strides = array<i32>} : memref<328x128xf32, #tpu.memory_space<vmem>>, vector<1x16xf32>,
        %get3A_177 = vector.shape_cast %get3A_176 : vector<1x16xf32> to vector<16xf32>
        %get3A_178 = arith.index_cast %while3A_133 : i32 to index
        %get3A_179 = arith.constant 32 : index
        %get3A_180 = tpu.vector_load %arg10[%get3A_178, %get3A_179] {strides = array<i32>} : memref<80x128xf32, #tpu.memory_space<vmem>>, vector<1x16xf32>,
        %get3A_181 = vector.shape_cast %get3A_180 : vector<1x16xf32> to vector<16xf32>
        %add3A_182 = arith.addf %get3A_177, %get3A_181 : vector<16xf32>
        %swap3A_183 = arith.index_cast %min3A_145 : i32 to index
        %swap3A_184 = arith.constant 32 : index
        %swap3A_185 = tpu.vector_load %arg7[%swap3A_183, %swap3A_184] {strides = array<i32>} : memref<328x128xf32, #tpu.memory_space<vmem>>, vector<1x16xf32>,
        %swap3A_186 = vector.shape_cast %swap3A_185 : vector<1x16xf32> to vector<16xf32>
        %swap3A_187 = vector.shape_cast %add3A_182 : vector<16xf32> to vector<1x16xf32>
        tpu.vector_store %arg7[%swap3A_183, %swap3A_184], %swap3A_187 {strides = array<i32>} : memref<328x128xf32, #tpu.memory_space<vmem>>, vector<1x16xf32>,
        %get3A_188 = arith.index_cast %min3A_145 : i32 to index
        %get3A_189 = arith.constant 48 : index
        %get3A_190 = tpu.vector_load %arg7[%get3A_188, %get3A_189] {strides = array<i32>} : memref<328x128xf32, #tpu.memory_space<vmem>>, vector<1x16xf32>,
        %get3A_191 = vector.shape_cast %get3A_190 : vector<1x16xf32> to vector<16xf32>
        %get3A_192 = arith.index_cast %while3A_133 : i32 to index
        %get3A_193 = arith.constant 48 : index
        %get3A_194 = tpu.vector_load %arg10[%get3A_192, %get3A_193] {strides = array<i32>} : memref<80x128xf32, #tpu.memory_space<vmem>>, vector<1x16xf32>,
        %get3A_195 = vector.shape_cast %get3A_194 : vector<1x16xf32> to vector<16xf32>
        %add3A_196 = arith.addf %get3A_191, %get3A_195 : vector<16xf32>
        %swap3A_197 = arith.index_cast %min3A_145 : i32 to index
        %swap3A_198 = arith.constant 48 : index
        %swap3A_199 = tpu.vector_load %arg7[%swap3A_197, %swap3A_198] {strides = array<i32>} : memref<328x128xf32, #tpu.memory_space<vmem>>, vector<1x16xf32>,
        %swap3A_200 = vector.shape_cast %swap3A_199 : vector<1x16xf32> to vector<16xf32>
        %swap3A_201 = vector.shape_cast %add3A_196 : vector<16xf32> to vector<1x16xf32>
        tpu.vector_store %arg7[%swap3A_197, %swap3A_198], %swap3A_201 {strides = array<i32>} : memref<328x128xf32, #tpu.memory_space<vmem>>, vector<1x16xf32>,
        %get3A_202 = arith.index_cast %min3A_145 : i32 to index
        %get3A_203 = arith.constant 64 : index
        %get3A_204 = tpu.vector_load %arg7[%get3A_202, %get3A_203] {strides = array<i32>} : memref<328x128xf32, #tpu.memory_space<vmem>>, vector<1x16xf32>,
        %get3A_205 = vector.shape_cast %get3A_204 : vector<1x16xf32> to vector<16xf32>
        %get3A_206 = arith.index_cast %while3A_133 : i32 to index
        %get3A_207 = arith.constant 64 : index
        %get3A_208 = tpu.vector_load %arg10[%get3A_206, %get3A_207] {strides = array<i32>} : memref<80x128xf32, #tpu.memory_space<vmem>>, vector<1x16xf32>,
        %get3A_209 = vector.shape_cast %get3A_208 : vector<1x16xf32> to vector<16xf32>
        %add3A_210 = arith.addf %get3A_205, %get3A_209 : vector<16xf32>
        %swap3A_211 = arith.index_cast %min3A_145 : i32 to index
        %swap3A_212 = arith.constant 64 : index
        %swap3A_213 = tpu.vector_load %arg7[%swap3A_211, %swap3A_212] {strides = array<i32>} : memref<328x128xf32, #tpu.memory_space<vmem>>, vector<1x16xf32>,
        %swap3A_214 = vector.shape_cast %swap3A_213 : vector<1x16xf32> to vector<16xf32>
        %swap3A_215 = vector.shape_cast %add3A_210 : vector<16xf32> to vector<1x16xf32>
        tpu.vector_store %arg7[%swap3A_211, %swap3A_212], %swap3A_215 {strides = array<i32>} : memref<328x128xf32, #tpu.memory_space<vmem>>, vector<1x16xf32>,
        %get3A_216 = arith.index_cast %min3A_145 : i32 to index
        %get3A_217 = arith.constant 80 : index
        %get3A_218 = tpu.vector_load %arg7[%get3A_216, %get3A_217] {strides = array<i32>} : memref<328x128xf32, #tpu.memory_space<vmem>>, vector<1x16xf32>,
        %get3A_219 = vector.shape_cast %get3A_218 : vector<1x16xf32> to vector<16xf32>
        %get3A_220 = arith.index_cast %while3A_133 : i32 to index
        %get3A_221 = arith.constant 80 : index
        %get3A_222 = tpu.vector_load %arg10[%get3A_220, %get3A_221] {strides = array<i32>} : memref<80x128xf32, #tpu.memory_space<vmem>>, vector<1x16xf32>,
        %get3A_223 = vector.shape_cast %get3A_222 : vector<1x16xf32> to vector<16xf32>
        %add3A_224 = arith.addf %get3A_219, %get3A_223 : vector<16xf32>
        %swap3A_225 = arith.index_cast %min3A_145 : i32 to index
        %swap3A_226 = arith.constant 80 : index
        %swap3A_227 = tpu.vector_load %arg7[%swap3A_225, %swap3A_226] {strides = array<i32>} : memref<328x128xf32, #tpu.memory_space<vmem>>, vector<1x16xf32>,
        %swap3A_228 = vector.shape_cast %swap3A_227 : vector<1x16xf32> to vector<16xf32>
        %swap3A_229 = vector.shape_cast %add3A_224 : vector<16xf32> to vector<1x16xf32>
        tpu.vector_store %arg7[%swap3A_225, %swap3A_226], %swap3A_229 {strides = array<i32>} : memref<328x128xf32, #tpu.memory_space<vmem>>, vector<1x16xf32>,
        %get3A_230 = arith.index_cast %min3A_145 : i32 to index
        %get3A_231 = arith.constant 96 : index
        %get3A_232 = tpu.vector_load %arg7[%get3A_230, %get3A_231] {strides = array<i32>} : memref<328x128xf32, #tpu.memory_space<vmem>>, vector<1x16xf32>,
        %get3A_233 = vector.shape_cast %get3A_232 : vector<1x16xf32> to vector<16xf32>
        %get3A_234 = arith.index_cast %while3A_133 : i32 to index
        %get3A_235 = arith.constant 96 : index
        %get3A_236 = tpu.vector_load %arg10[%get3A_234, %get3A_235] {strides = array<i32>} : memref<80x128xf32, #tpu.memory_space<vmem>>, vector<1x16xf32>,
        %get3A_237 = vector.shape_cast %get3A_236 : vector<1x16xf32> to vector<16xf32>
        %add3A_238 = arith.addf %get3A_233, %get3A_237 : vector<16xf32>
        %swap3A_239 = arith.index_cast %min3A_145 : i32 to index
        %swap3A_240 = arith.constant 96 : index
        %swap3A_241 = tpu.vector_load %arg7[%swap3A_239, %swap3A_240] {strides = array<i32>} : memref<328x128xf32, #tpu.memory_space<vmem>>, vector<1x16xf32>,
        %swap3A_242 = vector.shape_cast %swap3A_241 : vector<1x16xf32> to vector<16xf32>
        %swap3A_243 = vector.shape_cast %add3A_238 : vector<16xf32> to vector<1x16xf32>
        tpu.vector_store %arg7[%swap3A_239, %swap3A_240], %swap3A_243 {strides = array<i32>} : memref<328x128xf32, #tpu.memory_space<vmem>>, vector<1x16xf32>,
        %get3A_244 = arith.index_cast %min3A_145 : i32 to index
        %get3A_245 = arith.constant 112 : index
        %get3A_246 = tpu.vector_load %arg7[%get3A_244, %get3A_245] {strides = array<i32>} : memref<328x128xf32, #tpu.memory_space<vmem>>, vector<1x16xf32>,
        %get3A_247 = vector.shape_cast %get3A_246 : vector<1x16xf32> to vector<16xf32>
        %get3A_248 = arith.index_cast %while3A_133 : i32 to index
        %get3A_249 = arith.constant 112 : index
        %get3A_250 = tpu.vector_load %arg10[%get3A_248, %get3A_249] {strides = array<i32>} : memref<80x128xf32, #tpu.memory_space<vmem>>, vector<1x16xf32>,
        %get3A_251 = vector.shape_cast %get3A_250 : vector<1x16xf32> to vector<16xf32>
        %add3A_252 = arith.addf %get3A_247, %get3A_251 : vector<16xf32>
        %swap3A_253 = arith.index_cast %min3A_145 : i32 to index
        %swap3A_254 = arith.constant 112 : index
        %swap3A_255 = tpu.vector_load %arg7[%swap3A_253, %swap3A_254] {strides = array<i32>} : memref<328x128xf32, #tpu.memory_space<vmem>>, vector<1x16xf32>,
        %swap3A_256 = vector.shape_cast %swap3A_255 : vector<1x16xf32> to vector<16xf32>
        %swap3A_257 = vector.shape_cast %add3A_252 : vector<16xf32> to vector<1x16xf32>
        tpu.vector_store %arg7[%swap3A_253, %swap3A_254], %swap3A_257 {strides = array<i32>} : memref<328x128xf32, #tpu.memory_space<vmem>>, vector<1x16xf32>,
      }
      %while3A_132 = arith.constant 1 : i32
      scf.for %while3A_133 = %while3A_130 to %while3A_126 step %while3A_132  : i32 {
        %get3A_134 = arith.index_cast %while3A_133 : i32 to index
        %get3A_135 = tpu.vector_load %arg9[%get3A_134] {strides = array<i32>} : memref<96xi32, #tpu.memory_space<vmem>>, vector<16xi32>,
        %get3A_136 = vector.shape_cast %get3A_135 : vector<16xi32> to vector<16xi32>
        %slice3A_137 = vector.extract_strided_slice %get3A_136 {offsets = [0], sizes = [1], strides = [1]} : vector<16xi32> to vector<1xi32>
        %squeeze3A_138 = vector.extract %slice3A_137[0] : i32 from vector<1xi32>
        %and3A_139 = arith.constant 16383 : i32
        %and3A_140 = arith.andi %squeeze3A_138, %and3A_139 : i32
        %sub3A_141 = arith.subi %and3A_140, %mul3A_2 : i32
        %jit3A_142 = arith.constant 0 : i32
        %jit3A_143 = arith.constant 320 : i32
        %max3A_144 = arith.maxsi %jit3A_142, %sub3A_141 : i32
        %min3A_145 = arith.minsi %jit3A_143, %max3A_144 : i32
        %get3A_146 = arith.index_cast %min3A_145 : i32 to index
        %get3A_147 = arith.constant 0 : index
        %get3A_148 = tpu.vector_load %arg7[%get3A_146, %get3A_147] {strides = array<i32>} : memref<328x128xf32, #tpu.memory_space<vmem>>, vector<1x16xf32>,
        %get3A_149 = vector.shape_cast %get3A_148 : vector<1x16xf32> to vector<16xf32>
        %get3A_150 = arith.index_cast %while3A_133 : i32 to index
        %get3A_151 = arith.constant 0 : index
        %get3A_152 = tpu.vector_load %arg10[%get3A_150, %get3A_151] {strides = array<i32>} : memref<80x128xf32, #tpu.memory_space<vmem>>, vector<1x16xf32>,
        %get3A_153 = vector.shape_cast %get3A_152 : vector<1x16xf32> to vector<16xf32>
        %add3A_154 = arith.addf %get3A_149, %get3A_153 : vector<16xf32>
        %swap3A_155 = arith.index_cast %min3A_145 : i32 to index
        %swap3A_156 = arith.constant 0 : index
        %swap3A_157 = tpu.vector_load %arg7[%swap3A_155, %swap3A_156] {strides = array<i32>} : memref<328x128xf32, #tpu.memory_space<vmem>>, vector<1x16xf32>,
        %swap3A_158 = vector.shape_cast %swap3A_157 : vector<1x16xf32> to vector<16xf32>
        %swap3A_159 = vector.shape_cast %add3A_154 : vector<16xf32> to vector<1x16xf32>
        tpu.vector_store %arg7[%swap3A_155, %swap3A_156], %swap3A_159 {strides = array<i32>} : memref<328x128xf32, #tpu.memory_space<vmem>>, vector<1x16xf32>,
        %get3A_160 = arith.index_cast %min3A_145 : i32 to index
        %get3A_161 = arith.constant 16 : index
        %get3A_162 = tpu.vector_load %arg7[%get3A_160, %get3A_161] {strides = array<i32>} : memref<328x128xf32, #tpu.memory_space<vmem>>, vector<1x16xf32>,
        %get3A_163 = vector.shape_cast %get3A_162 : vector<1x16xf32> to vector<16xf32>
        %get3A_164 = arith.index_cast %while3A_133 : i32 to index
        %get3A_165 = arith.constant 16 : index
        %get3A_166 = tpu.vector_load %arg10[%get3A_164, %get3A_165] {strides = array<i32>} : memref<80x128xf32, #tpu.memory_space<vmem>>, vector<1x16xf32>,
        %get3A_167 = vector.shape_cast %get3A_166 : vector<1x16xf32> to vector<16xf32>
        %add3A_168 = arith.addf %get3A_163, %get3A_167 : vector<16xf32>
        %swap3A_169 = arith.index_cast %min3A_145 : i32 to index
        %swap3A_170 = arith.constant 16 : index
        %swap3A_171 = tpu.vector_load %arg7[%swap3A_169, %swap3A_170] {strides = array<i32>} : memref<328x128xf32, #tpu.memory_space<vmem>>, vector<1x16xf32>,
        %swap3A_172 = vector.shape_cast %swap3A_171 : vector<1x16xf32> to vector<16xf32>
        %swap3A_173 = vector.shape_cast %add3A_168 : vector<16xf32> to vector<1x16xf32>
        tpu.vector_store %arg7[%swap3A_169, %swap3A_170], %swap3A_173 {strides = array<i32>} : memref<328x128xf32, #tpu.memory_space<vmem>>, vector<1x16xf32>,
        %get3A_174 = arith.index_cast %min3A_145 : i32 to index
        %get3A_175 = arith.constant 32 : index
        %get3A_176 = tpu.vector_load %arg7[%get3A_174, %get3A_175] {strides = array<i32>} : memref<328x128xf32, #tpu.memory_space<vmem>>, vector<1x16xf32>,
        %get3A_177 = vector.shape_cast %get3A_176 : vector<1x16xf32> to vector<16xf32>
        %get3A_178 = arith.index_cast %while3A_133 : i32 to index
        %get3A_179 = arith.constant 32 : index
        %get3A_180 = tpu.vector_load %arg10[%get3A_178, %get3A_179] {strides = array<i32>} : memref<80x128xf32, #tpu.memory_space<vmem>>, vector<1x16xf32>,
        %get3A_181 = vector.shape_cast %get3A_180 : vector<1x16xf32> to vector<16xf32>
        %add3A_182 = arith.addf %get3A_177, %get3A_181 : vector<16xf32>
        %swap3A_183 = arith.index_cast %min3A_145 : i32 to index
        %swap3A_184 = arith.constant 32 : index
        %swap3A_185 = tpu.vector_load %arg7[%swap3A_183, %swap3A_184] {strides = array<i32>} : memref<328x128xf32, #tpu.memory_space<vmem>>, vector<1x16xf32>,
        %swap3A_186 = vector.shape_cast %swap3A_185 : vector<1x16xf32> to vector<16xf32>
        %swap3A_187 = vector.shape_cast %add3A_182 : vector<16xf32> to vector<1x16xf32>
        tpu.vector_store %arg7[%swap3A_183, %swap3A_184], %swap3A_187 {strides = array<i32>} : memref<328x128xf32, #tpu.memory_space<vmem>>, vector<1x16xf32>,
        %get3A_188 = arith.index_cast %min3A_145 : i32 to index
        %get3A_189 = arith.constant 48 : index
        %get3A_190 = tpu.vector_load %arg7[%get3A_188, %get3A_189] {strides = array<i32>} : memref<328x128xf32, #tpu.memory_space<vmem>>, vector<1x16xf32>,
        %get3A_191 = vector.shape_cast %get3A_190 : vector<1x16xf32> to vector<16xf32>
        %get3A_192 = arith.index_cast %while3A_133 : i32 to index
        %get3A_193 = arith.constant 48 : index
        %get3A_194 = tpu.vector_load %arg10[%get3A_192, %get3A_193] {strides = array<i32>} : memref<80x128xf32, #tpu.memory_space<vmem>>, vector<1x16xf32>,
        %get3A_195 = vector.shape_cast %get3A_194 : vector<1x16xf32> to vector<16xf32>
        %add3A_196 = arith.addf %get3A_191, %get3A_195 : vector<16xf32>
        %swap3A_197 = arith.index_cast %min3A_145 : i32 to index
        %swap3A_198 = arith.constant 48 : index
        %swap3A_199 = tpu.vector_load %arg7[%swap3A_197, %swap3A_198] {strides = array<i32>} : memref<328x128xf32, #tpu.memory_space<vmem>>, vector<1x16xf32>,
        %swap3A_200 = vector.shape_cast %swap3A_199 : vector<1x16xf32> to vector<16xf32>
        %swap3A_201 = vector.shape_cast %add3A_196 : vector<16xf32> to vector<1x16xf32>
        tpu.vector_store %arg7[%swap3A_197, %swap3A_198], %swap3A_201 {strides = array<i32>} : memref<328x128xf32, #tpu.memory_space<vmem>>, vector<1x16xf32>,
        %get3A_202 = arith.index_cast %min3A_145 : i32 to index
        %get3A_203 = arith.constant 64 : index
        %get3A_204 = tpu.vector_load %arg7[%get3A_202, %get3A_203] {strides = array<i32>} : memref<328x128xf32, #tpu.memory_space<vmem>>, vector<1x16xf32>,
        %get3A_205 = vector.shape_cast %get3A_204 : vector<1x16xf32> to vector<16xf32>
        %get3A_206 = arith.index_cast %while3A_133 : i32 to index
        %get3A_207 = arith.constant 64 : index
        %get3A_208 = tpu.vector_load %arg10[%get3A_206, %get3A_207] {strides = array<i32>} : memref<80x128xf32, #tpu.memory_space<vmem>>, vector<1x16xf32>,
        %get3A_209 = vector.shape_cast %get3A_208 : vector<1x16xf32> to vector<16xf32>
        %add3A_210 = arith.addf %get3A_205, %get3A_209 : vector<16xf32>
        %swap3A_211 = arith.index_cast %min3A_145 : i32 to index
        %swap3A_212 = arith.constant 64 : index
        %swap3A_213 = tpu.vector_load %arg7[%swap3A_211, %swap3A_212] {strides = array<i32>} : memref<328x128xf32, #tpu.memory_space<vmem>>, vector<1x16xf32>,
        %swap3A_214 = vector.shape_cast %swap3A_213 : vector<1x16xf32> to vector<16xf32>
        %swap3A_215 = vector.shape_cast %add3A_210 : vector<16xf32> to vector<1x16xf32>
        tpu.vector_store %arg7[%swap3A_211, %swap3A_212], %swap3A_215 {strides = array<i32>} : memref<328x128xf32, #tpu.memory_space<vmem>>, vector<1x16xf32>,
        %get3A_216 = arith.index_cast %min3A_145 : i32 to index
        %get3A_217 = arith.constant 80 : index
        %get3A_218 = tpu.vector_load %arg7[%get3A_216, %get3A_217] {strides = array<i32>} : memref<328x128xf32, #tpu.memory_space<vmem>>, vector<1x16xf32>,
        %get3A_219 = vector.shape_cast %get3A_218 : vector<1x16xf32> to vector<16xf32>
        %get3A_220 = arith.index_cast %while3A_133 : i32 to index
        %get3A_221 = arith.constant 80 : index
        %get3A_222 = tpu.vector_load %arg10[%get3A_220, %get3A_221] {strides = array<i32>} : memref<80x128xf32, #tpu.memory_space<vmem>>, vector<1x16xf32>,
        %get3A_223 = vector.shape_cast %get3A_222 : vector<1x16xf32> to vector<16xf32>
        %add3A_224 = arith.addf %get3A_219, %get3A_223 : vector<16xf32>
        %swap3A_225 = arith.index_cast %min3A_145 : i32 to index
        %swap3A_226 = arith.constant 80 : index
        %swap3A_227 = tpu.vector_load %arg7[%swap3A_225, %swap3A_226] {strides = array<i32>} : memref<328x128xf32, #tpu.memory_space<vmem>>, vector<1x16xf32>,
        %swap3A_228 = vector.shape_cast %swap3A_227 : vector<1x16xf32> to vector<16xf32>
        %swap3A_229 = vector.shape_cast %add3A_224 : vector<16xf32> to vector<1x16xf32>
        tpu.vector_store %arg7[%swap3A_225, %swap3A_226], %swap3A_229 {strides = array<i32>} : memref<328x128xf32, #tpu.memory_space<vmem>>, vector<1x16xf32>,
        %get3A_230 = arith.index_cast %min3A_145 : i32 to index
        %get3A_231 = arith.constant 96 : index
        %get3A_232 = tpu.vector_load %arg7[%get3A_230, %get3A_231] {strides = array<i32>} : memref<328x128xf32, #tpu.memory_space<vmem>>, vector<1x16xf32>,
        %get3A_233 = vector.shape_cast %get3A_232 : vector<1x16xf32> to vector<16xf32>
        %get3A_234 = arith.index_cast %while3A_133 : i32 to index
        %get3A_235 = arith.constant 96 : index
        %get3A_236 = tpu.vector_load %arg10[%get3A_234, %get3A_235] {strides = array<i32>} : memref<80x128xf32, #tpu.memory_space<vmem>>, vector<1x16xf32>,
        %get3A_237 = vector.shape_cast %get3A_236 : vector<1x16xf32> to vector<16xf32>
        %add3A_238 = arith.addf %get3A_233, %get3A_237 : vector<16xf32>
        %swap3A_239 = arith.index_cast %min3A_145 : i32 to index
        %swap3A_240 = arith.constant 96 : index
        %swap3A_241 = tpu.vector_load %arg7[%swap3A_239, %swap3A_240] {strides = array<i32>} : memref<328x128xf32, #tpu.memory_space<vmem>>, vector<1x16xf32>,
        %swap3A_242 = vector.shape_cast %swap3A_241 : vector<1x16xf32> to vector<16xf32>
        %swap3A_243 = vector.shape_cast %add3A_238 : vector<16xf32> to vector<1x16xf32>
        tpu.vector_store %arg7[%swap3A_239, %swap3A_240], %swap3A_243 {strides = array<i32>} : memref<328x128xf32, #tpu.memory_space<vmem>>, vector<1x16xf32>,
        %get3A_244 = arith.index_cast %min3A_145 : i32 to index
        %get3A_245 = arith.constant 112 : index
        %get3A_246 = tpu.vector_load %arg7[%get3A_244, %get3A_245] {strides = array<i32>} : memref<328x128xf32, #tpu.memory_space<vmem>>, vector<1x16xf32>,
        %get3A_247 = vector.shape_cast %get3A_246 : vector<1x16xf32> to vector<16xf32>
        %get3A_248 = arith.index_cast %while3A_133 : i32 to index
        %get3A_249 = arith.constant 112 : index
        %get3A_250 = tpu.vector_load %arg10[%get3A_248, %get3A_249] {strides = array<i32>} : memref<80x128xf32, #tpu.memory_space<vmem>>, vector<1x16xf32>,
        %get3A_251 = vector.shape_cast %get3A_250 : vector<1x16xf32> to vector<16xf32>
        %add3A_252 = arith.addf %get3A_247, %get3A_251 : vector<16xf32>
        %swap3A_253 = arith.index_cast %min3A_145 : i32 to index
        %swap3A_254 = arith.constant 112 : index
        %swap3A_255 = tpu.vector_load %arg7[%swap3A_253, %swap3A_254] {strides = array<i32>} : memref<328x128xf32, #tpu.memory_space<vmem>>, vector<1x16xf32>,
        %swap3A_256 = vector.shape_cast %swap3A_255 : vector<1x16xf32> to vector<16xf32>
        %swap3A_257 = vector.shape_cast %add3A_252 : vector<16xf32> to vector<1x16xf32>
        tpu.vector_store %arg7[%swap3A_253, %swap3A_254], %swap3A_257 {strides = array<i32>} : memref<328x128xf32, #tpu.memory_space<vmem>>, vector<1x16xf32>,
      }
    }
    %while3A_33 = arith.constant 1 : i32
    scf.for %while3A_34 = %while3A_31 to %while3A_27 step %while3A_33  : i32 {
      %mul3A_35 = arith.constant 80 : i32
      %mul3A_36 = arith.muli %while3A_34, %mul3A_35 : i32
      %add3A_37 = arith.addi %mul3A_4, %mul3A_36 : i32
      "tpu.region"() ({
        %run_scoped3A = tpu.sem_alloc : memref<!tpu.dma_semaphore, #tpu.memory_space<semaphore_mem>>
        %dma_start3A_133 = arith.constant 0 : i32
        %dma_start3A_134 = tpu.memref_slice %arg9[%dma_start3A_133] : memref<96xi32, #tpu.memory_space<vmem>> -> memref<80xi32, #tpu.memory_space<vmem>>
        %dma_start3A_135 = tpu.memref_slice %arg3[%add3A_37] : memref<10240000xi32, #tpu.memory_space<hbm>> -> memref<80xi32, #tpu.memory_space<hbm>>
        %dma_start3A_136 = arith.constant 0 : i32
        %dma_start3A_137 = tpu.memref_slice %arg9[%dma_start3A_136] : memref<96xi32, #tpu.memory_space<vmem>> -> memref<80xi32, #tpu.memory_space<vmem>>
        %dma_start3A_138 = tpu.memref_slice %arg3[%add3A_37] : memref<10240000xi32, #tpu.memory_space<hbm>> -> memref<80xi32, #tpu.memory_space<hbm>>
        tpu.enqueue_dma source(%dma_start3A_138 : memref<80xi32, #tpu.memory_space<hbm>>) target(%dma_start3A_137 : memref<80xi32, #tpu.memory_space<vmem>>) target_semaphore(%run_scoped3A : memref<!tpu.dma_semaphore, #tpu.memory_space<semaphore_mem>>)
        %dma_wait3A_139 = arith.constant 0 : i32
        %dma_wait3A_140 = tpu.memref_slice %arg9[%dma_wait3A_139] : memref<96xi32, #tpu.memory_space<vmem>> -> memref<80xi32, #tpu.memory_space<vmem>>
        %dma_wait3A_141 = tpu.memref_slice %arg3[%add3A_37] : memref<10240000xi32, #tpu.memory_space<hbm>> -> memref<80xi32, #tpu.memory_space<hbm>>
        %dma_wait3A_142 = arith.constant 0 : i32
        %dma_wait3A_143 = tpu.memref_slice %arg9[%dma_wait3A_142] : memref<96xi32, #tpu.memory_space<vmem>> -> memref<80xi32, #tpu.memory_space<vmem>>
        %dma_wait3A_144 = tpu.memref_slice %arg3[%add3A_37] : memref<10240000xi32, #tpu.memory_space<hbm>> -> memref<80xi32, #tpu.memory_space<hbm>>
        tpu.wait_dma2 semaphore(%run_scoped3A : memref<!tpu.dma_semaphore, #tpu.memory_space<semaphore_mem>>) src(%dma_wait3A_144 : memref<80xi32, #tpu.memory_space<hbm>>) dst(%dma_wait3A_143 : memref<80xi32, #tpu.memory_space<vmem>>)
        tpu.yield
      }) : () -> ()
      %get3A_38 = arith.constant 0 : index
      %get3A_39 = tpu.vector_load %arg9[%get3A_38] {strides = array<i32>} : memref<96xi32, #tpu.memory_space<vmem>>, vector<16xi32>,
      %get3A_40 = vector.shape_cast %get3A_39 : vector<16xi32> to vector<16xi32>
      %shift_right_arithmetic3A = arith.constant 14 : i32
      %shift_right_arithmetic3A_41 = vector.broadcast %shift_right_arithmetic3A : i32 to vector<16xi32>
      %shift_right_arithmetic3A_42 = arith.shrsi %get3A_40, %shift_right_arithmetic3A_41 : vector<16xi32>
      %jit3A_43 = arith.constant 0 : i32
      %jit3A_44 = arith.constant 10239 : i32
      %max3A = vector.broadcast %jit3A_43 : i32 to vector<16xi32>
      %max3A_45 = arith.maxsi %max3A, %shift_right_arithmetic3A_42 : vector<16xi32>
      %min3A = vector.broadcast %jit3A_44 : i32 to vector<16xi32>
      %min3A_46 = arith.minsi %min3A, %max3A_45 : vector<16xi32>
      %swap3A = arith.constant 0 : index
      %swap3A_47 = tpu.vector_load %arg8[%swap3A] {strides = array<i32>} : memref<80xi32, #tpu.memory_space<vmem>>, vector<16xi32>,
      %swap3A_48 = vector.shape_cast %swap3A_47 : vector<16xi32> to vector<16xi32>
      %swap3A_49 = vector.shape_cast %min3A_46 : vector<16xi32> to vector<16xi32>
      tpu.vector_store %arg8[%swap3A], %swap3A_49 {strides = array<i32>} : memref<80xi32, #tpu.memory_space<vmem>>, vector<16xi32>,
      %get3A_50 = arith.constant 16 : index
      %get3A_51 = tpu.vector_load %arg9[%get3A_50] {strides = array<i32>} : memref<96xi32, #tpu.memory_space<vmem>>, vector<16xi32>,
      %get3A_52 = vector.shape_cast %get3A_51 : vector<16xi32> to vector<16xi32>
      %shift_right_arithmetic3A_53 = arith.constant 14 : i32
      %shift_right_arithmetic3A_54 = vector.broadcast %shift_right_arithmetic3A_53 : i32 to vector<16xi32>
      %shift_right_arithmetic3A_55 = arith.shrsi %get3A_52, %shift_right_arithmetic3A_54 : vector<16xi32>
      %jit3A_56 = arith.constant 0 : i32
      %jit3A_57 = arith.constant 10239 : i32
      %max3A_58 = vector.broadcast %jit3A_56 : i32 to vector<16xi32>
      %max3A_59 = arith.maxsi %max3A_58, %shift_right_arithmetic3A_55 : vector<16xi32>
      %min3A_60 = vector.broadcast %jit3A_57 : i32 to vector<16xi32>
      %min3A_61 = arith.minsi %min3A_60, %max3A_59 : vector<16xi32>
      %swap3A_62 = arith.constant 16 : index
      %swap3A_63 = tpu.vector_load %arg8[%swap3A_62] {strides = array<i32>} : memref<80xi32, #tpu.memory_space<vmem>>, vector<16xi32>,
      %swap3A_64 = vector.shape_cast %swap3A_63 : vector<16xi32> to vector<16xi32>
      %swap3A_65 = vector.shape_cast %min3A_61 : vector<16xi32> to vector<16xi32>
      tpu.vector_store %arg8[%swap3A_62], %swap3A_65 {strides = array<i32>} : memref<80xi32, #tpu.memory_space<vmem>>, vector<16xi32>,
      %get3A_66 = arith.constant 32 : index
      %get3A_67 = tpu.vector_load %arg9[%get3A_66] {strides = array<i32>} : memref<96xi32, #tpu.memory_space<vmem>>, vector<16xi32>,
      %get3A_68 = vector.shape_cast %get3A_67 : vector<16xi32> to vector<16xi32>
      %shift_right_arithmetic3A_69 = arith.constant 14 : i32
      %shift_right_arithmetic3A_70 = vector.broadcast %shift_right_arithmetic3A_69 : i32 to vector<16xi32>
      %shift_right_arithmetic3A_71 = arith.shrsi %get3A_68, %shift_right_arithmetic3A_70 : vector<16xi32>
      %jit3A_72 = arith.constant 0 : i32
      %jit3A_73 = arith.constant 10239 : i32
      %max3A_74 = vector.broadcast %jit3A_72 : i32 to vector<16xi32>
      %max3A_75 = arith.maxsi %max3A_74, %shift_right_arithmetic3A_71 : vector<16xi32>
      %min3A_76 = vector.broadcast %jit3A_73 : i32 to vector<16xi32>
      %min3A_77 = arith.minsi %min3A_76, %max3A_75 : vector<16xi32>
      %swap3A_78 = arith.constant 32 : index
      %swap3A_79 = tpu.vector_load %arg8[%swap3A_78] {strides = array<i32>} : memref<80xi32, #tpu.memory_space<vmem>>, vector<16xi32>,
      %swap3A_80 = vector.shape_cast %swap3A_79 : vector<16xi32> to vector<16xi32>
      %swap3A_81 = vector.shape_cast %min3A_77 : vector<16xi32> to vector<16xi32>
      tpu.vector_store %arg8[%swap3A_78], %swap3A_81 {strides = array<i32>} : memref<80xi32, #tpu.memory_space<vmem>>, vector<16xi32>,
      %get3A_82 = arith.constant 48 : index
      %get3A_83 = tpu.vector_load %arg9[%get3A_82] {strides = array<i32>} : memref<96xi32, #tpu.memory_space<vmem>>, vector<16xi32>,
      %get3A_84 = vector.shape_cast %get3A_83 : vector<16xi32> to vector<16xi32>
      %shift_right_arithmetic3A_85 = arith.constant 14 : i32
      %shift_right_arithmetic3A_86 = vector.broadcast %shift_right_arithmetic3A_85 : i32 to vector<16xi32>
      %shift_right_arithmetic3A_87 = arith.shrsi %get3A_84, %shift_right_arithmetic3A_86 : vector<16xi32>
      %jit3A_88 = arith.constant 0 : i32
      %jit3A_89 = arith.constant 10239 : i32
      %max3A_90 = vector.broadcast %jit3A_88 : i32 to vector<16xi32>
      %max3A_91 = arith.maxsi %max3A_90, %shift_right_arithmetic3A_87 : vector<16xi32>
      %min3A_92 = vector.broadcast %jit3A_89 : i32 to vector<16xi32>
      %min3A_93 = arith.minsi %min3A_92, %max3A_91 : vector<16xi32>
      %swap3A_94 = arith.constant 48 : index
      %swap3A_95 = tpu.vector_load %arg8[%swap3A_94] {strides = array<i32>} : memref<80xi32, #tpu.memory_space<vmem>>, vector<16xi32>,
      %swap3A_96 = vector.shape_cast %swap3A_95 : vector<16xi32> to vector<16xi32>
      %swap3A_97 = vector.shape_cast %min3A_93 : vector<16xi32> to vector<16xi32>
      tpu.vector_store %arg8[%swap3A_94], %swap3A_97 {strides = array<i32>} : memref<80xi32, #tpu.memory_space<vmem>>, vector<16xi32>,
      %get3A_98 = arith.constant 64 : index
      %get3A_99 = tpu.vector_load %arg9[%get3A_98] {strides = array<i32>} : memref<96xi32, #tpu.memory_space<vmem>>, vector<16xi32>,
      %get3A_100 = vector.shape_cast %get3A_99 : vector<16xi32> to vector<16xi32>
      %shift_right_arithmetic3A_101 = arith.constant 14 : i32
      %shift_right_arithmetic3A_102 = vector.broadcast %shift_right_arithmetic3A_101 : i32 to vector<16xi32>
      %shift_right_arithmetic3A_103 = arith.shrsi %get3A_100, %shift_right_arithmetic3A_102 : vector<16xi32>
      %jit3A_104 = arith.constant 0 : i32
      %jit3A_105 = arith.constant 10239 : i32
      %max3A_106 = vector.broadcast %jit3A_104 : i32 to vector<16xi32>
      %max3A_107 = arith.maxsi %max3A_106, %shift_right_arithmetic3A_103 : vector<16xi32>
      %min3A_108 = vector.broadcast %jit3A_105 : i32 to vector<16xi32>
      %min3A_109 = arith.minsi %min3A_108, %max3A_107 : vector<16xi32>
      %swap3A_110 = arith.constant 64 : index
      %swap3A_111 = tpu.vector_load %arg8[%swap3A_110] {strides = array<i32>} : memref<80xi32, #tpu.memory_space<vmem>>, vector<16xi32>,
      %swap3A_112 = vector.shape_cast %swap3A_111 : vector<16xi32> to vector<16xi32>
      %swap3A_113 = vector.shape_cast %min3A_109 : vector<16xi32> to vector<16xi32>
      tpu.vector_store %arg8[%swap3A_110], %swap3A_113 {strides = array<i32>} : memref<80xi32, #tpu.memory_space<vmem>>, vector<16xi32>,
      %dma_start3A = arith.constant 0 : i32
      %dma_start3A_114 = arith.constant 0 : i32
      %dma_start3A_115 = tpu.memref_slice %arg2[%dma_start3A, %dma_start3A_114] : memref<10240x128xf32, #tpu.memory_space<hbm>> -> memref<10240x128xf32, #tpu.memory_space<hbm>>
      tpu.enqueue_indirect_dma source(%dma_start3A_115 : memref<10240x128xf32, #tpu.memory_space<hbm>>) target(%arg10 : memref<80x128xf32, #tpu.memory_space<vmem>>) offsets(%arg8 : memref<80xi32, #tpu.memory_space<vmem>>) semaphore(%arg12 : memref<!tpu.dma_semaphore, #tpu.memory_space<semaphore_mem>>)
      %dma_wait3A = arith.constant 0 : i32
      %dma_wait3A_116 = arith.constant 0 : i32
      %dma_wait3A_117 = tpu.memref_slice %arg2[%dma_wait3A, %dma_wait3A_116] : memref<10240x128xf32, #tpu.memory_space<hbm>> -> memref<10240x128xf32, #tpu.memory_space<hbm>>
      tpu.wait_indirect_dma semaphore(%arg12 : memref<!tpu.dma_semaphore, #tpu.memory_space<semaphore_mem>>) src(%dma_wait3A_117 : memref<10240x128xf32, #tpu.memory_space<hbm>>) dst(%arg10 : memref<80x128xf32, #tpu.memory_space<vmem>>)
      %mul3A_118 = arith.constant 80 : i32
      %mul3A_119 = arith.muli %while3A_34, %mul3A_118 : i32
      %sub3A_120 = arith.subi %squeeze3A, %mul3A_119 : i32
      %min3A_121 = arith.constant 80 : i32
      %min3A_122 = arith.minsi %sub3A_120, %min3A_121 : i32
      %while3A_123 = arith.constant 0 : i32
      %while3A_124 = arith.constant 0 : i32
      %while3A_125 = arith.subi %min3A_122, %while3A_124 : i32
      %while3A_126 = arith.addi %while3A_124, %while3A_125 : i32
      %while3A_127 = arith.constant 1 : i32
      %while3A_128 = arith.divsi %while3A_125, %while3A_127 : i32
      %while3A_129 = arith.muli %while3A_128, %while3A_127 : i32
      %while3A_130 = arith.addi %while3A_124, %while3A_129 : i32
      %while3A_131 = arith.constant 1 : i32
      scf.for %while3A_133 = %while3A_124 to %while3A_130 step %while3A_131  : i32 {
        %get3A_134 = arith.index_cast %while3A_133 : i32 to index
        %get3A_135 = tpu.vector_load %arg9[%get3A_134] {strides = array<i32>} : memref<96xi32, #tpu.memory_space<vmem>>, vector<16xi32>,
        %get3A_136 = vector.shape_cast %get3A_135 : vector<16xi32> to vector<16xi32>
        %slice3A_137 = vector.extract_strided_slice %get3A_136 {offsets = [0], sizes = [1], strides = [1]} : vector<16xi32> to vector<1xi32>
        %squeeze3A_138 = vector.extract %slice3A_137[0] : i32 from vector<1xi32>
        %and3A_139 = arith.constant 16383 : i32
        %and3A_140 = arith.andi %squeeze3A_138, %and3A_139 : i32
        %sub3A_141 = arith.subi %and3A_140, %mul3A_2 : i32
        %jit3A_142 = arith.constant 0 : i32
        %jit3A_143 = arith.constant 320 : i32
        %max3A_144 = arith.maxsi %jit3A_142, %sub3A_141 : i32
        %min3A_145 = arith.minsi %jit3A_143, %max3A_144 : i32
        %get3A_146 = arith.index_cast %min3A_145 : i32 to index
        %get3A_147 = arith.constant 0 : index
        %get3A_148 = tpu.vector_load %arg7[%get3A_146, %get3A_147] {strides = array<i32>} : memref<328x128xf32, #tpu.memory_space<vmem>>, vector<1x16xf32>,
        %get3A_149 = vector.shape_cast %get3A_148 : vector<1x16xf32> to vector<16xf32>
        %get3A_150 = arith.index_cast %while3A_133 : i32 to index
        %get3A_151 = arith.constant 0 : index
        %get3A_152 = tpu.vector_load %arg10[%get3A_150, %get3A_151] {strides = array<i32>} : memref<80x128xf32, #tpu.memory_space<vmem>>, vector<1x16xf32>,
        %get3A_153 = vector.shape_cast %get3A_152 : vector<1x16xf32> to vector<16xf32>
        %add3A_154 = arith.addf %get3A_149, %get3A_153 : vector<16xf32>
        %swap3A_155 = arith.index_cast %min3A_145 : i32 to index
        %swap3A_156 = arith.constant 0 : index
        %swap3A_157 = tpu.vector_load %arg7[%swap3A_155, %swap3A_156] {strides = array<i32>} : memref<328x128xf32, #tpu.memory_space<vmem>>, vector<1x16xf32>,
        %swap3A_158 = vector.shape_cast %swap3A_157 : vector<1x16xf32> to vector<16xf32>
        %swap3A_159 = vector.shape_cast %add3A_154 : vector<16xf32> to vector<1x16xf32>
        tpu.vector_store %arg7[%swap3A_155, %swap3A_156], %swap3A_159 {strides = array<i32>} : memref<328x128xf32, #tpu.memory_space<vmem>>, vector<1x16xf32>,
        %get3A_160 = arith.index_cast %min3A_145 : i32 to index
        %get3A_161 = arith.constant 16 : index
        %get3A_162 = tpu.vector_load %arg7[%get3A_160, %get3A_161] {strides = array<i32>} : memref<328x128xf32, #tpu.memory_space<vmem>>, vector<1x16xf32>,
        %get3A_163 = vector.shape_cast %get3A_162 : vector<1x16xf32> to vector<16xf32>
        %get3A_164 = arith.index_cast %while3A_133 : i32 to index
        %get3A_165 = arith.constant 16 : index
        %get3A_166 = tpu.vector_load %arg10[%get3A_164, %get3A_165] {strides = array<i32>} : memref<80x128xf32, #tpu.memory_space<vmem>>, vector<1x16xf32>,
        %get3A_167 = vector.shape_cast %get3A_166 : vector<1x16xf32> to vector<16xf32>
        %add3A_168 = arith.addf %get3A_163, %get3A_167 : vector<16xf32>
        %swap3A_169 = arith.index_cast %min3A_145 : i32 to index
        %swap3A_170 = arith.constant 16 : index
        %swap3A_171 = tpu.vector_load %arg7[%swap3A_169, %swap3A_170] {strides = array<i32>} : memref<328x128xf32, #tpu.memory_space<vmem>>, vector<1x16xf32>,
        %swap3A_172 = vector.shape_cast %swap3A_171 : vector<1x16xf32> to vector<16xf32>
        %swap3A_173 = vector.shape_cast %add3A_168 : vector<16xf32> to vector<1x16xf32>
        tpu.vector_store %arg7[%swap3A_169, %swap3A_170], %swap3A_173 {strides = array<i32>} : memref<328x128xf32, #tpu.memory_space<vmem>>, vector<1x16xf32>,
        %get3A_174 = arith.index_cast %min3A_145 : i32 to index
        %get3A_175 = arith.constant 32 : index
        %get3A_176 = tpu.vector_load %arg7[%get3A_174, %get3A_175] {strides = array<i32>} : memref<328x128xf32, #tpu.memory_space<vmem>>, vector<1x16xf32>,
        %get3A_177 = vector.shape_cast %get3A_176 : vector<1x16xf32> to vector<16xf32>
        %get3A_178 = arith.index_cast %while3A_133 : i32 to index
        %get3A_179 = arith.constant 32 : index
        %get3A_180 = tpu.vector_load %arg10[%get3A_178, %get3A_179] {strides = array<i32>} : memref<80x128xf32, #tpu.memory_space<vmem>>, vector<1x16xf32>,
        %get3A_181 = vector.shape_cast %get3A_180 : vector<1x16xf32> to vector<16xf32>
        %add3A_182 = arith.addf %get3A_177, %get3A_181 : vector<16xf32>
        %swap3A_183 = arith.index_cast %min3A_145 : i32 to index
        %swap3A_184 = arith.constant 32 : index
        %swap3A_185 = tpu.vector_load %arg7[%swap3A_183, %swap3A_184] {strides = array<i32>} : memref<328x128xf32, #tpu.memory_space<vmem>>, vector<1x16xf32>,
        %swap3A_186 = vector.shape_cast %swap3A_185 : vector<1x16xf32> to vector<16xf32>
        %swap3A_187 = vector.shape_cast %add3A_182 : vector<16xf32> to vector<1x16xf32>
        tpu.vector_store %arg7[%swap3A_183, %swap3A_184], %swap3A_187 {strides = array<i32>} : memref<328x128xf32, #tpu.memory_space<vmem>>, vector<1x16xf32>,
        %get3A_188 = arith.index_cast %min3A_145 : i32 to index
        %get3A_189 = arith.constant 48 : index
        %get3A_190 = tpu.vector_load %arg7[%get3A_188, %get3A_189] {strides = array<i32>} : memref<328x128xf32, #tpu.memory_space<vmem>>, vector<1x16xf32>,
        %get3A_191 = vector.shape_cast %get3A_190 : vector<1x16xf32> to vector<16xf32>
        %get3A_192 = arith.index_cast %while3A_133 : i32 to index
        %get3A_193 = arith.constant 48 : index
        %get3A_194 = tpu.vector_load %arg10[%get3A_192, %get3A_193] {strides = array<i32>} : memref<80x128xf32, #tpu.memory_space<vmem>>, vector<1x16xf32>,
        %get3A_195 = vector.shape_cast %get3A_194 : vector<1x16xf32> to vector<16xf32>
        %add3A_196 = arith.addf %get3A_191, %get3A_195 : vector<16xf32>
        %swap3A_197 = arith.index_cast %min3A_145 : i32 to index
        %swap3A_198 = arith.constant 48 : index
        %swap3A_199 = tpu.vector_load %arg7[%swap3A_197, %swap3A_198] {strides = array<i32>} : memref<328x128xf32, #tpu.memory_space<vmem>>, vector<1x16xf32>,
        %swap3A_200 = vector.shape_cast %swap3A_199 : vector<1x16xf32> to vector<16xf32>
        %swap3A_201 = vector.shape_cast %add3A_196 : vector<16xf32> to vector<1x16xf32>
        tpu.vector_store %arg7[%swap3A_197, %swap3A_198], %swap3A_201 {strides = array<i32>} : memref<328x128xf32, #tpu.memory_space<vmem>>, vector<1x16xf32>,
        %get3A_202 = arith.index_cast %min3A_145 : i32 to index
        %get3A_203 = arith.constant 64 : index
        %get3A_204 = tpu.vector_load %arg7[%get3A_202, %get3A_203] {strides = array<i32>} : memref<328x128xf32, #tpu.memory_space<vmem>>, vector<1x16xf32>,
        %get3A_205 = vector.shape_cast %get3A_204 : vector<1x16xf32> to vector<16xf32>
        %get3A_206 = arith.index_cast %while3A_133 : i32 to index
        %get3A_207 = arith.constant 64 : index
        %get3A_208 = tpu.vector_load %arg10[%get3A_206, %get3A_207] {strides = array<i32>} : memref<80x128xf32, #tpu.memory_space<vmem>>, vector<1x16xf32>,
        %get3A_209 = vector.shape_cast %get3A_208 : vector<1x16xf32> to vector<16xf32>
        %add3A_210 = arith.addf %get3A_205, %get3A_209 : vector<16xf32>
        %swap3A_211 = arith.index_cast %min3A_145 : i32 to index
        %swap3A_212 = arith.constant 64 : index
        %swap3A_213 = tpu.vector_load %arg7[%swap3A_211, %swap3A_212] {strides = array<i32>} : memref<328x128xf32, #tpu.memory_space<vmem>>, vector<1x16xf32>,
        %swap3A_214 = vector.shape_cast %swap3A_213 : vector<1x16xf32> to vector<16xf32>
        %swap3A_215 = vector.shape_cast %add3A_210 : vector<16xf32> to vector<1x16xf32>
        tpu.vector_store %arg7[%swap3A_211, %swap3A_212], %swap3A_215 {strides = array<i32>} : memref<328x128xf32, #tpu.memory_space<vmem>>, vector<1x16xf32>,
        %get3A_216 = arith.index_cast %min3A_145 : i32 to index
        %get3A_217 = arith.constant 80 : index
        %get3A_218 = tpu.vector_load %arg7[%get3A_216, %get3A_217] {strides = array<i32>} : memref<328x128xf32, #tpu.memory_space<vmem>>, vector<1x16xf32>,
        %get3A_219 = vector.shape_cast %get3A_218 : vector<1x16xf32> to vector<16xf32>
        %get3A_220 = arith.index_cast %while3A_133 : i32 to index
        %get3A_221 = arith.constant 80 : index
        %get3A_222 = tpu.vector_load %arg10[%get3A_220, %get3A_221] {strides = array<i32>} : memref<80x128xf32, #tpu.memory_space<vmem>>, vector<1x16xf32>,
        %get3A_223 = vector.shape_cast %get3A_222 : vector<1x16xf32> to vector<16xf32>
        %add3A_224 = arith.addf %get3A_219, %get3A_223 : vector<16xf32>
        %swap3A_225 = arith.index_cast %min3A_145 : i32 to index
        %swap3A_226 = arith.constant 80 : index
        %swap3A_227 = tpu.vector_load %arg7[%swap3A_225, %swap3A_226] {strides = array<i32>} : memref<328x128xf32, #tpu.memory_space<vmem>>, vector<1x16xf32>,
        %swap3A_228 = vector.shape_cast %swap3A_227 : vector<1x16xf32> to vector<16xf32>
        %swap3A_229 = vector.shape_cast %add3A_224 : vector<16xf32> to vector<1x16xf32>
        tpu.vector_store %arg7[%swap3A_225, %swap3A_226], %swap3A_229 {strides = array<i32>} : memref<328x128xf32, #tpu.memory_space<vmem>>, vector<1x16xf32>,
        %get3A_230 = arith.index_cast %min3A_145 : i32 to index
        %get3A_231 = arith.constant 96 : index
        %get3A_232 = tpu.vector_load %arg7[%get3A_230, %get3A_231] {strides = array<i32>} : memref<328x128xf32, #tpu.memory_space<vmem>>, vector<1x16xf32>,
        %get3A_233 = vector.shape_cast %get3A_232 : vector<1x16xf32> to vector<16xf32>
        %get3A_234 = arith.index_cast %while3A_133 : i32 to index
        %get3A_235 = arith.constant 96 : index
        %get3A_236 = tpu.vector_load %arg10[%get3A_234, %get3A_235] {strides = array<i32>} : memref<80x128xf32, #tpu.memory_space<vmem>>, vector<1x16xf32>,
        %get3A_237 = vector.shape_cast %get3A_236 : vector<1x16xf32> to vector<16xf32>
        %add3A_238 = arith.addf %get3A_233, %get3A_237 : vector<16xf32>
        %swap3A_239 = arith.index_cast %min3A_145 : i32 to index
        %swap3A_240 = arith.constant 96 : index
        %swap3A_241 = tpu.vector_load %arg7[%swap3A_239, %swap3A_240] {strides = array<i32>} : memref<328x128xf32, #tpu.memory_space<vmem>>, vector<1x16xf32>,
        %swap3A_242 = vector.shape_cast %swap3A_241 : vector<1x16xf32> to vector<16xf32>
        %swap3A_243 = vector.shape_cast %add3A_238 : vector<16xf32> to vector<1x16xf32>
        tpu.vector_store %arg7[%swap3A_239, %swap3A_240], %swap3A_243 {strides = array<i32>} : memref<328x128xf32, #tpu.memory_space<vmem>>, vector<1x16xf32>,
        %get3A_244 = arith.index_cast %min3A_145 : i32 to index
        %get3A_245 = arith.constant 112 : index
        %get3A_246 = tpu.vector_load %arg7[%get3A_244, %get3A_245] {strides = array<i32>} : memref<328x128xf32, #tpu.memory_space<vmem>>, vector<1x16xf32>,
        %get3A_247 = vector.shape_cast %get3A_246 : vector<1x16xf32> to vector<16xf32>
        %get3A_248 = arith.index_cast %while3A_133 : i32 to index
        %get3A_249 = arith.constant 112 : index
        %get3A_250 = tpu.vector_load %arg10[%get3A_248, %get3A_249] {strides = array<i32>} : memref<80x128xf32, #tpu.memory_space<vmem>>, vector<1x16xf32>,
        %get3A_251 = vector.shape_cast %get3A_250 : vector<1x16xf32> to vector<16xf32>
        %add3A_252 = arith.addf %get3A_247, %get3A_251 : vector<16xf32>
        %swap3A_253 = arith.index_cast %min3A_145 : i32 to index
        %swap3A_254 = arith.constant 112 : index
        %swap3A_255 = tpu.vector_load %arg7[%swap3A_253, %swap3A_254] {strides = array<i32>} : memref<328x128xf32, #tpu.memory_space<vmem>>, vector<1x16xf32>,
        %swap3A_256 = vector.shape_cast %swap3A_255 : vector<1x16xf32> to vector<16xf32>
        %swap3A_257 = vector.shape_cast %add3A_252 : vector<16xf32> to vector<1x16xf32>
        tpu.vector_store %arg7[%swap3A_253, %swap3A_254], %swap3A_257 {strides = array<i32>} : memref<328x128xf32, #tpu.memory_space<vmem>>, vector<1x16xf32>,
      }
      %while3A_132 = arith.constant 1 : i32
      scf.for %while3A_133 = %while3A_130 to %while3A_126 step %while3A_132  : i32 {
        %get3A_134 = arith.index_cast %while3A_133 : i32 to index
        %get3A_135 = tpu.vector_load %arg9[%get3A_134] {strides = array<i32>} : memref<96xi32, #tpu.memory_space<vmem>>, vector<16xi32>,
        %get3A_136 = vector.shape_cast %get3A_135 : vector<16xi32> to vector<16xi32>
        %slice3A_137 = vector.extract_strided_slice %get3A_136 {offsets = [0], sizes = [1], strides = [1]} : vector<16xi32> to vector<1xi32>
        %squeeze3A_138 = vector.extract %slice3A_137[0] : i32 from vector<1xi32>
        %and3A_139 = arith.constant 16383 : i32
        %and3A_140 = arith.andi %squeeze3A_138, %and3A_139 : i32
        %sub3A_141 = arith.subi %and3A_140, %mul3A_2 : i32
        %jit3A_142 = arith.constant 0 : i32
        %jit3A_143 = arith.constant 320 : i32
        %max3A_144 = arith.maxsi %jit3A_142, %sub3A_141 : i32
        %min3A_145 = arith.minsi %jit3A_143, %max3A_144 : i32
        %get3A_146 = arith.index_cast %min3A_145 : i32 to index
        %get3A_147 = arith.constant 0 : index
        %get3A_148 = tpu.vector_load %arg7[%get3A_146, %get3A_147] {strides = array<i32>} : memref<328x128xf32, #tpu.memory_space<vmem>>, vector<1x16xf32>,
        %get3A_149 = vector.shape_cast %get3A_148 : vector<1x16xf32> to vector<16xf32>
        %get3A_150 = arith.index_cast %while3A_133 : i32 to index
        %get3A_151 = arith.constant 0 : index
        %get3A_152 = tpu.vector_load %arg10[%get3A_150, %get3A_151] {strides = array<i32>} : memref<80x128xf32, #tpu.memory_space<vmem>>, vector<1x16xf32>,
        %get3A_153 = vector.shape_cast %get3A_152 : vector<1x16xf32> to vector<16xf32>
        %add3A_154 = arith.addf %get3A_149, %get3A_153 : vector<16xf32>
        %swap3A_155 = arith.index_cast %min3A_145 : i32 to index
        %swap3A_156 = arith.constant 0 : index
        %swap3A_157 = tpu.vector_load %arg7[%swap3A_155, %swap3A_156] {strides = array<i32>} : memref<328x128xf32, #tpu.memory_space<vmem>>, vector<1x16xf32>,
        %swap3A_158 = vector.shape_cast %swap3A_157 : vector<1x16xf32> to vector<16xf32>
        %swap3A_159 = vector.shape_cast %add3A_154 : vector<16xf32> to vector<1x16xf32>
        tpu.vector_store %arg7[%swap3A_155, %swap3A_156], %swap3A_159 {strides = array<i32>} : memref<328x128xf32, #tpu.memory_space<vmem>>, vector<1x16xf32>,
        %get3A_160 = arith.index_cast %min3A_145 : i32 to index
        %get3A_161 = arith.constant 16 : index
        %get3A_162 = tpu.vector_load %arg7[%get3A_160, %get3A_161] {strides = array<i32>} : memref<328x128xf32, #tpu.memory_space<vmem>>, vector<1x16xf32>,
        %get3A_163 = vector.shape_cast %get3A_162 : vector<1x16xf32> to vector<16xf32>
        %get3A_164 = arith.index_cast %while3A_133 : i32 to index
        %get3A_165 = arith.constant 16 : index
        %get3A_166 = tpu.vector_load %arg10[%get3A_164, %get3A_165] {strides = array<i32>} : memref<80x128xf32, #tpu.memory_space<vmem>>, vector<1x16xf32>,
        %get3A_167 = vector.shape_cast %get3A_166 : vector<1x16xf32> to vector<16xf32>
        %add3A_168 = arith.addf %get3A_163, %get3A_167 : vector<16xf32>
        %swap3A_169 = arith.index_cast %min3A_145 : i32 to index
        %swap3A_170 = arith.constant 16 : index
        %swap3A_171 = tpu.vector_load %arg7[%swap3A_169, %swap3A_170] {strides = array<i32>} : memref<328x128xf32, #tpu.memory_space<vmem>>, vector<1x16xf32>,
        %swap3A_172 = vector.shape_cast %swap3A_171 : vector<1x16xf32> to vector<16xf32>
        %swap3A_173 = vector.shape_cast %add3A_168 : vector<16xf32> to vector<1x16xf32>
        tpu.vector_store %arg7[%swap3A_169, %swap3A_170], %swap3A_173 {strides = array<i32>} : memref<328x128xf32, #tpu.memory_space<vmem>>, vector<1x16xf32>,
        %get3A_174 = arith.index_cast %min3A_145 : i32 to index
        %get3A_175 = arith.constant 32 : index
        %get3A_176 = tpu.vector_load %arg7[%get3A_174, %get3A_175] {strides = array<i32>} : memref<328x128xf32, #tpu.memory_space<vmem>>, vector<1x16xf32>,
        %get3A_177 = vector.shape_cast %get3A_176 : vector<1x16xf32> to vector<16xf32>
        %get3A_178 = arith.index_cast %while3A_133 : i32 to index
        %get3A_179 = arith.constant 32 : index
        %get3A_180 = tpu.vector_load %arg10[%get3A_178, %get3A_179] {strides = array<i32>} : memref<80x128xf32, #tpu.memory_space<vmem>>, vector<1x16xf32>,
        %get3A_181 = vector.shape_cast %get3A_180 : vector<1x16xf32> to vector<16xf32>
        %add3A_182 = arith.addf %get3A_177, %get3A_181 : vector<16xf32>
        %swap3A_183 = arith.index_cast %min3A_145 : i32 to index
        %swap3A_184 = arith.constant 32 : index
        %swap3A_185 = tpu.vector_load %arg7[%swap3A_183, %swap3A_184] {strides = array<i32>} : memref<328x128xf32, #tpu.memory_space<vmem>>, vector<1x16xf32>,
        %swap3A_186 = vector.shape_cast %swap3A_185 : vector<1x16xf32> to vector<16xf32>
        %swap3A_187 = vector.shape_cast %add3A_182 : vector<16xf32> to vector<1x16xf32>
        tpu.vector_store %arg7[%swap3A_183, %swap3A_184], %swap3A_187 {strides = array<i32>} : memref<328x128xf32, #tpu.memory_space<vmem>>, vector<1x16xf32>,
        %get3A_188 = arith.index_cast %min3A_145 : i32 to index
        %get3A_189 = arith.constant 48 : index
        %get3A_190 = tpu.vector_load %arg7[%get3A_188, %get3A_189] {strides = array<i32>} : memref<328x128xf32, #tpu.memory_space<vmem>>, vector<1x16xf32>,
        %get3A_191 = vector.shape_cast %get3A_190 : vector<1x16xf32> to vector<16xf32>
        %get3A_192 = arith.index_cast %while3A_133 : i32 to index
        %get3A_193 = arith.constant 48 : index
        %get3A_194 = tpu.vector_load %arg10[%get3A_192, %get3A_193] {strides = array<i32>} : memref<80x128xf32, #tpu.memory_space<vmem>>, vector<1x16xf32>,
        %get3A_195 = vector.shape_cast %get3A_194 : vector<1x16xf32> to vector<16xf32>
        %add3A_196 = arith.addf %get3A_191, %get3A_195 : vector<16xf32>
        %swap3A_197 = arith.index_cast %min3A_145 : i32 to index
        %swap3A_198 = arith.constant 48 : index
        %swap3A_199 = tpu.vector_load %arg7[%swap3A_197, %swap3A_198] {strides = array<i32>} : memref<328x128xf32, #tpu.memory_space<vmem>>, vector<1x16xf32>,
        %swap3A_200 = vector.shape_cast %swap3A_199 : vector<1x16xf32> to vector<16xf32>
        %swap3A_201 = vector.shape_cast %add3A_196 : vector<16xf32> to vector<1x16xf32>
        tpu.vector_store %arg7[%swap3A_197, %swap3A_198], %swap3A_201 {strides = array<i32>} : memref<328x128xf32, #tpu.memory_space<vmem>>, vector<1x16xf32>,
        %get3A_202 = arith.index_cast %min3A_145 : i32 to index
        %get3A_203 = arith.constant 64 : index
        %get3A_204 = tpu.vector_load %arg7[%get3A_202, %get3A_203] {strides = array<i32>} : memref<328x128xf32, #tpu.memory_space<vmem>>, vector<1x16xf32>,
        %get3A_205 = vector.shape_cast %get3A_204 : vector<1x16xf32> to vector<16xf32>
        %get3A_206 = arith.index_cast %while3A_133 : i32 to index
        %get3A_207 = arith.constant 64 : index
        %get3A_208 = tpu.vector_load %arg10[%get3A_206, %get3A_207] {strides = array<i32>} : memref<80x128xf32, #tpu.memory_space<vmem>>, vector<1x16xf32>,
        %get3A_209 = vector.shape_cast %get3A_208 : vector<1x16xf32> to vector<16xf32>
        %add3A_210 = arith.addf %get3A_205, %get3A_209 : vector<16xf32>
        %swap3A_211 = arith.index_cast %min3A_145 : i32 to index
        %swap3A_212 = arith.constant 64 : index
        %swap3A_213 = tpu.vector_load %arg7[%swap3A_211, %swap3A_212] {strides = array<i32>} : memref<328x128xf32, #tpu.memory_space<vmem>>, vector<1x16xf32>,
        %swap3A_214 = vector.shape_cast %swap3A_213 : vector<1x16xf32> to vector<16xf32>
        %swap3A_215 = vector.shape_cast %add3A_210 : vector<16xf32> to vector<1x16xf32>
        tpu.vector_store %arg7[%swap3A_211, %swap3A_212], %swap3A_215 {strides = array<i32>} : memref<328x128xf32, #tpu.memory_space<vmem>>, vector<1x16xf32>,
        %get3A_216 = arith.index_cast %min3A_145 : i32 to index
        %get3A_217 = arith.constant 80 : index
        %get3A_218 = tpu.vector_load %arg7[%get3A_216, %get3A_217] {strides = array<i32>} : memref<328x128xf32, #tpu.memory_space<vmem>>, vector<1x16xf32>,
        %get3A_219 = vector.shape_cast %get3A_218 : vector<1x16xf32> to vector<16xf32>
        %get3A_220 = arith.index_cast %while3A_133 : i32 to index
        %get3A_221 = arith.constant 80 : index
        %get3A_222 = tpu.vector_load %arg10[%get3A_220, %get3A_221] {strides = array<i32>} : memref<80x128xf32, #tpu.memory_space<vmem>>, vector<1x16xf32>,
        %get3A_223 = vector.shape_cast %get3A_222 : vector<1x16xf32> to vector<16xf32>
        %add3A_224 = arith.addf %get3A_219, %get3A_223 : vector<16xf32>
        %swap3A_225 = arith.index_cast %min3A_145 : i32 to index
        %swap3A_226 = arith.constant 80 : index
        %swap3A_227 = tpu.vector_load %arg7[%swap3A_225, %swap3A_226] {strides = array<i32>} : memref<328x128xf32, #tpu.memory_space<vmem>>, vector<1x16xf32>,
        %swap3A_228 = vector.shape_cast %swap3A_227 : vector<1x16xf32> to vector<16xf32>
        %swap3A_229 = vector.shape_cast %add3A_224 : vector<16xf32> to vector<1x16xf32>
        tpu.vector_store %arg7[%swap3A_225, %swap3A_226], %swap3A_229 {strides = array<i32>} : memref<328x128xf32, #tpu.memory_space<vmem>>, vector<1x16xf32>,
        %get3A_230 = arith.index_cast %min3A_145 : i32 to index
        %get3A_231 = arith.constant 96 : index
        %get3A_232 = tpu.vector_load %arg7[%get3A_230, %get3A_231] {strides = array<i32>} : memref<328x128xf32, #tpu.memory_space<vmem>>, vector<1x16xf32>,
        %get3A_233 = vector.shape_cast %get3A_232 : vector<1x16xf32> to vector<16xf32>
        %get3A_234 = arith.index_cast %while3A_133 : i32 to index
        %get3A_235 = arith.constant 96 : index
        %get3A_236 = tpu.vector_load %arg10[%get3A_234, %get3A_235] {strides = array<i32>} : memref<80x128xf32, #tpu.memory_space<vmem>>, vector<1x16xf32>,
        %get3A_237 = vector.shape_cast %get3A_236 : vector<1x16xf32> to vector<16xf32>
        %add3A_238 = arith.addf %get3A_233, %get3A_237 : vector<16xf32>
        %swap3A_239 = arith.index_cast %min3A_145 : i32 to index
        %swap3A_240 = arith.constant 96 : index
        %swap3A_241 = tpu.vector_load %arg7[%swap3A_239, %swap3A_240] {strides = array<i32>} : memref<328x128xf32, #tpu.memory_space<vmem>>, vector<1x16xf32>,
        %swap3A_242 = vector.shape_cast %swap3A_241 : vector<1x16xf32> to vector<16xf32>
        %swap3A_243 = vector.shape_cast %add3A_238 : vector<16xf32> to vector<1x16xf32>
        tpu.vector_store %arg7[%swap3A_239, %swap3A_240], %swap3A_243 {strides = array<i32>} : memref<328x128xf32, #tpu.memory_space<vmem>>, vector<1x16xf32>,
        %get3A_244 = arith.index_cast %min3A_145 : i32 to index
        %get3A_245 = arith.constant 112 : index
        %get3A_246 = tpu.vector_load %arg7[%get3A_244, %get3A_245] {strides = array<i32>} : memref<328x128xf32, #tpu.memory_space<vmem>>, vector<1x16xf32>,
        %get3A_247 = vector.shape_cast %get3A_246 : vector<1x16xf32> to vector<16xf32>
        %get3A_248 = arith.index_cast %while3A_133 : i32 to index
        %get3A_249 = arith.constant 112 : index
        %get3A_250 = tpu.vector_load %arg10[%get3A_248, %get3A_249] {strides = array<i32>} : memref<80x128xf32, #tpu.memory_space<vmem>>, vector<1x16xf32>,
        %get3A_251 = vector.shape_cast %get3A_250 : vector<1x16xf32> to vector<16xf32>
        %add3A_252 = arith.addf %get3A_247, %get3A_251 : vector<16xf32>
        %swap3A_253 = arith.index_cast %min3A_145 : i32 to index
        %swap3A_254 = arith.constant 112 : index
        %swap3A_255 = tpu.vector_load %arg7[%swap3A_253, %swap3A_254] {strides = array<i32>} : memref<328x128xf32, #tpu.memory_space<vmem>>, vector<1x16xf32>,
        %swap3A_256 = vector.shape_cast %swap3A_255 : vector<1x16xf32> to vector<16xf32>
        %swap3A_257 = vector.shape_cast %add3A_252 : vector<16xf32> to vector<1x16xf32>
        tpu.vector_store %arg7[%swap3A_253, %swap3A_254], %swap3A_257 {strides = array<i32>} : memref<328x128xf32, #tpu.memory_space<vmem>>, vector<1x16xf32>,
      }
    }
    "tpu.region"() ({
      %run_scoped3A = tpu.sem_alloc : memref<!tpu.dma_semaphore, #tpu.memory_space<semaphore_mem>>
      %dma_start3A = arith.constant 0 : i32
      %dma_start3A_34 = arith.constant 0 : i32
      %dma_start3A_35 = tpu.memref_slice %arg7[%dma_start3A, %dma_start3A_34] : memref<328x128xf32, #tpu.memory_space<vmem>> -> memref<320x128xf32, #tpu.memory_space<vmem>>
      %dma_start3A_36 = arith.constant 0 : i32
      %dma_start3A_37 = tpu.memref_slice %arg6[%mul3A_2, %dma_start3A_36] : memref<10240x128xf32, #tpu.memory_space<hbm>> -> memref<320x128xf32, #tpu.memory_space<hbm>>
      %dma_start3A_38 = arith.constant 0 : i32
      %dma_start3A_39 = tpu.memref_slice %arg6[%mul3A_2, %dma_start3A_38] : memref<10240x128xf32, #tpu.memory_space<hbm>> -> memref<320x128xf32, #tpu.memory_space<hbm>>
      %dma_start3A_40 = arith.constant 0 : i32
      %dma_start3A_41 = arith.constant 0 : i32
      %dma_start3A_42 = tpu.memref_slice %arg7[%dma_start3A_40, %dma_start3A_41] : memref<328x128xf32, #tpu.memory_space<vmem>> -> memref<320x128xf32, #tpu.memory_space<vmem>>
      tpu.enqueue_dma source(%dma_start3A_42 : memref<320x128xf32, #tpu.memory_space<vmem>>) target(%dma_start3A_39 : memref<320x128xf32, #tpu.memory_space<hbm>>) target_semaphore(%run_scoped3A : memref<!tpu.dma_semaphore, #tpu.memory_space<semaphore_mem>>)
      %dma_wait3A = arith.constant 0 : i32
      %dma_wait3A_43 = arith.constant 0 : i32
      %dma_wait3A_44 = tpu.memref_slice %arg7[%dma_wait3A, %dma_wait3A_43] : memref<328x128xf32, #tpu.memory_space<vmem>> -> memref<320x128xf32, #tpu.memory_space<vmem>>
      %dma_wait3A_45 = arith.constant 0 : i32
      %dma_wait3A_46 = tpu.memref_slice %arg6[%mul3A_2, %dma_wait3A_45] : memref<10240x128xf32, #tpu.memory_space<hbm>> -> memref<320x128xf32, #tpu.memory_space<hbm>>
      %dma_wait3A_47 = arith.constant 0 : i32
      %dma_wait3A_48 = tpu.memref_slice %arg6[%mul3A_2, %dma_wait3A_47] : memref<10240x128xf32, #tpu.memory_space<hbm>> -> memref<320x128xf32, #tpu.memory_space<hbm>>
      %dma_wait3A_49 = arith.constant 0 : i32
      %dma_wait3A_50 = arith.constant 0 : i32
      %dma_wait3A_51 = tpu.memref_slice %arg7[%dma_wait3A_49, %dma_wait3A_50] : memref<328x128xf32, #tpu.memory_space<vmem>> -> memref<320x128xf32, #tpu.memory_space<vmem>>
      tpu.wait_dma2 semaphore(%run_scoped3A : memref<!tpu.dma_semaphore, #tpu.memory_space<semaphore_mem>>) src(%dma_wait3A_51 : memref<320x128xf32, #tpu.memory_space<vmem>>) dst(%dma_wait3A_48 : memref<320x128xf32, #tpu.memory_space<hbm>>)
      tpu.yield
    }) : () -> ()
    return
  }
}

#map = affine_map<(d0, d1) -> (0)>
module attributes {stable_mosaic.version = 14 : i64} {
  func.func @_group(%arg0: i32, %arg1: i32, %arg2: memref<320000xi32, #tpu.memory_space<hbm>>, %arg3: memref<320000xi32, #tpu.memory_space<hbm>>, %arg4: memref<10240000xi32, #tpu.memory_space<hbm>>, %arg5: memref<80xi32, #tpu.memory_space<vmem>>, %arg6: memref<80xi32, #tpu.memory_space<vmem>>) attributes {dimension_semantics = [#tpu.dimension_semantics<core_parallel>, #tpu.dimension_semantics<subcore_parallel>], iteration_bounds = array<i64: 2, 16>, scalar_prefetch = 0 : i64, scratch_operands = 2 : i64, tpu.core_type = #tpu.core_type<sc_vector_subcore>, window_params = [{transform_indices = #map}, {transform_indices = #map}, {transform_indices = #map}]} {
    %mul3A = arith.constant 16 : i32
    %mul3A_0 = arith.muli %arg0, %mul3A : i32
    %add3A = arith.addi %mul3A_0, %arg1 : i32
    %mul3A_1 = arith.constant 10000 : i32
    %mul3A_2 = arith.muli %add3A, %mul3A_1 : i32
    %scan3A = arith.constant 0 : i32
    %scan3A_3 = arith.constant 0 : i32
    %scan3A_4 = arith.constant 125 : i32
    %scan3A_5 = arith.addi %scan3A_3, %scan3A_4 : i32
    %scan3A_6 = arith.constant 1 : i32
    scf.for %scan3A_8 = %scan3A_3 to %scan3A_5 step %scan3A_6  : i32 {
      %mul3A_9 = arith.constant 80 : i32
      %mul3A_10 = arith.muli %scan3A_8, %mul3A_9 : i32
      %add3A_11 = arith.addi %mul3A_2, %mul3A_10 : i32
      "tpu.region"() ({
        %run_scoped3A = tpu.sem_alloc : memref<!tpu.dma_semaphore, #tpu.memory_space<semaphore_mem>>
        %dma_start3A = tpu.memref_slice %arg2[%add3A_11] : memref<320000xi32, #tpu.memory_space<hbm>> -> memref<80xi32, #tpu.memory_space<hbm>>
        %dma_start3A_12 = tpu.memref_slice %arg2[%add3A_11] : memref<320000xi32, #tpu.memory_space<hbm>> -> memref<80xi32, #tpu.memory_space<hbm>>
        tpu.enqueue_dma source(%dma_start3A_12 : memref<80xi32, #tpu.memory_space<hbm>>) target(%arg6 : memref<80xi32, #tpu.memory_space<vmem>>) target_semaphore(%run_scoped3A : memref<!tpu.dma_semaphore, #tpu.memory_space<semaphore_mem>>)
        %dma_wait3A = tpu.memref_slice %arg2[%add3A_11] : memref<320000xi32, #tpu.memory_space<hbm>> -> memref<80xi32, #tpu.memory_space<hbm>>
        %dma_wait3A_13 = tpu.memref_slice %arg2[%add3A_11] : memref<320000xi32, #tpu.memory_space<hbm>> -> memref<80xi32, #tpu.memory_space<hbm>>
        tpu.wait_dma2 semaphore(%run_scoped3A : memref<!tpu.dma_semaphore, #tpu.memory_space<semaphore_mem>>) src(%dma_wait3A_13 : memref<80xi32, #tpu.memory_space<hbm>>) dst(%arg6 : memref<80xi32, #tpu.memory_space<vmem>>)
        tpu.yield
      }) : () -> ()
      "tpu.region"() ({
        %run_scoped3A = tpu.sem_alloc : memref<!tpu.dma_semaphore, #tpu.memory_space<semaphore_mem>>
        %dma_start3A = tpu.memref_slice %arg3[%add3A_11] : memref<320000xi32, #tpu.memory_space<hbm>> -> memref<80xi32, #tpu.memory_space<hbm>>
        %dma_start3A_12 = tpu.memref_slice %arg3[%add3A_11] : memref<320000xi32, #tpu.memory_space<hbm>> -> memref<80xi32, #tpu.memory_space<hbm>>
        tpu.enqueue_dma source(%dma_start3A_12 : memref<80xi32, #tpu.memory_space<hbm>>) target(%arg5 : memref<80xi32, #tpu.memory_space<vmem>>) target_semaphore(%run_scoped3A : memref<!tpu.dma_semaphore, #tpu.memory_space<semaphore_mem>>)
        %dma_wait3A = tpu.memref_slice %arg3[%add3A_11] : memref<320000xi32, #tpu.memory_space<hbm>> -> memref<80xi32, #tpu.memory_space<hbm>>
        %dma_wait3A_13 = tpu.memref_slice %arg3[%add3A_11] : memref<320000xi32, #tpu.memory_space<hbm>> -> memref<80xi32, #tpu.memory_space<hbm>>
        tpu.wait_dma2 semaphore(%run_scoped3A : memref<!tpu.dma_semaphore, #tpu.memory_space<semaphore_mem>>) src(%dma_wait3A_13 : memref<80xi32, #tpu.memory_space<hbm>>) dst(%arg5 : memref<80xi32, #tpu.memory_space<vmem>>)
        tpu.yield
      }) : () -> ()
      "tpu.region"() ({
        %run_scoped3A = tpu.sem_alloc : memref<!tpu.dma_semaphore, #tpu.memory_space<semaphore_mem>>
        %dma_start3A = arith.constant 0 : i32
        %dma_start3A_12 = tpu.memref_slice %arg4[%dma_start3A] : memref<10240000xi32, #tpu.memory_space<hbm>> -> memref<10240000xi32, #tpu.memory_space<hbm>>
        tpu.enqueue_indirect_dma source(%arg6 : memref<80xi32, #tpu.memory_space<vmem>>) target(%dma_start3A_12 : memref<10240000xi32, #tpu.memory_space<hbm>>) offsets(%arg5 : memref<80xi32, #tpu.memory_space<vmem>>) semaphore(%run_scoped3A : memref<!tpu.dma_semaphore, #tpu.memory_space<semaphore_mem>>)
        %dma_wait3A = arith.constant 0 : i32
        %dma_wait3A_13 = tpu.memref_slice %arg4[%dma_wait3A] : memref<10240000xi32, #tpu.memory_space<hbm>> -> memref<10240000xi32, #tpu.memory_space<hbm>>
        tpu.wait_indirect_dma semaphore(%run_scoped3A : memref<!tpu.dma_semaphore, #tpu.memory_space<semaphore_mem>>) src(%arg6 : memref<80xi32, #tpu.memory_space<vmem>>) dst(%dma_wait3A_13 : memref<10240000xi32, #tpu.memory_space<hbm>>)
        tpu.yield
      }) : () -> ()
    }
    %scan3A_7 = arith.constant 125 : i32
    return
  }
}

#map = affine_map<(d0, d1) -> (0, 0)>
#map1 = affine_map<(d0, d1) -> (0)>
module attributes {stable_mosaic.version = 14 : i64} {
  func.func @_agg(%arg0: i32, %arg1: i32, %arg2: memref<10240x128xf32, #tpu.memory_space<hbm>>, %arg3: memref<10240000xi32, #tpu.memory_space<hbm>>, %arg4: memref<48xi32, #tpu.memory_space<hbm>>, %arg5: memref<328x128xf32, #tpu.memory_space<hbm>>, %arg6: memref<328x16xf32, #tpu.memory_space<hbm>>, %arg7: memref<10240x128xf32, #tpu.memory_space<hbm>>, %arg8: memref<10240x16xf32, #tpu.memory_space<hbm>>, %arg9: memref<328x128xf32, #tpu.memory_space<vmem>>, %arg10: memref<328x16xf32, #tpu.memory_space<vmem>>, %arg11: memref<80xi32, #tpu.memory_space<vmem>>, %arg12: memref<96xi32, #tpu.memory_space<vmem>>, %arg13: memref<80x128xf32, #tpu.memory_space<vmem>>, %arg14: memref<48xi32, #tpu.memory_space<vmem>>, %arg15: memref<!tpu.dma_semaphore, #tpu.memory_space<semaphore_mem>>) attributes {dimension_semantics = [#tpu.dimension_semantics<core_parallel>, #tpu.dimension_semantics<subcore_parallel>], iteration_bounds = array<i64: 2, 16>, scalar_prefetch = 0 : i64, scratch_operands = 7 : i64, tpu.core_type = #tpu.core_type<sc_vector_subcore>, window_params = [{transform_indices = #map}, {transform_indices = #map1}, {transform_indices = #map1}, {transform_indices = #map}, {transform_indices = #map}, {transform_indices = #map}, {transform_indices = #map}]} {
    %mul3A = arith.constant 16 : i32
    %mul3A_0 = arith.muli %arg0, %mul3A : i32
    %add3A = arith.addi %mul3A_0, %arg1 : i32
    %mul3A_1 = arith.constant 320 : i32
    %mul3A_2 = arith.muli %add3A, %mul3A_1 : i32
    %mul3A_3 = arith.constant 320000 : i32
    %mul3A_4 = arith.muli %add3A, %mul3A_3 : i32
    "tpu.region"() ({
      %run_scoped3A = tpu.sem_alloc : memref<!tpu.dma_semaphore, #tpu.memory_space<semaphore_mem>>
      tpu.enqueue_dma source(%arg5 : memref<328x128xf32, #tpu.memory_space<hbm>>) target(%arg9 : memref<328x128xf32, #tpu.memory_space<vmem>>) target_semaphore(%run_scoped3A : memref<!tpu.dma_semaphore, #tpu.memory_space<semaphore_mem>>)
      tpu.wait_dma2 semaphore(%run_scoped3A : memref<!tpu.dma_semaphore, #tpu.memory_space<semaphore_mem>>) src(%arg5 : memref<328x128xf32, #tpu.memory_space<hbm>>) dst(%arg9 : memref<328x128xf32, #tpu.memory_space<vmem>>)
      tpu.yield
    }) : () -> ()
    "tpu.region"() ({
      %run_scoped3A = tpu.sem_alloc : memref<!tpu.dma_semaphore, #tpu.memory_space<semaphore_mem>>
      tpu.enqueue_dma source(%arg6 : memref<328x16xf32, #tpu.memory_space<hbm>>) target(%arg10 : memref<328x16xf32, #tpu.memory_space<vmem>>) target_semaphore(%run_scoped3A : memref<!tpu.dma_semaphore, #tpu.memory_space<semaphore_mem>>)
      tpu.wait_dma2 semaphore(%run_scoped3A : memref<!tpu.dma_semaphore, #tpu.memory_space<semaphore_mem>>) src(%arg6 : memref<328x16xf32, #tpu.memory_space<hbm>>) dst(%arg10 : memref<328x16xf32, #tpu.memory_space<vmem>>)
      tpu.yield
    }) : () -> ()
    "tpu.region"() ({
      %run_scoped3A = tpu.sem_alloc : memref<!tpu.dma_semaphore, #tpu.memory_space<semaphore_mem>>
      tpu.enqueue_dma source(%arg4 : memref<48xi32, #tpu.memory_space<hbm>>) target(%arg14 : memref<48xi32, #tpu.memory_space<vmem>>) target_semaphore(%run_scoped3A : memref<!tpu.dma_semaphore, #tpu.memory_space<semaphore_mem>>)
      tpu.wait_dma2 semaphore(%run_scoped3A : memref<!tpu.dma_semaphore, #tpu.memory_space<semaphore_mem>>) src(%arg4 : memref<48xi32, #tpu.memory_space<hbm>>) dst(%arg14 : memref<48xi32, #tpu.memory_space<vmem>>)
      tpu.yield
    }) : () -> ()
    %get3A = arith.index_cast %add3A : i32 to index
    %get3A_5 = tpu.vector_load %arg14[%get3A] {strides = array<i32>} : memref<48xi32, #tpu.memory_space<vmem>>, vector<16xi32>,
    %get3A_6 = vector.shape_cast %get3A_5 : vector<16xi32> to vector<16xi32>
    %slice3A = vector.extract_strided_slice %get3A_6 {offsets = [0], sizes = [1], strides = [1]} : vector<16xi32> to vector<1xi32>
    %squeeze3A = vector.extract %slice3A[0] : i32 from vector<1xi32>
    %add3A_7 = arith.constant 79 : i32
    %add3A_8 = arith.addi %squeeze3A, %add3A_7 : i32
    %jit3A = arith.constant 80 : i32
    %div3A = arith.divsi %add3A_8, %jit3A : i32
    %sign3A = arith.constant 0 : i32
    %sign3A_9 = arith.cmpi sgt, %add3A_8, %sign3A : i32
    %sign3A_10 = arith.extui %sign3A_9 : i1 to i32
    %sign3A_11 = arith.constant 0 : i32
    %sign3A_12 = arith.cmpi slt, %add3A_8, %sign3A_11 : i32
    %sign3A_13 = arith.extui %sign3A_12 : i1 to i32
    %sign3A_14 = arith.subi %sign3A_10, %sign3A_13 : i32
    %sign3A_15 = arith.constant 0 : i32
    %sign3A_16 = arith.cmpi sgt, %jit3A, %sign3A_15 : i32
    %sign3A_17 = arith.extui %sign3A_16 : i1 to i32
    %sign3A_18 = arith.constant 0 : i32
    %sign3A_19 = arith.cmpi slt, %jit3A, %sign3A_18 : i32
    %sign3A_20 = arith.extui %sign3A_19 : i1 to i32
    %sign3A_21 = arith.subi %sign3A_17, %sign3A_20 : i32
    %ne3A = arith.cmpi ne, %sign3A_14, %sign3A_21 : i32
    %rem3A = arith.remsi %add3A_8, %jit3A : i32
    %ne3A_22 = arith.constant 0 : i32
    %ne3A_23 = arith.cmpi ne, %rem3A, %ne3A_22 : i32
    %and3A = arith.andi %ne3A, %ne3A_23 : i1
    %sub3A = arith.constant 1 : i32
    %sub3A_24 = arith.subi %div3A, %sub3A : i32
    %select_n3A = arith.select %and3A, %sub3A_24, %div3A : i32
    %while3A = arith.constant 0 : i32
    %while3A_25 = arith.constant 0 : i32
    %while3A_26 = arith.subi %select_n3A, %while3A_25 : i32
    %while3A_27 = arith.addi %while3A_25, %while3A_26 : i32
    %while3A_28 = arith.constant 1 : i32
    %while3A_29 = arith.divsi %while3A_26, %while3A_28 : i32
    %while3A_30 = arith.muli %while3A_29, %while3A_28 : i32
    %while3A_31 = arith.addi %while3A_25, %while3A_30 : i32
    %while3A_32 = arith.constant 1 : i32
    scf.for %while3A_34 = %while3A_25 to %while3A_31 step %while3A_32  : i32 {
      %mul3A_35 = arith.constant 80 : i32
      %mul3A_36 = arith.muli %while3A_34, %mul3A_35 : i32
      %add3A_37 = arith.addi %mul3A_4, %mul3A_36 : i32
      "tpu.region"() ({
        %run_scoped3A = tpu.sem_alloc : memref<!tpu.dma_semaphore, #tpu.memory_space<semaphore_mem>>
        %dma_start3A_133 = arith.constant 0 : i32
        %dma_start3A_134 = tpu.memref_slice %arg12[%dma_start3A_133] : memref<96xi32, #tpu.memory_space<vmem>> -> memref<80xi32, #tpu.memory_space<vmem>>
        %dma_start3A_135 = tpu.memref_slice %arg3[%add3A_37] : memref<10240000xi32, #tpu.memory_space<hbm>> -> memref<80xi32, #tpu.memory_space<hbm>>
        %dma_start3A_136 = arith.constant 0 : i32
        %dma_start3A_137 = tpu.memref_slice %arg12[%dma_start3A_136] : memref<96xi32, #tpu.memory_space<vmem>> -> memref<80xi32, #tpu.memory_space<vmem>>
        %dma_start3A_138 = tpu.memref_slice %arg3[%add3A_37] : memref<10240000xi32, #tpu.memory_space<hbm>> -> memref<80xi32, #tpu.memory_space<hbm>>
        tpu.enqueue_dma source(%dma_start3A_138 : memref<80xi32, #tpu.memory_space<hbm>>) target(%dma_start3A_137 : memref<80xi32, #tpu.memory_space<vmem>>) target_semaphore(%run_scoped3A : memref<!tpu.dma_semaphore, #tpu.memory_space<semaphore_mem>>)
        %dma_wait3A_139 = arith.constant 0 : i32
        %dma_wait3A_140 = tpu.memref_slice %arg12[%dma_wait3A_139] : memref<96xi32, #tpu.memory_space<vmem>> -> memref<80xi32, #tpu.memory_space<vmem>>
        %dma_wait3A_141 = tpu.memref_slice %arg3[%add3A_37] : memref<10240000xi32, #tpu.memory_space<hbm>> -> memref<80xi32, #tpu.memory_space<hbm>>
        %dma_wait3A_142 = arith.constant 0 : i32
        %dma_wait3A_143 = tpu.memref_slice %arg12[%dma_wait3A_142] : memref<96xi32, #tpu.memory_space<vmem>> -> memref<80xi32, #tpu.memory_space<vmem>>
        %dma_wait3A_144 = tpu.memref_slice %arg3[%add3A_37] : memref<10240000xi32, #tpu.memory_space<hbm>> -> memref<80xi32, #tpu.memory_space<hbm>>
        tpu.wait_dma2 semaphore(%run_scoped3A : memref<!tpu.dma_semaphore, #tpu.memory_space<semaphore_mem>>) src(%dma_wait3A_144 : memref<80xi32, #tpu.memory_space<hbm>>) dst(%dma_wait3A_143 : memref<80xi32, #tpu.memory_space<vmem>>)
        tpu.yield
      }) : () -> ()
      %get3A_38 = arith.constant 0 : index
      %get3A_39 = tpu.vector_load %arg12[%get3A_38] {strides = array<i32>} : memref<96xi32, #tpu.memory_space<vmem>>, vector<16xi32>,
      %get3A_40 = vector.shape_cast %get3A_39 : vector<16xi32> to vector<16xi32>
      %shift_right_arithmetic3A = arith.constant 14 : i32
      %shift_right_arithmetic3A_41 = vector.broadcast %shift_right_arithmetic3A : i32 to vector<16xi32>
      %shift_right_arithmetic3A_42 = arith.shrsi %get3A_40, %shift_right_arithmetic3A_41 : vector<16xi32>
      %jit3A_43 = arith.constant 0 : i32
      %jit3A_44 = arith.constant 10239 : i32
      %max3A = vector.broadcast %jit3A_43 : i32 to vector<16xi32>
      %max3A_45 = arith.maxsi %max3A, %shift_right_arithmetic3A_42 : vector<16xi32>
      %min3A = vector.broadcast %jit3A_44 : i32 to vector<16xi32>
      %min3A_46 = arith.minsi %min3A, %max3A_45 : vector<16xi32>
      %swap3A = arith.constant 0 : index
      %swap3A_47 = tpu.vector_load %arg11[%swap3A] {strides = array<i32>} : memref<80xi32, #tpu.memory_space<vmem>>, vector<16xi32>,
      %swap3A_48 = vector.shape_cast %swap3A_47 : vector<16xi32> to vector<16xi32>
      %swap3A_49 = vector.shape_cast %min3A_46 : vector<16xi32> to vector<16xi32>
      tpu.vector_store %arg11[%swap3A], %swap3A_49 {strides = array<i32>} : memref<80xi32, #tpu.memory_space<vmem>>, vector<16xi32>,
      %get3A_50 = arith.constant 16 : index
      %get3A_51 = tpu.vector_load %arg12[%get3A_50] {strides = array<i32>} : memref<96xi32, #tpu.memory_space<vmem>>, vector<16xi32>,
      %get3A_52 = vector.shape_cast %get3A_51 : vector<16xi32> to vector<16xi32>
      %shift_right_arithmetic3A_53 = arith.constant 14 : i32
      %shift_right_arithmetic3A_54 = vector.broadcast %shift_right_arithmetic3A_53 : i32 to vector<16xi32>
      %shift_right_arithmetic3A_55 = arith.shrsi %get3A_52, %shift_right_arithmetic3A_54 : vector<16xi32>
      %jit3A_56 = arith.constant 0 : i32
      %jit3A_57 = arith.constant 10239 : i32
      %max3A_58 = vector.broadcast %jit3A_56 : i32 to vector<16xi32>
      %max3A_59 = arith.maxsi %max3A_58, %shift_right_arithmetic3A_55 : vector<16xi32>
      %min3A_60 = vector.broadcast %jit3A_57 : i32 to vector<16xi32>
      %min3A_61 = arith.minsi %min3A_60, %max3A_59 : vector<16xi32>
      %swap3A_62 = arith.constant 16 : index
      %swap3A_63 = tpu.vector_load %arg11[%swap3A_62] {strides = array<i32>} : memref<80xi32, #tpu.memory_space<vmem>>, vector<16xi32>,
      %swap3A_64 = vector.shape_cast %swap3A_63 : vector<16xi32> to vector<16xi32>
      %swap3A_65 = vector.shape_cast %min3A_61 : vector<16xi32> to vector<16xi32>
      tpu.vector_store %arg11[%swap3A_62], %swap3A_65 {strides = array<i32>} : memref<80xi32, #tpu.memory_space<vmem>>, vector<16xi32>,
      %get3A_66 = arith.constant 32 : index
      %get3A_67 = tpu.vector_load %arg12[%get3A_66] {strides = array<i32>} : memref<96xi32, #tpu.memory_space<vmem>>, vector<16xi32>,
      %get3A_68 = vector.shape_cast %get3A_67 : vector<16xi32> to vector<16xi32>
      %shift_right_arithmetic3A_69 = arith.constant 14 : i32
      %shift_right_arithmetic3A_70 = vector.broadcast %shift_right_arithmetic3A_69 : i32 to vector<16xi32>
      %shift_right_arithmetic3A_71 = arith.shrsi %get3A_68, %shift_right_arithmetic3A_70 : vector<16xi32>
      %jit3A_72 = arith.constant 0 : i32
      %jit3A_73 = arith.constant 10239 : i32
      %max3A_74 = vector.broadcast %jit3A_72 : i32 to vector<16xi32>
      %max3A_75 = arith.maxsi %max3A_74, %shift_right_arithmetic3A_71 : vector<16xi32>
      %min3A_76 = vector.broadcast %jit3A_73 : i32 to vector<16xi32>
      %min3A_77 = arith.minsi %min3A_76, %max3A_75 : vector<16xi32>
      %swap3A_78 = arith.constant 32 : index
      %swap3A_79 = tpu.vector_load %arg11[%swap3A_78] {strides = array<i32>} : memref<80xi32, #tpu.memory_space<vmem>>, vector<16xi32>,
      %swap3A_80 = vector.shape_cast %swap3A_79 : vector<16xi32> to vector<16xi32>
      %swap3A_81 = vector.shape_cast %min3A_77 : vector<16xi32> to vector<16xi32>
      tpu.vector_store %arg11[%swap3A_78], %swap3A_81 {strides = array<i32>} : memref<80xi32, #tpu.memory_space<vmem>>, vector<16xi32>,
      %get3A_82 = arith.constant 48 : index
      %get3A_83 = tpu.vector_load %arg12[%get3A_82] {strides = array<i32>} : memref<96xi32, #tpu.memory_space<vmem>>, vector<16xi32>,
      %get3A_84 = vector.shape_cast %get3A_83 : vector<16xi32> to vector<16xi32>
      %shift_right_arithmetic3A_85 = arith.constant 14 : i32
      %shift_right_arithmetic3A_86 = vector.broadcast %shift_right_arithmetic3A_85 : i32 to vector<16xi32>
      %shift_right_arithmetic3A_87 = arith.shrsi %get3A_84, %shift_right_arithmetic3A_86 : vector<16xi32>
      %jit3A_88 = arith.constant 0 : i32
      %jit3A_89 = arith.constant 10239 : i32
      %max3A_90 = vector.broadcast %jit3A_88 : i32 to vector<16xi32>
      %max3A_91 = arith.maxsi %max3A_90, %shift_right_arithmetic3A_87 : vector<16xi32>
      %min3A_92 = vector.broadcast %jit3A_89 : i32 to vector<16xi32>
      %min3A_93 = arith.minsi %min3A_92, %max3A_91 : vector<16xi32>
      %swap3A_94 = arith.constant 48 : index
      %swap3A_95 = tpu.vector_load %arg11[%swap3A_94] {strides = array<i32>} : memref<80xi32, #tpu.memory_space<vmem>>, vector<16xi32>,
      %swap3A_96 = vector.shape_cast %swap3A_95 : vector<16xi32> to vector<16xi32>
      %swap3A_97 = vector.shape_cast %min3A_93 : vector<16xi32> to vector<16xi32>
      tpu.vector_store %arg11[%swap3A_94], %swap3A_97 {strides = array<i32>} : memref<80xi32, #tpu.memory_space<vmem>>, vector<16xi32>,
      %get3A_98 = arith.constant 64 : index
      %get3A_99 = tpu.vector_load %arg12[%get3A_98] {strides = array<i32>} : memref<96xi32, #tpu.memory_space<vmem>>, vector<16xi32>,
      %get3A_100 = vector.shape_cast %get3A_99 : vector<16xi32> to vector<16xi32>
      %shift_right_arithmetic3A_101 = arith.constant 14 : i32
      %shift_right_arithmetic3A_102 = vector.broadcast %shift_right_arithmetic3A_101 : i32 to vector<16xi32>
      %shift_right_arithmetic3A_103 = arith.shrsi %get3A_100, %shift_right_arithmetic3A_102 : vector<16xi32>
      %jit3A_104 = arith.constant 0 : i32
      %jit3A_105 = arith.constant 10239 : i32
      %max3A_106 = vector.broadcast %jit3A_104 : i32 to vector<16xi32>
      %max3A_107 = arith.maxsi %max3A_106, %shift_right_arithmetic3A_103 : vector<16xi32>
      %min3A_108 = vector.broadcast %jit3A_105 : i32 to vector<16xi32>
      %min3A_109 = arith.minsi %min3A_108, %max3A_107 : vector<16xi32>
      %swap3A_110 = arith.constant 64 : index
      %swap3A_111 = tpu.vector_load %arg11[%swap3A_110] {strides = array<i32>} : memref<80xi32, #tpu.memory_space<vmem>>, vector<16xi32>,
      %swap3A_112 = vector.shape_cast %swap3A_111 : vector<16xi32> to vector<16xi32>
      %swap3A_113 = vector.shape_cast %min3A_109 : vector<16xi32> to vector<16xi32>
      tpu.vector_store %arg11[%swap3A_110], %swap3A_113 {strides = array<i32>} : memref<80xi32, #tpu.memory_space<vmem>>, vector<16xi32>,
      %dma_start3A = arith.constant 0 : i32
      %dma_start3A_114 = arith.constant 0 : i32
      %dma_start3A_115 = tpu.memref_slice %arg2[%dma_start3A, %dma_start3A_114] : memref<10240x128xf32, #tpu.memory_space<hbm>> -> memref<10240x128xf32, #tpu.memory_space<hbm>>
      tpu.enqueue_indirect_dma source(%dma_start3A_115 : memref<10240x128xf32, #tpu.memory_space<hbm>>) target(%arg13 : memref<80x128xf32, #tpu.memory_space<vmem>>) offsets(%arg11 : memref<80xi32, #tpu.memory_space<vmem>>) semaphore(%arg15 : memref<!tpu.dma_semaphore, #tpu.memory_space<semaphore_mem>>)
      %dma_wait3A = arith.constant 0 : i32
      %dma_wait3A_116 = arith.constant 0 : i32
      %dma_wait3A_117 = tpu.memref_slice %arg2[%dma_wait3A, %dma_wait3A_116] : memref<10240x128xf32, #tpu.memory_space<hbm>> -> memref<10240x128xf32, #tpu.memory_space<hbm>>
      tpu.wait_indirect_dma semaphore(%arg15 : memref<!tpu.dma_semaphore, #tpu.memory_space<semaphore_mem>>) src(%dma_wait3A_117 : memref<10240x128xf32, #tpu.memory_space<hbm>>) dst(%arg13 : memref<80x128xf32, #tpu.memory_space<vmem>>)
      %mul3A_118 = arith.constant 80 : i32
      %mul3A_119 = arith.muli %while3A_34, %mul3A_118 : i32
      %sub3A_120 = arith.subi %squeeze3A, %mul3A_119 : i32
      %min3A_121 = arith.constant 80 : i32
      %min3A_122 = arith.minsi %sub3A_120, %min3A_121 : i32
      %while3A_123 = arith.constant 0 : i32
      %while3A_124 = arith.constant 0 : i32
      %while3A_125 = arith.subi %min3A_122, %while3A_124 : i32
      %while3A_126 = arith.addi %while3A_124, %while3A_125 : i32
      %while3A_127 = arith.constant 1 : i32
      %while3A_128 = arith.divsi %while3A_125, %while3A_127 : i32
      %while3A_129 = arith.muli %while3A_128, %while3A_127 : i32
      %while3A_130 = arith.addi %while3A_124, %while3A_129 : i32
      %while3A_131 = arith.constant 1 : i32
      scf.for %while3A_133 = %while3A_124 to %while3A_130 step %while3A_131  : i32 {
        %get3A_134 = arith.index_cast %while3A_133 : i32 to index
        %get3A_135 = tpu.vector_load %arg12[%get3A_134] {strides = array<i32>} : memref<96xi32, #tpu.memory_space<vmem>>, vector<16xi32>,
        %get3A_136 = vector.shape_cast %get3A_135 : vector<16xi32> to vector<16xi32>
        %slice3A_137 = vector.extract_strided_slice %get3A_136 {offsets = [0], sizes = [1], strides = [1]} : vector<16xi32> to vector<1xi32>
        %squeeze3A_138 = vector.extract %slice3A_137[0] : i32 from vector<1xi32>
        %and3A_139 = arith.constant 16383 : i32
        %and3A_140 = arith.andi %squeeze3A_138, %and3A_139 : i32
        %sub3A_141 = arith.subi %and3A_140, %mul3A_2 : i32
        %jit3A_142 = arith.constant 0 : i32
        %jit3A_143 = arith.constant 320 : i32
        %max3A_144 = arith.maxsi %jit3A_142, %sub3A_141 : i32
        %min3A_145 = arith.minsi %jit3A_143, %max3A_144 : i32
        %get3A_146 = arith.index_cast %min3A_145 : i32 to index
        %get3A_147 = arith.constant 0 : index
        %get3A_148 = tpu.vector_load %arg10[%get3A_146, %get3A_147] {strides = array<i32>} : memref<328x16xf32, #tpu.memory_space<vmem>>, vector<1x16xf32>,
        %get3A_149 = vector.shape_cast %get3A_148 : vector<1x16xf32> to vector<16xf32>
        %add3A_150 = arith.constant 1.000000e+00 : f32
        %add3A_151 = vector.broadcast %add3A_150 : f32 to vector<16xf32>
        %add3A_152 = arith.addf %get3A_149, %add3A_151 : vector<16xf32>
        %swap3A_153 = arith.index_cast %min3A_145 : i32 to index
        %swap3A_154 = arith.constant 0 : index
        %swap3A_155 = tpu.vector_load %arg10[%swap3A_153, %swap3A_154] {strides = array<i32>} : memref<328x16xf32, #tpu.memory_space<vmem>>, vector<1x16xf32>,
        %swap3A_156 = vector.shape_cast %swap3A_155 : vector<1x16xf32> to vector<16xf32>
        %swap3A_157 = vector.shape_cast %add3A_152 : vector<16xf32> to vector<1x16xf32>
        tpu.vector_store %arg10[%swap3A_153, %swap3A_154], %swap3A_157 {strides = array<i32>} : memref<328x16xf32, #tpu.memory_space<vmem>>, vector<1x16xf32>,
        %get3A_158 = arith.index_cast %min3A_145 : i32 to index
        %get3A_159 = arith.constant 0 : index
        %get3A_160 = tpu.vector_load %arg9[%get3A_158, %get3A_159] {strides = array<i32>} : memref<328x128xf32, #tpu.memory_space<vmem>>, vector<1x16xf32>,
        %get3A_161 = vector.shape_cast %get3A_160 : vector<1x16xf32> to vector<16xf32>
        %get3A_162 = arith.index_cast %while3A_133 : i32 to index
        %get3A_163 = arith.constant 0 : index
        %get3A_164 = tpu.vector_load %arg13[%get3A_162, %get3A_163] {strides = array<i32>} : memref<80x128xf32, #tpu.memory_space<vmem>>, vector<1x16xf32>,
        %get3A_165 = vector.shape_cast %get3A_164 : vector<1x16xf32> to vector<16xf32>
        %add3A_166 = arith.addf %get3A_161, %get3A_165 : vector<16xf32>
        %swap3A_167 = arith.index_cast %min3A_145 : i32 to index
        %swap3A_168 = arith.constant 0 : index
        %swap3A_169 = tpu.vector_load %arg9[%swap3A_167, %swap3A_168] {strides = array<i32>} : memref<328x128xf32, #tpu.memory_space<vmem>>, vector<1x16xf32>,
        %swap3A_170 = vector.shape_cast %swap3A_169 : vector<1x16xf32> to vector<16xf32>
        %swap3A_171 = vector.shape_cast %add3A_166 : vector<16xf32> to vector<1x16xf32>
        tpu.vector_store %arg9[%swap3A_167, %swap3A_168], %swap3A_171 {strides = array<i32>} : memref<328x128xf32, #tpu.memory_space<vmem>>, vector<1x16xf32>,
        %get3A_172 = arith.index_cast %min3A_145 : i32 to index
        %get3A_173 = arith.constant 16 : index
        %get3A_174 = tpu.vector_load %arg9[%get3A_172, %get3A_173] {strides = array<i32>} : memref<328x128xf32, #tpu.memory_space<vmem>>, vector<1x16xf32>,
        %get3A_175 = vector.shape_cast %get3A_174 : vector<1x16xf32> to vector<16xf32>
        %get3A_176 = arith.index_cast %while3A_133 : i32 to index
        %get3A_177 = arith.constant 16 : index
        %get3A_178 = tpu.vector_load %arg13[%get3A_176, %get3A_177] {strides = array<i32>} : memref<80x128xf32, #tpu.memory_space<vmem>>, vector<1x16xf32>,
        %get3A_179 = vector.shape_cast %get3A_178 : vector<1x16xf32> to vector<16xf32>
        %add3A_180 = arith.addf %get3A_175, %get3A_179 : vector<16xf32>
        %swap3A_181 = arith.index_cast %min3A_145 : i32 to index
        %swap3A_182 = arith.constant 16 : index
        %swap3A_183 = tpu.vector_load %arg9[%swap3A_181, %swap3A_182] {strides = array<i32>} : memref<328x128xf32, #tpu.memory_space<vmem>>, vector<1x16xf32>,
        %swap3A_184 = vector.shape_cast %swap3A_183 : vector<1x16xf32> to vector<16xf32>
        %swap3A_185 = vector.shape_cast %add3A_180 : vector<16xf32> to vector<1x16xf32>
        tpu.vector_store %arg9[%swap3A_181, %swap3A_182], %swap3A_185 {strides = array<i32>} : memref<328x128xf32, #tpu.memory_space<vmem>>, vector<1x16xf32>,
        %get3A_186 = arith.index_cast %min3A_145 : i32 to index
        %get3A_187 = arith.constant 32 : index
        %get3A_188 = tpu.vector_load %arg9[%get3A_186, %get3A_187] {strides = array<i32>} : memref<328x128xf32, #tpu.memory_space<vmem>>, vector<1x16xf32>,
        %get3A_189 = vector.shape_cast %get3A_188 : vector<1x16xf32> to vector<16xf32>
        %get3A_190 = arith.index_cast %while3A_133 : i32 to index
        %get3A_191 = arith.constant 32 : index
        %get3A_192 = tpu.vector_load %arg13[%get3A_190, %get3A_191] {strides = array<i32>} : memref<80x128xf32, #tpu.memory_space<vmem>>, vector<1x16xf32>,
        %get3A_193 = vector.shape_cast %get3A_192 : vector<1x16xf32> to vector<16xf32>
        %add3A_194 = arith.addf %get3A_189, %get3A_193 : vector<16xf32>
        %swap3A_195 = arith.index_cast %min3A_145 : i32 to index
        %swap3A_196 = arith.constant 32 : index
        %swap3A_197 = tpu.vector_load %arg9[%swap3A_195, %swap3A_196] {strides = array<i32>} : memref<328x128xf32, #tpu.memory_space<vmem>>, vector<1x16xf32>,
        %swap3A_198 = vector.shape_cast %swap3A_197 : vector<1x16xf32> to vector<16xf32>
        %swap3A_199 = vector.shape_cast %add3A_194 : vector<16xf32> to vector<1x16xf32>
        tpu.vector_store %arg9[%swap3A_195, %swap3A_196], %swap3A_199 {strides = array<i32>} : memref<328x128xf32, #tpu.memory_space<vmem>>, vector<1x16xf32>,
        %get3A_200 = arith.index_cast %min3A_145 : i32 to index
        %get3A_201 = arith.constant 48 : index
        %get3A_202 = tpu.vector_load %arg9[%get3A_200, %get3A_201] {strides = array<i32>} : memref<328x128xf32, #tpu.memory_space<vmem>>, vector<1x16xf32>,
        %get3A_203 = vector.shape_cast %get3A_202 : vector<1x16xf32> to vector<16xf32>
        %get3A_204 = arith.index_cast %while3A_133 : i32 to index
        %get3A_205 = arith.constant 48 : index
        %get3A_206 = tpu.vector_load %arg13[%get3A_204, %get3A_205] {strides = array<i32>} : memref<80x128xf32, #tpu.memory_space<vmem>>, vector<1x16xf32>,
        %get3A_207 = vector.shape_cast %get3A_206 : vector<1x16xf32> to vector<16xf32>
        %add3A_208 = arith.addf %get3A_203, %get3A_207 : vector<16xf32>
        %swap3A_209 = arith.index_cast %min3A_145 : i32 to index
        %swap3A_210 = arith.constant 48 : index
        %swap3A_211 = tpu.vector_load %arg9[%swap3A_209, %swap3A_210] {strides = array<i32>} : memref<328x128xf32, #tpu.memory_space<vmem>>, vector<1x16xf32>,
        %swap3A_212 = vector.shape_cast %swap3A_211 : vector<1x16xf32> to vector<16xf32>
        %swap3A_213 = vector.shape_cast %add3A_208 : vector<16xf32> to vector<1x16xf32>
        tpu.vector_store %arg9[%swap3A_209, %swap3A_210], %swap3A_213 {strides = array<i32>} : memref<328x128xf32, #tpu.memory_space<vmem>>, vector<1x16xf32>,
        %get3A_214 = arith.index_cast %min3A_145 : i32 to index
        %get3A_215 = arith.constant 64 : index
        %get3A_216 = tpu.vector_load %arg9[%get3A_214, %get3A_215] {strides = array<i32>} : memref<328x128xf32, #tpu.memory_space<vmem>>, vector<1x16xf32>,
        %get3A_217 = vector.shape_cast %get3A_216 : vector<1x16xf32> to vector<16xf32>
        %get3A_218 = arith.index_cast %while3A_133 : i32 to index
        %get3A_219 = arith.constant 64 : index
        %get3A_220 = tpu.vector_load %arg13[%get3A_218, %get3A_219] {strides = array<i32>} : memref<80x128xf32, #tpu.memory_space<vmem>>, vector<1x16xf32>,
        %get3A_221 = vector.shape_cast %get3A_220 : vector<1x16xf32> to vector<16xf32>
        %add3A_222 = arith.addf %get3A_217, %get3A_221 : vector<16xf32>
        %swap3A_223 = arith.index_cast %min3A_145 : i32 to index
        %swap3A_224 = arith.constant 64 : index
        %swap3A_225 = tpu.vector_load %arg9[%swap3A_223, %swap3A_224] {strides = array<i32>} : memref<328x128xf32, #tpu.memory_space<vmem>>, vector<1x16xf32>,
        %swap3A_226 = vector.shape_cast %swap3A_225 : vector<1x16xf32> to vector<16xf32>
        %swap3A_227 = vector.shape_cast %add3A_222 : vector<16xf32> to vector<1x16xf32>
        tpu.vector_store %arg9[%swap3A_223, %swap3A_224], %swap3A_227 {strides = array<i32>} : memref<328x128xf32, #tpu.memory_space<vmem>>, vector<1x16xf32>,
        %get3A_228 = arith.index_cast %min3A_145 : i32 to index
        %get3A_229 = arith.constant 80 : index
        %get3A_230 = tpu.vector_load %arg9[%get3A_228, %get3A_229] {strides = array<i32>} : memref<328x128xf32, #tpu.memory_space<vmem>>, vector<1x16xf32>,
        %get3A_231 = vector.shape_cast %get3A_230 : vector<1x16xf32> to vector<16xf32>
        %get3A_232 = arith.index_cast %while3A_133 : i32 to index
        %get3A_233 = arith.constant 80 : index
        %get3A_234 = tpu.vector_load %arg13[%get3A_232, %get3A_233] {strides = array<i32>} : memref<80x128xf32, #tpu.memory_space<vmem>>, vector<1x16xf32>,
        %get3A_235 = vector.shape_cast %get3A_234 : vector<1x16xf32> to vector<16xf32>
        %add3A_236 = arith.addf %get3A_231, %get3A_235 : vector<16xf32>
        %swap3A_237 = arith.index_cast %min3A_145 : i32 to index
        %swap3A_238 = arith.constant 80 : index
        %swap3A_239 = tpu.vector_load %arg9[%swap3A_237, %swap3A_238] {strides = array<i32>} : memref<328x128xf32, #tpu.memory_space<vmem>>, vector<1x16xf32>,
        %swap3A_240 = vector.shape_cast %swap3A_239 : vector<1x16xf32> to vector<16xf32>
        %swap3A_241 = vector.shape_cast %add3A_236 : vector<16xf32> to vector<1x16xf32>
        tpu.vector_store %arg9[%swap3A_237, %swap3A_238], %swap3A_241 {strides = array<i32>} : memref<328x128xf32, #tpu.memory_space<vmem>>, vector<1x16xf32>,
        %get3A_242 = arith.index_cast %min3A_145 : i32 to index
        %get3A_243 = arith.constant 96 : index
        %get3A_244 = tpu.vector_load %arg9[%get3A_242, %get3A_243] {strides = array<i32>} : memref<328x128xf32, #tpu.memory_space<vmem>>, vector<1x16xf32>,
        %get3A_245 = vector.shape_cast %get3A_244 : vector<1x16xf32> to vector<16xf32>
        %get3A_246 = arith.index_cast %while3A_133 : i32 to index
        %get3A_247 = arith.constant 96 : index
        %get3A_248 = tpu.vector_load %arg13[%get3A_246, %get3A_247] {strides = array<i32>} : memref<80x128xf32, #tpu.memory_space<vmem>>, vector<1x16xf32>,
        %get3A_249 = vector.shape_cast %get3A_248 : vector<1x16xf32> to vector<16xf32>
        %add3A_250 = arith.addf %get3A_245, %get3A_249 : vector<16xf32>
        %swap3A_251 = arith.index_cast %min3A_145 : i32 to index
        %swap3A_252 = arith.constant 96 : index
        %swap3A_253 = tpu.vector_load %arg9[%swap3A_251, %swap3A_252] {strides = array<i32>} : memref<328x128xf32, #tpu.memory_space<vmem>>, vector<1x16xf32>,
        %swap3A_254 = vector.shape_cast %swap3A_253 : vector<1x16xf32> to vector<16xf32>
        %swap3A_255 = vector.shape_cast %add3A_250 : vector<16xf32> to vector<1x16xf32>
        tpu.vector_store %arg9[%swap3A_251, %swap3A_252], %swap3A_255 {strides = array<i32>} : memref<328x128xf32, #tpu.memory_space<vmem>>, vector<1x16xf32>,
        %get3A_256 = arith.index_cast %min3A_145 : i32 to index
        %get3A_257 = arith.constant 112 : index
        %get3A_258 = tpu.vector_load %arg9[%get3A_256, %get3A_257] {strides = array<i32>} : memref<328x128xf32, #tpu.memory_space<vmem>>, vector<1x16xf32>,
        %get3A_259 = vector.shape_cast %get3A_258 : vector<1x16xf32> to vector<16xf32>
        %get3A_260 = arith.index_cast %while3A_133 : i32 to index
        %get3A_261 = arith.constant 112 : index
        %get3A_262 = tpu.vector_load %arg13[%get3A_260, %get3A_261] {strides = array<i32>} : memref<80x128xf32, #tpu.memory_space<vmem>>, vector<1x16xf32>,
        %get3A_263 = vector.shape_cast %get3A_262 : vector<1x16xf32> to vector<16xf32>
        %add3A_264 = arith.addf %get3A_259, %get3A_263 : vector<16xf32>
        %swap3A_265 = arith.index_cast %min3A_145 : i32 to index
        %swap3A_266 = arith.constant 112 : index
        %swap3A_267 = tpu.vector_load %arg9[%swap3A_265, %swap3A_266] {strides = array<i32>} : memref<328x128xf32, #tpu.memory_space<vmem>>, vector<1x16xf32>,
        %swap3A_268 = vector.shape_cast %swap3A_267 : vector<1x16xf32> to vector<16xf32>
        %swap3A_269 = vector.shape_cast %add3A_264 : vector<16xf32> to vector<1x16xf32>
        tpu.vector_store %arg9[%swap3A_265, %swap3A_266], %swap3A_269 {strides = array<i32>} : memref<328x128xf32, #tpu.memory_space<vmem>>, vector<1x16xf32>,
      }
      %while3A_132 = arith.constant 1 : i32
      scf.for %while3A_133 = %while3A_130 to %while3A_126 step %while3A_132  : i32 {
        %get3A_134 = arith.index_cast %while3A_133 : i32 to index
        %get3A_135 = tpu.vector_load %arg12[%get3A_134] {strides = array<i32>} : memref<96xi32, #tpu.memory_space<vmem>>, vector<16xi32>,
        %get3A_136 = vector.shape_cast %get3A_135 : vector<16xi32> to vector<16xi32>
        %slice3A_137 = vector.extract_strided_slice %get3A_136 {offsets = [0], sizes = [1], strides = [1]} : vector<16xi32> to vector<1xi32>
        %squeeze3A_138 = vector.extract %slice3A_137[0] : i32 from vector<1xi32>
        %and3A_139 = arith.constant 16383 : i32
        %and3A_140 = arith.andi %squeeze3A_138, %and3A_139 : i32
        %sub3A_141 = arith.subi %and3A_140, %mul3A_2 : i32
        %jit3A_142 = arith.constant 0 : i32
        %jit3A_143 = arith.constant 320 : i32
        %max3A_144 = arith.maxsi %jit3A_142, %sub3A_141 : i32
        %min3A_145 = arith.minsi %jit3A_143, %max3A_144 : i32
        %get3A_146 = arith.index_cast %min3A_145 : i32 to index
        %get3A_147 = arith.constant 0 : index
        %get3A_148 = tpu.vector_load %arg10[%get3A_146, %get3A_147] {strides = array<i32>} : memref<328x16xf32, #tpu.memory_space<vmem>>, vector<1x16xf32>,
        %get3A_149 = vector.shape_cast %get3A_148 : vector<1x16xf32> to vector<16xf32>
        %add3A_150 = arith.constant 1.000000e+00 : f32
        %add3A_151 = vector.broadcast %add3A_150 : f32 to vector<16xf32>
        %add3A_152 = arith.addf %get3A_149, %add3A_151 : vector<16xf32>
        %swap3A_153 = arith.index_cast %min3A_145 : i32 to index
        %swap3A_154 = arith.constant 0 : index
        %swap3A_155 = tpu.vector_load %arg10[%swap3A_153, %swap3A_154] {strides = array<i32>} : memref<328x16xf32, #tpu.memory_space<vmem>>, vector<1x16xf32>,
        %swap3A_156 = vector.shape_cast %swap3A_155 : vector<1x16xf32> to vector<16xf32>
        %swap3A_157 = vector.shape_cast %add3A_152 : vector<16xf32> to vector<1x16xf32>
        tpu.vector_store %arg10[%swap3A_153, %swap3A_154], %swap3A_157 {strides = array<i32>} : memref<328x16xf32, #tpu.memory_space<vmem>>, vector<1x16xf32>,
        %get3A_158 = arith.index_cast %min3A_145 : i32 to index
        %get3A_159 = arith.constant 0 : index
        %get3A_160 = tpu.vector_load %arg9[%get3A_158, %get3A_159] {strides = array<i32>} : memref<328x128xf32, #tpu.memory_space<vmem>>, vector<1x16xf32>,
        %get3A_161 = vector.shape_cast %get3A_160 : vector<1x16xf32> to vector<16xf32>
        %get3A_162 = arith.index_cast %while3A_133 : i32 to index
        %get3A_163 = arith.constant 0 : index
        %get3A_164 = tpu.vector_load %arg13[%get3A_162, %get3A_163] {strides = array<i32>} : memref<80x128xf32, #tpu.memory_space<vmem>>, vector<1x16xf32>,
        %get3A_165 = vector.shape_cast %get3A_164 : vector<1x16xf32> to vector<16xf32>
        %add3A_166 = arith.addf %get3A_161, %get3A_165 : vector<16xf32>
        %swap3A_167 = arith.index_cast %min3A_145 : i32 to index
        %swap3A_168 = arith.constant 0 : index
        %swap3A_169 = tpu.vector_load %arg9[%swap3A_167, %swap3A_168] {strides = array<i32>} : memref<328x128xf32, #tpu.memory_space<vmem>>, vector<1x16xf32>,
        %swap3A_170 = vector.shape_cast %swap3A_169 : vector<1x16xf32> to vector<16xf32>
        %swap3A_171 = vector.shape_cast %add3A_166 : vector<16xf32> to vector<1x16xf32>
        tpu.vector_store %arg9[%swap3A_167, %swap3A_168], %swap3A_171 {strides = array<i32>} : memref<328x128xf32, #tpu.memory_space<vmem>>, vector<1x16xf32>,
        %get3A_172 = arith.index_cast %min3A_145 : i32 to index
        %get3A_173 = arith.constant 16 : index
        %get3A_174 = tpu.vector_load %arg9[%get3A_172, %get3A_173] {strides = array<i32>} : memref<328x128xf32, #tpu.memory_space<vmem>>, vector<1x16xf32>,
        %get3A_175 = vector.shape_cast %get3A_174 : vector<1x16xf32> to vector<16xf32>
        %get3A_176 = arith.index_cast %while3A_133 : i32 to index
        %get3A_177 = arith.constant 16 : index
        %get3A_178 = tpu.vector_load %arg13[%get3A_176, %get3A_177] {strides = array<i32>} : memref<80x128xf32, #tpu.memory_space<vmem>>, vector<1x16xf32>,
        %get3A_179 = vector.shape_cast %get3A_178 : vector<1x16xf32> to vector<16xf32>
        %add3A_180 = arith.addf %get3A_175, %get3A_179 : vector<16xf32>
        %swap3A_181 = arith.index_cast %min3A_145 : i32 to index
        %swap3A_182 = arith.constant 16 : index
        %swap3A_183 = tpu.vector_load %arg9[%swap3A_181, %swap3A_182] {strides = array<i32>} : memref<328x128xf32, #tpu.memory_space<vmem>>, vector<1x16xf32>,
        %swap3A_184 = vector.shape_cast %swap3A_183 : vector<1x16xf32> to vector<16xf32>
        %swap3A_185 = vector.shape_cast %add3A_180 : vector<16xf32> to vector<1x16xf32>
        tpu.vector_store %arg9[%swap3A_181, %swap3A_182], %swap3A_185 {strides = array<i32>} : memref<328x128xf32, #tpu.memory_space<vmem>>, vector<1x16xf32>,
        %get3A_186 = arith.index_cast %min3A_145 : i32 to index
        %get3A_187 = arith.constant 32 : index
        %get3A_188 = tpu.vector_load %arg9[%get3A_186, %get3A_187] {strides = array<i32>} : memref<328x128xf32, #tpu.memory_space<vmem>>, vector<1x16xf32>,
        %get3A_189 = vector.shape_cast %get3A_188 : vector<1x16xf32> to vector<16xf32>
        %get3A_190 = arith.index_cast %while3A_133 : i32 to index
        %get3A_191 = arith.constant 32 : index
        %get3A_192 = tpu.vector_load %arg13[%get3A_190, %get3A_191] {strides = array<i32>} : memref<80x128xf32, #tpu.memory_space<vmem>>, vector<1x16xf32>,
        %get3A_193 = vector.shape_cast %get3A_192 : vector<1x16xf32> to vector<16xf32>
        %add3A_194 = arith.addf %get3A_189, %get3A_193 : vector<16xf32>
        %swap3A_195 = arith.index_cast %min3A_145 : i32 to index
        %swap3A_196 = arith.constant 32 : index
        %swap3A_197 = tpu.vector_load %arg9[%swap3A_195, %swap3A_196] {strides = array<i32>} : memref<328x128xf32, #tpu.memory_space<vmem>>, vector<1x16xf32>,
        %swap3A_198 = vector.shape_cast %swap3A_197 : vector<1x16xf32> to vector<16xf32>
        %swap3A_199 = vector.shape_cast %add3A_194 : vector<16xf32> to vector<1x16xf32>
        tpu.vector_store %arg9[%swap3A_195, %swap3A_196], %swap3A_199 {strides = array<i32>} : memref<328x128xf32, #tpu.memory_space<vmem>>, vector<1x16xf32>,
        %get3A_200 = arith.index_cast %min3A_145 : i32 to index
        %get3A_201 = arith.constant 48 : index
        %get3A_202 = tpu.vector_load %arg9[%get3A_200, %get3A_201] {strides = array<i32>} : memref<328x128xf32, #tpu.memory_space<vmem>>, vector<1x16xf32>,
        %get3A_203 = vector.shape_cast %get3A_202 : vector<1x16xf32> to vector<16xf32>
        %get3A_204 = arith.index_cast %while3A_133 : i32 to index
        %get3A_205 = arith.constant 48 : index
        %get3A_206 = tpu.vector_load %arg13[%get3A_204, %get3A_205] {strides = array<i32>} : memref<80x128xf32, #tpu.memory_space<vmem>>, vector<1x16xf32>,
        %get3A_207 = vector.shape_cast %get3A_206 : vector<1x16xf32> to vector<16xf32>
        %add3A_208 = arith.addf %get3A_203, %get3A_207 : vector<16xf32>
        %swap3A_209 = arith.index_cast %min3A_145 : i32 to index
        %swap3A_210 = arith.constant 48 : index
        %swap3A_211 = tpu.vector_load %arg9[%swap3A_209, %swap3A_210] {strides = array<i32>} : memref<328x128xf32, #tpu.memory_space<vmem>>, vector<1x16xf32>,
        %swap3A_212 = vector.shape_cast %swap3A_211 : vector<1x16xf32> to vector<16xf32>
        %swap3A_213 = vector.shape_cast %add3A_208 : vector<16xf32> to vector<1x16xf32>
        tpu.vector_store %arg9[%swap3A_209, %swap3A_210], %swap3A_213 {strides = array<i32>} : memref<328x128xf32, #tpu.memory_space<vmem>>, vector<1x16xf32>,
        %get3A_214 = arith.index_cast %min3A_145 : i32 to index
        %get3A_215 = arith.constant 64 : index
        %get3A_216 = tpu.vector_load %arg9[%get3A_214, %get3A_215] {strides = array<i32>} : memref<328x128xf32, #tpu.memory_space<vmem>>, vector<1x16xf32>,
        %get3A_217 = vector.shape_cast %get3A_216 : vector<1x16xf32> to vector<16xf32>
        %get3A_218 = arith.index_cast %while3A_133 : i32 to index
        %get3A_219 = arith.constant 64 : index
        %get3A_220 = tpu.vector_load %arg13[%get3A_218, %get3A_219] {strides = array<i32>} : memref<80x128xf32, #tpu.memory_space<vmem>>, vector<1x16xf32>,
        %get3A_221 = vector.shape_cast %get3A_220 : vector<1x16xf32> to vector<16xf32>
        %add3A_222 = arith.addf %get3A_217, %get3A_221 : vector<16xf32>
        %swap3A_223 = arith.index_cast %min3A_145 : i32 to index
        %swap3A_224 = arith.constant 64 : index
        %swap3A_225 = tpu.vector_load %arg9[%swap3A_223, %swap3A_224] {strides = array<i32>} : memref<328x128xf32, #tpu.memory_space<vmem>>, vector<1x16xf32>,
        %swap3A_226 = vector.shape_cast %swap3A_225 : vector<1x16xf32> to vector<16xf32>
        %swap3A_227 = vector.shape_cast %add3A_222 : vector<16xf32> to vector<1x16xf32>
        tpu.vector_store %arg9[%swap3A_223, %swap3A_224], %swap3A_227 {strides = array<i32>} : memref<328x128xf32, #tpu.memory_space<vmem>>, vector<1x16xf32>,
        %get3A_228 = arith.index_cast %min3A_145 : i32 to index
        %get3A_229 = arith.constant 80 : index
        %get3A_230 = tpu.vector_load %arg9[%get3A_228, %get3A_229] {strides = array<i32>} : memref<328x128xf32, #tpu.memory_space<vmem>>, vector<1x16xf32>,
        %get3A_231 = vector.shape_cast %get3A_230 : vector<1x16xf32> to vector<16xf32>
        %get3A_232 = arith.index_cast %while3A_133 : i32 to index
        %get3A_233 = arith.constant 80 : index
        %get3A_234 = tpu.vector_load %arg13[%get3A_232, %get3A_233] {strides = array<i32>} : memref<80x128xf32, #tpu.memory_space<vmem>>, vector<1x16xf32>,
        %get3A_235 = vector.shape_cast %get3A_234 : vector<1x16xf32> to vector<16xf32>
        %add3A_236 = arith.addf %get3A_231, %get3A_235 : vector<16xf32>
        %swap3A_237 = arith.index_cast %min3A_145 : i32 to index
        %swap3A_238 = arith.constant 80 : index
        %swap3A_239 = tpu.vector_load %arg9[%swap3A_237, %swap3A_238] {strides = array<i32>} : memref<328x128xf32, #tpu.memory_space<vmem>>, vector<1x16xf32>,
        %swap3A_240 = vector.shape_cast %swap3A_239 : vector<1x16xf32> to vector<16xf32>
        %swap3A_241 = vector.shape_cast %add3A_236 : vector<16xf32> to vector<1x16xf32>
        tpu.vector_store %arg9[%swap3A_237, %swap3A_238], %swap3A_241 {strides = array<i32>} : memref<328x128xf32, #tpu.memory_space<vmem>>, vector<1x16xf32>,
        %get3A_242 = arith.index_cast %min3A_145 : i32 to index
        %get3A_243 = arith.constant 96 : index
        %get3A_244 = tpu.vector_load %arg9[%get3A_242, %get3A_243] {strides = array<i32>} : memref<328x128xf32, #tpu.memory_space<vmem>>, vector<1x16xf32>,
        %get3A_245 = vector.shape_cast %get3A_244 : vector<1x16xf32> to vector<16xf32>
        %get3A_246 = arith.index_cast %while3A_133 : i32 to index
        %get3A_247 = arith.constant 96 : index
        %get3A_248 = tpu.vector_load %arg13[%get3A_246, %get3A_247] {strides = array<i32>} : memref<80x128xf32, #tpu.memory_space<vmem>>, vector<1x16xf32>,
        %get3A_249 = vector.shape_cast %get3A_248 : vector<1x16xf32> to vector<16xf32>
        %add3A_250 = arith.addf %get3A_245, %get3A_249 : vector<16xf32>
        %swap3A_251 = arith.index_cast %min3A_145 : i32 to index
        %swap3A_252 = arith.constant 96 : index
        %swap3A_253 = tpu.vector_load %arg9[%swap3A_251, %swap3A_252] {strides = array<i32>} : memref<328x128xf32, #tpu.memory_space<vmem>>, vector<1x16xf32>,
        %swap3A_254 = vector.shape_cast %swap3A_253 : vector<1x16xf32> to vector<16xf32>
        %swap3A_255 = vector.shape_cast %add3A_250 : vector<16xf32> to vector<1x16xf32>
        tpu.vector_store %arg9[%swap3A_251, %swap3A_252], %swap3A_255 {strides = array<i32>} : memref<328x128xf32, #tpu.memory_space<vmem>>, vector<1x16xf32>,
        %get3A_256 = arith.index_cast %min3A_145 : i32 to index
        %get3A_257 = arith.constant 112 : index
        %get3A_258 = tpu.vector_load %arg9[%get3A_256, %get3A_257] {strides = array<i32>} : memref<328x128xf32, #tpu.memory_space<vmem>>, vector<1x16xf32>,
        %get3A_259 = vector.shape_cast %get3A_258 : vector<1x16xf32> to vector<16xf32>
        %get3A_260 = arith.index_cast %while3A_133 : i32 to index
        %get3A_261 = arith.constant 112 : index
        %get3A_262 = tpu.vector_load %arg13[%get3A_260, %get3A_261] {strides = array<i32>} : memref<80x128xf32, #tpu.memory_space<vmem>>, vector<1x16xf32>,
        %get3A_263 = vector.shape_cast %get3A_262 : vector<1x16xf32> to vector<16xf32>
        %add3A_264 = arith.addf %get3A_259, %get3A_263 : vector<16xf32>
        %swap3A_265 = arith.index_cast %min3A_145 : i32 to index
        %swap3A_266 = arith.constant 112 : index
        %swap3A_267 = tpu.vector_load %arg9[%swap3A_265, %swap3A_266] {strides = array<i32>} : memref<328x128xf32, #tpu.memory_space<vmem>>, vector<1x16xf32>,
        %swap3A_268 = vector.shape_cast %swap3A_267 : vector<1x16xf32> to vector<16xf32>
        %swap3A_269 = vector.shape_cast %add3A_264 : vector<16xf32> to vector<1x16xf32>
        tpu.vector_store %arg9[%swap3A_265, %swap3A_266], %swap3A_269 {strides = array<i32>} : memref<328x128xf32, #tpu.memory_space<vmem>>, vector<1x16xf32>,
      }
    }
    %while3A_33 = arith.constant 1 : i32
    scf.for %while3A_34 = %while3A_31 to %while3A_27 step %while3A_33  : i32 {
      %mul3A_35 = arith.constant 80 : i32
      %mul3A_36 = arith.muli %while3A_34, %mul3A_35 : i32
      %add3A_37 = arith.addi %mul3A_4, %mul3A_36 : i32
      "tpu.region"() ({
        %run_scoped3A = tpu.sem_alloc : memref<!tpu.dma_semaphore, #tpu.memory_space<semaphore_mem>>
        %dma_start3A_133 = arith.constant 0 : i32
        %dma_start3A_134 = tpu.memref_slice %arg12[%dma_start3A_133] : memref<96xi32, #tpu.memory_space<vmem>> -> memref<80xi32, #tpu.memory_space<vmem>>
        %dma_start3A_135 = tpu.memref_slice %arg3[%add3A_37] : memref<10240000xi32, #tpu.memory_space<hbm>> -> memref<80xi32, #tpu.memory_space<hbm>>
        %dma_start3A_136 = arith.constant 0 : i32
        %dma_start3A_137 = tpu.memref_slice %arg12[%dma_start3A_136] : memref<96xi32, #tpu.memory_space<vmem>> -> memref<80xi32, #tpu.memory_space<vmem>>
        %dma_start3A_138 = tpu.memref_slice %arg3[%add3A_37] : memref<10240000xi32, #tpu.memory_space<hbm>> -> memref<80xi32, #tpu.memory_space<hbm>>
        tpu.enqueue_dma source(%dma_start3A_138 : memref<80xi32, #tpu.memory_space<hbm>>) target(%dma_start3A_137 : memref<80xi32, #tpu.memory_space<vmem>>) target_semaphore(%run_scoped3A : memref<!tpu.dma_semaphore, #tpu.memory_space<semaphore_mem>>)
        %dma_wait3A_139 = arith.constant 0 : i32
        %dma_wait3A_140 = tpu.memref_slice %arg12[%dma_wait3A_139] : memref<96xi32, #tpu.memory_space<vmem>> -> memref<80xi32, #tpu.memory_space<vmem>>
        %dma_wait3A_141 = tpu.memref_slice %arg3[%add3A_37] : memref<10240000xi32, #tpu.memory_space<hbm>> -> memref<80xi32, #tpu.memory_space<hbm>>
        %dma_wait3A_142 = arith.constant 0 : i32
        %dma_wait3A_143 = tpu.memref_slice %arg12[%dma_wait3A_142] : memref<96xi32, #tpu.memory_space<vmem>> -> memref<80xi32, #tpu.memory_space<vmem>>
        %dma_wait3A_144 = tpu.memref_slice %arg3[%add3A_37] : memref<10240000xi32, #tpu.memory_space<hbm>> -> memref<80xi32, #tpu.memory_space<hbm>>
        tpu.wait_dma2 semaphore(%run_scoped3A : memref<!tpu.dma_semaphore, #tpu.memory_space<semaphore_mem>>) src(%dma_wait3A_144 : memref<80xi32, #tpu.memory_space<hbm>>) dst(%dma_wait3A_143 : memref<80xi32, #tpu.memory_space<vmem>>)
        tpu.yield
      }) : () -> ()
      %get3A_38 = arith.constant 0 : index
      %get3A_39 = tpu.vector_load %arg12[%get3A_38] {strides = array<i32>} : memref<96xi32, #tpu.memory_space<vmem>>, vector<16xi32>,
      %get3A_40 = vector.shape_cast %get3A_39 : vector<16xi32> to vector<16xi32>
      %shift_right_arithmetic3A = arith.constant 14 : i32
      %shift_right_arithmetic3A_41 = vector.broadcast %shift_right_arithmetic3A : i32 to vector<16xi32>
      %shift_right_arithmetic3A_42 = arith.shrsi %get3A_40, %shift_right_arithmetic3A_41 : vector<16xi32>
      %jit3A_43 = arith.constant 0 : i32
      %jit3A_44 = arith.constant 10239 : i32
      %max3A = vector.broadcast %jit3A_43 : i32 to vector<16xi32>
      %max3A_45 = arith.maxsi %max3A, %shift_right_arithmetic3A_42 : vector<16xi32>
      %min3A = vector.broadcast %jit3A_44 : i32 to vector<16xi32>
      %min3A_46 = arith.minsi %min3A, %max3A_45 : vector<16xi32>
      %swap3A = arith.constant 0 : index
      %swap3A_47 = tpu.vector_load %arg11[%swap3A] {strides = array<i32>} : memref<80xi32, #tpu.memory_space<vmem>>, vector<16xi32>,
      %swap3A_48 = vector.shape_cast %swap3A_47 : vector<16xi32> to vector<16xi32>
      %swap3A_49 = vector.shape_cast %min3A_46 : vector<16xi32> to vector<16xi32>
      tpu.vector_store %arg11[%swap3A], %swap3A_49 {strides = array<i32>} : memref<80xi32, #tpu.memory_space<vmem>>, vector<16xi32>,
      %get3A_50 = arith.constant 16 : index
      %get3A_51 = tpu.vector_load %arg12[%get3A_50] {strides = array<i32>} : memref<96xi32, #tpu.memory_space<vmem>>, vector<16xi32>,
      %get3A_52 = vector.shape_cast %get3A_51 : vector<16xi32> to vector<16xi32>
      %shift_right_arithmetic3A_53 = arith.constant 14 : i32
      %shift_right_arithmetic3A_54 = vector.broadcast %shift_right_arithmetic3A_53 : i32 to vector<16xi32>
      %shift_right_arithmetic3A_55 = arith.shrsi %get3A_52, %shift_right_arithmetic3A_54 : vector<16xi32>
      %jit3A_56 = arith.constant 0 : i32
      %jit3A_57 = arith.constant 10239 : i32
      %max3A_58 = vector.broadcast %jit3A_56 : i32 to vector<16xi32>
      %max3A_59 = arith.maxsi %max3A_58, %shift_right_arithmetic3A_55 : vector<16xi32>
      %min3A_60 = vector.broadcast %jit3A_57 : i32 to vector<16xi32>
      %min3A_61 = arith.minsi %min3A_60, %max3A_59 : vector<16xi32>
      %swap3A_62 = arith.constant 16 : index
      %swap3A_63 = tpu.vector_load %arg11[%swap3A_62] {strides = array<i32>} : memref<80xi32, #tpu.memory_space<vmem>>, vector<16xi32>,
      %swap3A_64 = vector.shape_cast %swap3A_63 : vector<16xi32> to vector<16xi32>
      %swap3A_65 = vector.shape_cast %min3A_61 : vector<16xi32> to vector<16xi32>
      tpu.vector_store %arg11[%swap3A_62], %swap3A_65 {strides = array<i32>} : memref<80xi32, #tpu.memory_space<vmem>>, vector<16xi32>,
      %get3A_66 = arith.constant 32 : index
      %get3A_67 = tpu.vector_load %arg12[%get3A_66] {strides = array<i32>} : memref<96xi32, #tpu.memory_space<vmem>>, vector<16xi32>,
      %get3A_68 = vector.shape_cast %get3A_67 : vector<16xi32> to vector<16xi32>
      %shift_right_arithmetic3A_69 = arith.constant 14 : i32
      %shift_right_arithmetic3A_70 = vector.broadcast %shift_right_arithmetic3A_69 : i32 to vector<16xi32>
      %shift_right_arithmetic3A_71 = arith.shrsi %get3A_68, %shift_right_arithmetic3A_70 : vector<16xi32>
      %jit3A_72 = arith.constant 0 : i32
      %jit3A_73 = arith.constant 10239 : i32
      %max3A_74 = vector.broadcast %jit3A_72 : i32 to vector<16xi32>
      %max3A_75 = arith.maxsi %max3A_74, %shift_right_arithmetic3A_71 : vector<16xi32>
      %min3A_76 = vector.broadcast %jit3A_73 : i32 to vector<16xi32>
      %min3A_77 = arith.minsi %min3A_76, %max3A_75 : vector<16xi32>
      %swap3A_78 = arith.constant 32 : index
      %swap3A_79 = tpu.vector_load %arg11[%swap3A_78] {strides = array<i32>} : memref<80xi32, #tpu.memory_space<vmem>>, vector<16xi32>,
      %swap3A_80 = vector.shape_cast %swap3A_79 : vector<16xi32> to vector<16xi32>
      %swap3A_81 = vector.shape_cast %min3A_77 : vector<16xi32> to vector<16xi32>
      tpu.vector_store %arg11[%swap3A_78], %swap3A_81 {strides = array<i32>} : memref<80xi32, #tpu.memory_space<vmem>>, vector<16xi32>,
      %get3A_82 = arith.constant 48 : index
      %get3A_83 = tpu.vector_load %arg12[%get3A_82] {strides = array<i32>} : memref<96xi32, #tpu.memory_space<vmem>>, vector<16xi32>,
      %get3A_84 = vector.shape_cast %get3A_83 : vector<16xi32> to vector<16xi32>
      %shift_right_arithmetic3A_85 = arith.constant 14 : i32
      %shift_right_arithmetic3A_86 = vector.broadcast %shift_right_arithmetic3A_85 : i32 to vector<16xi32>
      %shift_right_arithmetic3A_87 = arith.shrsi %get3A_84, %shift_right_arithmetic3A_86 : vector<16xi32>
      %jit3A_88 = arith.constant 0 : i32
      %jit3A_89 = arith.constant 10239 : i32
      %max3A_90 = vector.broadcast %jit3A_88 : i32 to vector<16xi32>
      %max3A_91 = arith.maxsi %max3A_90, %shift_right_arithmetic3A_87 : vector<16xi32>
      %min3A_92 = vector.broadcast %jit3A_89 : i32 to vector<16xi32>
      %min3A_93 = arith.minsi %min3A_92, %max3A_91 : vector<16xi32>
      %swap3A_94 = arith.constant 48 : index
      %swap3A_95 = tpu.vector_load %arg11[%swap3A_94] {strides = array<i32>} : memref<80xi32, #tpu.memory_space<vmem>>, vector<16xi32>,
      %swap3A_96 = vector.shape_cast %swap3A_95 : vector<16xi32> to vector<16xi32>
      %swap3A_97 = vector.shape_cast %min3A_93 : vector<16xi32> to vector<16xi32>
      tpu.vector_store %arg11[%swap3A_94], %swap3A_97 {strides = array<i32>} : memref<80xi32, #tpu.memory_space<vmem>>, vector<16xi32>,
      %get3A_98 = arith.constant 64 : index
      %get3A_99 = tpu.vector_load %arg12[%get3A_98] {strides = array<i32>} : memref<96xi32, #tpu.memory_space<vmem>>, vector<16xi32>,
      %get3A_100 = vector.shape_cast %get3A_99 : vector<16xi32> to vector<16xi32>
      %shift_right_arithmetic3A_101 = arith.constant 14 : i32
      %shift_right_arithmetic3A_102 = vector.broadcast %shift_right_arithmetic3A_101 : i32 to vector<16xi32>
      %shift_right_arithmetic3A_103 = arith.shrsi %get3A_100, %shift_right_arithmetic3A_102 : vector<16xi32>
      %jit3A_104 = arith.constant 0 : i32
      %jit3A_105 = arith.constant 10239 : i32
      %max3A_106 = vector.broadcast %jit3A_104 : i32 to vector<16xi32>
      %max3A_107 = arith.maxsi %max3A_106, %shift_right_arithmetic3A_103 : vector<16xi32>
      %min3A_108 = vector.broadcast %jit3A_105 : i32 to vector<16xi32>
      %min3A_109 = arith.minsi %min3A_108, %max3A_107 : vector<16xi32>
      %swap3A_110 = arith.constant 64 : index
      %swap3A_111 = tpu.vector_load %arg11[%swap3A_110] {strides = array<i32>} : memref<80xi32, #tpu.memory_space<vmem>>, vector<16xi32>,
      %swap3A_112 = vector.shape_cast %swap3A_111 : vector<16xi32> to vector<16xi32>
      %swap3A_113 = vector.shape_cast %min3A_109 : vector<16xi32> to vector<16xi32>
      tpu.vector_store %arg11[%swap3A_110], %swap3A_113 {strides = array<i32>} : memref<80xi32, #tpu.memory_space<vmem>>, vector<16xi32>,
      %dma_start3A = arith.constant 0 : i32
      %dma_start3A_114 = arith.constant 0 : i32
      %dma_start3A_115 = tpu.memref_slice %arg2[%dma_start3A, %dma_start3A_114] : memref<10240x128xf32, #tpu.memory_space<hbm>> -> memref<10240x128xf32, #tpu.memory_space<hbm>>
      tpu.enqueue_indirect_dma source(%dma_start3A_115 : memref<10240x128xf32, #tpu.memory_space<hbm>>) target(%arg13 : memref<80x128xf32, #tpu.memory_space<vmem>>) offsets(%arg11 : memref<80xi32, #tpu.memory_space<vmem>>) semaphore(%arg15 : memref<!tpu.dma_semaphore, #tpu.memory_space<semaphore_mem>>)
      %dma_wait3A = arith.constant 0 : i32
      %dma_wait3A_116 = arith.constant 0 : i32
      %dma_wait3A_117 = tpu.memref_slice %arg2[%dma_wait3A, %dma_wait3A_116] : memref<10240x128xf32, #tpu.memory_space<hbm>> -> memref<10240x128xf32, #tpu.memory_space<hbm>>
      tpu.wait_indirect_dma semaphore(%arg15 : memref<!tpu.dma_semaphore, #tpu.memory_space<semaphore_mem>>) src(%dma_wait3A_117 : memref<10240x128xf32, #tpu.memory_space<hbm>>) dst(%arg13 : memref<80x128xf32, #tpu.memory_space<vmem>>)
      %mul3A_118 = arith.constant 80 : i32
      %mul3A_119 = arith.muli %while3A_34, %mul3A_118 : i32
      %sub3A_120 = arith.subi %squeeze3A, %mul3A_119 : i32
      %min3A_121 = arith.constant 80 : i32
      %min3A_122 = arith.minsi %sub3A_120, %min3A_121 : i32
      %while3A_123 = arith.constant 0 : i32
      %while3A_124 = arith.constant 0 : i32
      %while3A_125 = arith.subi %min3A_122, %while3A_124 : i32
      %while3A_126 = arith.addi %while3A_124, %while3A_125 : i32
      %while3A_127 = arith.constant 1 : i32
      %while3A_128 = arith.divsi %while3A_125, %while3A_127 : i32
      %while3A_129 = arith.muli %while3A_128, %while3A_127 : i32
      %while3A_130 = arith.addi %while3A_124, %while3A_129 : i32
      %while3A_131 = arith.constant 1 : i32
      scf.for %while3A_133 = %while3A_124 to %while3A_130 step %while3A_131  : i32 {
        %get3A_134 = arith.index_cast %while3A_133 : i32 to index
        %get3A_135 = tpu.vector_load %arg12[%get3A_134] {strides = array<i32>} : memref<96xi32, #tpu.memory_space<vmem>>, vector<16xi32>,
        %get3A_136 = vector.shape_cast %get3A_135 : vector<16xi32> to vector<16xi32>
        %slice3A_137 = vector.extract_strided_slice %get3A_136 {offsets = [0], sizes = [1], strides = [1]} : vector<16xi32> to vector<1xi32>
        %squeeze3A_138 = vector.extract %slice3A_137[0] : i32 from vector<1xi32>
        %and3A_139 = arith.constant 16383 : i32
        %and3A_140 = arith.andi %squeeze3A_138, %and3A_139 : i32
        %sub3A_141 = arith.subi %and3A_140, %mul3A_2 : i32
        %jit3A_142 = arith.constant 0 : i32
        %jit3A_143 = arith.constant 320 : i32
        %max3A_144 = arith.maxsi %jit3A_142, %sub3A_141 : i32
        %min3A_145 = arith.minsi %jit3A_143, %max3A_144 : i32
        %get3A_146 = arith.index_cast %min3A_145 : i32 to index
        %get3A_147 = arith.constant 0 : index
        %get3A_148 = tpu.vector_load %arg10[%get3A_146, %get3A_147] {strides = array<i32>} : memref<328x16xf32, #tpu.memory_space<vmem>>, vector<1x16xf32>,
        %get3A_149 = vector.shape_cast %get3A_148 : vector<1x16xf32> to vector<16xf32>
        %add3A_150 = arith.constant 1.000000e+00 : f32
        %add3A_151 = vector.broadcast %add3A_150 : f32 to vector<16xf32>
        %add3A_152 = arith.addf %get3A_149, %add3A_151 : vector<16xf32>
        %swap3A_153 = arith.index_cast %min3A_145 : i32 to index
        %swap3A_154 = arith.constant 0 : index
        %swap3A_155 = tpu.vector_load %arg10[%swap3A_153, %swap3A_154] {strides = array<i32>} : memref<328x16xf32, #tpu.memory_space<vmem>>, vector<1x16xf32>,
        %swap3A_156 = vector.shape_cast %swap3A_155 : vector<1x16xf32> to vector<16xf32>
        %swap3A_157 = vector.shape_cast %add3A_152 : vector<16xf32> to vector<1x16xf32>
        tpu.vector_store %arg10[%swap3A_153, %swap3A_154], %swap3A_157 {strides = array<i32>} : memref<328x16xf32, #tpu.memory_space<vmem>>, vector<1x16xf32>,
        %get3A_158 = arith.index_cast %min3A_145 : i32 to index
        %get3A_159 = arith.constant 0 : index
        %get3A_160 = tpu.vector_load %arg9[%get3A_158, %get3A_159] {strides = array<i32>} : memref<328x128xf32, #tpu.memory_space<vmem>>, vector<1x16xf32>,
        %get3A_161 = vector.shape_cast %get3A_160 : vector<1x16xf32> to vector<16xf32>
        %get3A_162 = arith.index_cast %while3A_133 : i32 to index
        %get3A_163 = arith.constant 0 : index
        %get3A_164 = tpu.vector_load %arg13[%get3A_162, %get3A_163] {strides = array<i32>} : memref<80x128xf32, #tpu.memory_space<vmem>>, vector<1x16xf32>,
        %get3A_165 = vector.shape_cast %get3A_164 : vector<1x16xf32> to vector<16xf32>
        %add3A_166 = arith.addf %get3A_161, %get3A_165 : vector<16xf32>
        %swap3A_167 = arith.index_cast %min3A_145 : i32 to index
        %swap3A_168 = arith.constant 0 : index
        %swap3A_169 = tpu.vector_load %arg9[%swap3A_167, %swap3A_168] {strides = array<i32>} : memref<328x128xf32, #tpu.memory_space<vmem>>, vector<1x16xf32>,
        %swap3A_170 = vector.shape_cast %swap3A_169 : vector<1x16xf32> to vector<16xf32>
        %swap3A_171 = vector.shape_cast %add3A_166 : vector<16xf32> to vector<1x16xf32>
        tpu.vector_store %arg9[%swap3A_167, %swap3A_168], %swap3A_171 {strides = array<i32>} : memref<328x128xf32, #tpu.memory_space<vmem>>, vector<1x16xf32>,
        %get3A_172 = arith.index_cast %min3A_145 : i32 to index
        %get3A_173 = arith.constant 16 : index
        %get3A_174 = tpu.vector_load %arg9[%get3A_172, %get3A_173] {strides = array<i32>} : memref<328x128xf32, #tpu.memory_space<vmem>>, vector<1x16xf32>,
        %get3A_175 = vector.shape_cast %get3A_174 : vector<1x16xf32> to vector<16xf32>
        %get3A_176 = arith.index_cast %while3A_133 : i32 to index
        %get3A_177 = arith.constant 16 : index
        %get3A_178 = tpu.vector_load %arg13[%get3A_176, %get3A_177] {strides = array<i32>} : memref<80x128xf32, #tpu.memory_space<vmem>>, vector<1x16xf32>,
        %get3A_179 = vector.shape_cast %get3A_178 : vector<1x16xf32> to vector<16xf32>
        %add3A_180 = arith.addf %get3A_175, %get3A_179 : vector<16xf32>
        %swap3A_181 = arith.index_cast %min3A_145 : i32 to index
        %swap3A_182 = arith.constant 16 : index
        %swap3A_183 = tpu.vector_load %arg9[%swap3A_181, %swap3A_182] {strides = array<i32>} : memref<328x128xf32, #tpu.memory_space<vmem>>, vector<1x16xf32>,
        %swap3A_184 = vector.shape_cast %swap3A_183 : vector<1x16xf32> to vector<16xf32>
        %swap3A_185 = vector.shape_cast %add3A_180 : vector<16xf32> to vector<1x16xf32>
        tpu.vector_store %arg9[%swap3A_181, %swap3A_182], %swap3A_185 {strides = array<i32>} : memref<328x128xf32, #tpu.memory_space<vmem>>, vector<1x16xf32>,
        %get3A_186 = arith.index_cast %min3A_145 : i32 to index
        %get3A_187 = arith.constant 32 : index
        %get3A_188 = tpu.vector_load %arg9[%get3A_186, %get3A_187] {strides = array<i32>} : memref<328x128xf32, #tpu.memory_space<vmem>>, vector<1x16xf32>,
        %get3A_189 = vector.shape_cast %get3A_188 : vector<1x16xf32> to vector<16xf32>
        %get3A_190 = arith.index_cast %while3A_133 : i32 to index
        %get3A_191 = arith.constant 32 : index
        %get3A_192 = tpu.vector_load %arg13[%get3A_190, %get3A_191] {strides = array<i32>} : memref<80x128xf32, #tpu.memory_space<vmem>>, vector<1x16xf32>,
        %get3A_193 = vector.shape_cast %get3A_192 : vector<1x16xf32> to vector<16xf32>
        %add3A_194 = arith.addf %get3A_189, %get3A_193 : vector<16xf32>
        %swap3A_195 = arith.index_cast %min3A_145 : i32 to index
        %swap3A_196 = arith.constant 32 : index
        %swap3A_197 = tpu.vector_load %arg9[%swap3A_195, %swap3A_196] {strides = array<i32>} : memref<328x128xf32, #tpu.memory_space<vmem>>, vector<1x16xf32>,
        %swap3A_198 = vector.shape_cast %swap3A_197 : vector<1x16xf32> to vector<16xf32>
        %swap3A_199 = vector.shape_cast %add3A_194 : vector<16xf32> to vector<1x16xf32>
        tpu.vector_store %arg9[%swap3A_195, %swap3A_196], %swap3A_199 {strides = array<i32>} : memref<328x128xf32, #tpu.memory_space<vmem>>, vector<1x16xf32>,
        %get3A_200 = arith.index_cast %min3A_145 : i32 to index
        %get3A_201 = arith.constant 48 : index
        %get3A_202 = tpu.vector_load %arg9[%get3A_200, %get3A_201] {strides = array<i32>} : memref<328x128xf32, #tpu.memory_space<vmem>>, vector<1x16xf32>,
        %get3A_203 = vector.shape_cast %get3A_202 : vector<1x16xf32> to vector<16xf32>
        %get3A_204 = arith.index_cast %while3A_133 : i32 to index
        %get3A_205 = arith.constant 48 : index
        %get3A_206 = tpu.vector_load %arg13[%get3A_204, %get3A_205] {strides = array<i32>} : memref<80x128xf32, #tpu.memory_space<vmem>>, vector<1x16xf32>,
        %get3A_207 = vector.shape_cast %get3A_206 : vector<1x16xf32> to vector<16xf32>
        %add3A_208 = arith.addf %get3A_203, %get3A_207 : vector<16xf32>
        %swap3A_209 = arith.index_cast %min3A_145 : i32 to index
        %swap3A_210 = arith.constant 48 : index
        %swap3A_211 = tpu.vector_load %arg9[%swap3A_209, %swap3A_210] {strides = array<i32>} : memref<328x128xf32, #tpu.memory_space<vmem>>, vector<1x16xf32>,
        %swap3A_212 = vector.shape_cast %swap3A_211 : vector<1x16xf32> to vector<16xf32>
        %swap3A_213 = vector.shape_cast %add3A_208 : vector<16xf32> to vector<1x16xf32>
        tpu.vector_store %arg9[%swap3A_209, %swap3A_210], %swap3A_213 {strides = array<i32>} : memref<328x128xf32, #tpu.memory_space<vmem>>, vector<1x16xf32>,
        %get3A_214 = arith.index_cast %min3A_145 : i32 to index
        %get3A_215 = arith.constant 64 : index
        %get3A_216 = tpu.vector_load %arg9[%get3A_214, %get3A_215] {strides = array<i32>} : memref<328x128xf32, #tpu.memory_space<vmem>>, vector<1x16xf32>,
        %get3A_217 = vector.shape_cast %get3A_216 : vector<1x16xf32> to vector<16xf32>
        %get3A_218 = arith.index_cast %while3A_133 : i32 to index
        %get3A_219 = arith.constant 64 : index
        %get3A_220 = tpu.vector_load %arg13[%get3A_218, %get3A_219] {strides = array<i32>} : memref<80x128xf32, #tpu.memory_space<vmem>>, vector<1x16xf32>,
        %get3A_221 = vector.shape_cast %get3A_220 : vector<1x16xf32> to vector<16xf32>
        %add3A_222 = arith.addf %get3A_217, %get3A_221 : vector<16xf32>
        %swap3A_223 = arith.index_cast %min3A_145 : i32 to index
        %swap3A_224 = arith.constant 64 : index
        %swap3A_225 = tpu.vector_load %arg9[%swap3A_223, %swap3A_224] {strides = array<i32>} : memref<328x128xf32, #tpu.memory_space<vmem>>, vector<1x16xf32>,
        %swap3A_226 = vector.shape_cast %swap3A_225 : vector<1x16xf32> to vector<16xf32>
        %swap3A_227 = vector.shape_cast %add3A_222 : vector<16xf32> to vector<1x16xf32>
        tpu.vector_store %arg9[%swap3A_223, %swap3A_224], %swap3A_227 {strides = array<i32>} : memref<328x128xf32, #tpu.memory_space<vmem>>, vector<1x16xf32>,
        %get3A_228 = arith.index_cast %min3A_145 : i32 to index
        %get3A_229 = arith.constant 80 : index
        %get3A_230 = tpu.vector_load %arg9[%get3A_228, %get3A_229] {strides = array<i32>} : memref<328x128xf32, #tpu.memory_space<vmem>>, vector<1x16xf32>,
        %get3A_231 = vector.shape_cast %get3A_230 : vector<1x16xf32> to vector<16xf32>
        %get3A_232 = arith.index_cast %while3A_133 : i32 to index
        %get3A_233 = arith.constant 80 : index
        %get3A_234 = tpu.vector_load %arg13[%get3A_232, %get3A_233] {strides = array<i32>} : memref<80x128xf32, #tpu.memory_space<vmem>>, vector<1x16xf32>,
        %get3A_235 = vector.shape_cast %get3A_234 : vector<1x16xf32> to vector<16xf32>
        %add3A_236 = arith.addf %get3A_231, %get3A_235 : vector<16xf32>
        %swap3A_237 = arith.index_cast %min3A_145 : i32 to index
        %swap3A_238 = arith.constant 80 : index
        %swap3A_239 = tpu.vector_load %arg9[%swap3A_237, %swap3A_238] {strides = array<i32>} : memref<328x128xf32, #tpu.memory_space<vmem>>, vector<1x16xf32>,
        %swap3A_240 = vector.shape_cast %swap3A_239 : vector<1x16xf32> to vector<16xf32>
        %swap3A_241 = vector.shape_cast %add3A_236 : vector<16xf32> to vector<1x16xf32>
        tpu.vector_store %arg9[%swap3A_237, %swap3A_238], %swap3A_241 {strides = array<i32>} : memref<328x128xf32, #tpu.memory_space<vmem>>, vector<1x16xf32>,
        %get3A_242 = arith.index_cast %min3A_145 : i32 to index
        %get3A_243 = arith.constant 96 : index
        %get3A_244 = tpu.vector_load %arg9[%get3A_242, %get3A_243] {strides = array<i32>} : memref<328x128xf32, #tpu.memory_space<vmem>>, vector<1x16xf32>,
        %get3A_245 = vector.shape_cast %get3A_244 : vector<1x16xf32> to vector<16xf32>
        %get3A_246 = arith.index_cast %while3A_133 : i32 to index
        %get3A_247 = arith.constant 96 : index
        %get3A_248 = tpu.vector_load %arg13[%get3A_246, %get3A_247] {strides = array<i32>} : memref<80x128xf32, #tpu.memory_space<vmem>>, vector<1x16xf32>,
        %get3A_249 = vector.shape_cast %get3A_248 : vector<1x16xf32> to vector<16xf32>
        %add3A_250 = arith.addf %get3A_245, %get3A_249 : vector<16xf32>
        %swap3A_251 = arith.index_cast %min3A_145 : i32 to index
        %swap3A_252 = arith.constant 96 : index
        %swap3A_253 = tpu.vector_load %arg9[%swap3A_251, %swap3A_252] {strides = array<i32>} : memref<328x128xf32, #tpu.memory_space<vmem>>, vector<1x16xf32>,
        %swap3A_254 = vector.shape_cast %swap3A_253 : vector<1x16xf32> to vector<16xf32>
        %swap3A_255 = vector.shape_cast %add3A_250 : vector<16xf32> to vector<1x16xf32>
        tpu.vector_store %arg9[%swap3A_251, %swap3A_252], %swap3A_255 {strides = array<i32>} : memref<328x128xf32, #tpu.memory_space<vmem>>, vector<1x16xf32>,
        %get3A_256 = arith.index_cast %min3A_145 : i32 to index
        %get3A_257 = arith.constant 112 : index
        %get3A_258 = tpu.vector_load %arg9[%get3A_256, %get3A_257] {strides = array<i32>} : memref<328x128xf32, #tpu.memory_space<vmem>>, vector<1x16xf32>,
        %get3A_259 = vector.shape_cast %get3A_258 : vector<1x16xf32> to vector<16xf32>
        %get3A_260 = arith.index_cast %while3A_133 : i32 to index
        %get3A_261 = arith.constant 112 : index
        %get3A_262 = tpu.vector_load %arg13[%get3A_260, %get3A_261] {strides = array<i32>} : memref<80x128xf32, #tpu.memory_space<vmem>>, vector<1x16xf32>,
        %get3A_263 = vector.shape_cast %get3A_262 : vector<1x16xf32> to vector<16xf32>
        %add3A_264 = arith.addf %get3A_259, %get3A_263 : vector<16xf32>
        %swap3A_265 = arith.index_cast %min3A_145 : i32 to index
        %swap3A_266 = arith.constant 112 : index
        %swap3A_267 = tpu.vector_load %arg9[%swap3A_265, %swap3A_266] {strides = array<i32>} : memref<328x128xf32, #tpu.memory_space<vmem>>, vector<1x16xf32>,
        %swap3A_268 = vector.shape_cast %swap3A_267 : vector<1x16xf32> to vector<16xf32>
        %swap3A_269 = vector.shape_cast %add3A_264 : vector<16xf32> to vector<1x16xf32>
        tpu.vector_store %arg9[%swap3A_265, %swap3A_266], %swap3A_269 {strides = array<i32>} : memref<328x128xf32, #tpu.memory_space<vmem>>, vector<1x16xf32>,
      }
      %while3A_132 = arith.constant 1 : i32
      scf.for %while3A_133 = %while3A_130 to %while3A_126 step %while3A_132  : i32 {
        %get3A_134 = arith.index_cast %while3A_133 : i32 to index
        %get3A_135 = tpu.vector_load %arg12[%get3A_134] {strides = array<i32>} : memref<96xi32, #tpu.memory_space<vmem>>, vector<16xi32>,
        %get3A_136 = vector.shape_cast %get3A_135 : vector<16xi32> to vector<16xi32>
        %slice3A_137 = vector.extract_strided_slice %get3A_136 {offsets = [0], sizes = [1], strides = [1]} : vector<16xi32> to vector<1xi32>
        %squeeze3A_138 = vector.extract %slice3A_137[0] : i32 from vector<1xi32>
        %and3A_139 = arith.constant 16383 : i32
        %and3A_140 = arith.andi %squeeze3A_138, %and3A_139 : i32
        %sub3A_141 = arith.subi %and3A_140, %mul3A_2 : i32
        %jit3A_142 = arith.constant 0 : i32
        %jit3A_143 = arith.constant 320 : i32
        %max3A_144 = arith.maxsi %jit3A_142, %sub3A_141 : i32
        %min3A_145 = arith.minsi %jit3A_143, %max3A_144 : i32
        %get3A_146 = arith.index_cast %min3A_145 : i32 to index
        %get3A_147 = arith.constant 0 : index
        %get3A_148 = tpu.vector_load %arg10[%get3A_146, %get3A_147] {strides = array<i32>} : memref<328x16xf32, #tpu.memory_space<vmem>>, vector<1x16xf32>,
        %get3A_149 = vector.shape_cast %get3A_148 : vector<1x16xf32> to vector<16xf32>
        %add3A_150 = arith.constant 1.000000e+00 : f32
        %add3A_151 = vector.broadcast %add3A_150 : f32 to vector<16xf32>
        %add3A_152 = arith.addf %get3A_149, %add3A_151 : vector<16xf32>
        %swap3A_153 = arith.index_cast %min3A_145 : i32 to index
        %swap3A_154 = arith.constant 0 : index
        %swap3A_155 = tpu.vector_load %arg10[%swap3A_153, %swap3A_154] {strides = array<i32>} : memref<328x16xf32, #tpu.memory_space<vmem>>, vector<1x16xf32>,
        %swap3A_156 = vector.shape_cast %swap3A_155 : vector<1x16xf32> to vector<16xf32>
        %swap3A_157 = vector.shape_cast %add3A_152 : vector<16xf32> to vector<1x16xf32>
        tpu.vector_store %arg10[%swap3A_153, %swap3A_154], %swap3A_157 {strides = array<i32>} : memref<328x16xf32, #tpu.memory_space<vmem>>, vector<1x16xf32>,
        %get3A_158 = arith.index_cast %min3A_145 : i32 to index
        %get3A_159 = arith.constant 0 : index
        %get3A_160 = tpu.vector_load %arg9[%get3A_158, %get3A_159] {strides = array<i32>} : memref<328x128xf32, #tpu.memory_space<vmem>>, vector<1x16xf32>,
        %get3A_161 = vector.shape_cast %get3A_160 : vector<1x16xf32> to vector<16xf32>
        %get3A_162 = arith.index_cast %while3A_133 : i32 to index
        %get3A_163 = arith.constant 0 : index
        %get3A_164 = tpu.vector_load %arg13[%get3A_162, %get3A_163] {strides = array<i32>} : memref<80x128xf32, #tpu.memory_space<vmem>>, vector<1x16xf32>,
        %get3A_165 = vector.shape_cast %get3A_164 : vector<1x16xf32> to vector<16xf32>
        %add3A_166 = arith.addf %get3A_161, %get3A_165 : vector<16xf32>
        %swap3A_167 = arith.index_cast %min3A_145 : i32 to index
        %swap3A_168 = arith.constant 0 : index
        %swap3A_169 = tpu.vector_load %arg9[%swap3A_167, %swap3A_168] {strides = array<i32>} : memref<328x128xf32, #tpu.memory_space<vmem>>, vector<1x16xf32>,
        %swap3A_170 = vector.shape_cast %swap3A_169 : vector<1x16xf32> to vector<16xf32>
        %swap3A_171 = vector.shape_cast %add3A_166 : vector<16xf32> to vector<1x16xf32>
        tpu.vector_store %arg9[%swap3A_167, %swap3A_168], %swap3A_171 {strides = array<i32>} : memref<328x128xf32, #tpu.memory_space<vmem>>, vector<1x16xf32>,
        %get3A_172 = arith.index_cast %min3A_145 : i32 to index
        %get3A_173 = arith.constant 16 : index
        %get3A_174 = tpu.vector_load %arg9[%get3A_172, %get3A_173] {strides = array<i32>} : memref<328x128xf32, #tpu.memory_space<vmem>>, vector<1x16xf32>,
        %get3A_175 = vector.shape_cast %get3A_174 : vector<1x16xf32> to vector<16xf32>
        %get3A_176 = arith.index_cast %while3A_133 : i32 to index
        %get3A_177 = arith.constant 16 : index
        %get3A_178 = tpu.vector_load %arg13[%get3A_176, %get3A_177] {strides = array<i32>} : memref<80x128xf32, #tpu.memory_space<vmem>>, vector<1x16xf32>,
        %get3A_179 = vector.shape_cast %get3A_178 : vector<1x16xf32> to vector<16xf32>
        %add3A_180 = arith.addf %get3A_175, %get3A_179 : vector<16xf32>
        %swap3A_181 = arith.index_cast %min3A_145 : i32 to index
        %swap3A_182 = arith.constant 16 : index
        %swap3A_183 = tpu.vector_load %arg9[%swap3A_181, %swap3A_182] {strides = array<i32>} : memref<328x128xf32, #tpu.memory_space<vmem>>, vector<1x16xf32>,
        %swap3A_184 = vector.shape_cast %swap3A_183 : vector<1x16xf32> to vector<16xf32>
        %swap3A_185 = vector.shape_cast %add3A_180 : vector<16xf32> to vector<1x16xf32>
        tpu.vector_store %arg9[%swap3A_181, %swap3A_182], %swap3A_185 {strides = array<i32>} : memref<328x128xf32, #tpu.memory_space<vmem>>, vector<1x16xf32>,
        %get3A_186 = arith.index_cast %min3A_145 : i32 to index
        %get3A_187 = arith.constant 32 : index
        %get3A_188 = tpu.vector_load %arg9[%get3A_186, %get3A_187] {strides = array<i32>} : memref<328x128xf32, #tpu.memory_space<vmem>>, vector<1x16xf32>,
        %get3A_189 = vector.shape_cast %get3A_188 : vector<1x16xf32> to vector<16xf32>
        %get3A_190 = arith.index_cast %while3A_133 : i32 to index
        %get3A_191 = arith.constant 32 : index
        %get3A_192 = tpu.vector_load %arg13[%get3A_190, %get3A_191] {strides = array<i32>} : memref<80x128xf32, #tpu.memory_space<vmem>>, vector<1x16xf32>,
        %get3A_193 = vector.shape_cast %get3A_192 : vector<1x16xf32> to vector<16xf32>
        %add3A_194 = arith.addf %get3A_189, %get3A_193 : vector<16xf32>
        %swap3A_195 = arith.index_cast %min3A_145 : i32 to index
        %swap3A_196 = arith.constant 32 : index
        %swap3A_197 = tpu.vector_load %arg9[%swap3A_195, %swap3A_196] {strides = array<i32>} : memref<328x128xf32, #tpu.memory_space<vmem>>, vector<1x16xf32>,
        %swap3A_198 = vector.shape_cast %swap3A_197 : vector<1x16xf32> to vector<16xf32>
        %swap3A_199 = vector.shape_cast %add3A_194 : vector<16xf32> to vector<1x16xf32>
        tpu.vector_store %arg9[%swap3A_195, %swap3A_196], %swap3A_199 {strides = array<i32>} : memref<328x128xf32, #tpu.memory_space<vmem>>, vector<1x16xf32>,
        %get3A_200 = arith.index_cast %min3A_145 : i32 to index
        %get3A_201 = arith.constant 48 : index
        %get3A_202 = tpu.vector_load %arg9[%get3A_200, %get3A_201] {strides = array<i32>} : memref<328x128xf32, #tpu.memory_space<vmem>>, vector<1x16xf32>,
        %get3A_203 = vector.shape_cast %get3A_202 : vector<1x16xf32> to vector<16xf32>
        %get3A_204 = arith.index_cast %while3A_133 : i32 to index
        %get3A_205 = arith.constant 48 : index
        %get3A_206 = tpu.vector_load %arg13[%get3A_204, %get3A_205] {strides = array<i32>} : memref<80x128xf32, #tpu.memory_space<vmem>>, vector<1x16xf32>,
        %get3A_207 = vector.shape_cast %get3A_206 : vector<1x16xf32> to vector<16xf32>
        %add3A_208 = arith.addf %get3A_203, %get3A_207 : vector<16xf32>
        %swap3A_209 = arith.index_cast %min3A_145 : i32 to index
        %swap3A_210 = arith.constant 48 : index
        %swap3A_211 = tpu.vector_load %arg9[%swap3A_209, %swap3A_210] {strides = array<i32>} : memref<328x128xf32, #tpu.memory_space<vmem>>, vector<1x16xf32>,
        %swap3A_212 = vector.shape_cast %swap3A_211 : vector<1x16xf32> to vector<16xf32>
        %swap3A_213 = vector.shape_cast %add3A_208 : vector<16xf32> to vector<1x16xf32>
        tpu.vector_store %arg9[%swap3A_209, %swap3A_210], %swap3A_213 {strides = array<i32>} : memref<328x128xf32, #tpu.memory_space<vmem>>, vector<1x16xf32>,
        %get3A_214 = arith.index_cast %min3A_145 : i32 to index
        %get3A_215 = arith.constant 64 : index
        %get3A_216 = tpu.vector_load %arg9[%get3A_214, %get3A_215] {strides = array<i32>} : memref<328x128xf32, #tpu.memory_space<vmem>>, vector<1x16xf32>,
        %get3A_217 = vector.shape_cast %get3A_216 : vector<1x16xf32> to vector<16xf32>
        %get3A_218 = arith.index_cast %while3A_133 : i32 to index
        %get3A_219 = arith.constant 64 : index
        %get3A_220 = tpu.vector_load %arg13[%get3A_218, %get3A_219] {strides = array<i32>} : memref<80x128xf32, #tpu.memory_space<vmem>>, vector<1x16xf32>,
        %get3A_221 = vector.shape_cast %get3A_220 : vector<1x16xf32> to vector<16xf32>
        %add3A_222 = arith.addf %get3A_217, %get3A_221 : vector<16xf32>
        %swap3A_223 = arith.index_cast %min3A_145 : i32 to index
        %swap3A_224 = arith.constant 64 : index
        %swap3A_225 = tpu.vector_load %arg9[%swap3A_223, %swap3A_224] {strides = array<i32>} : memref<328x128xf32, #tpu.memory_space<vmem>>, vector<1x16xf32>,
        %swap3A_226 = vector.shape_cast %swap3A_225 : vector<1x16xf32> to vector<16xf32>
        %swap3A_227 = vector.shape_cast %add3A_222 : vector<16xf32> to vector<1x16xf32>
        tpu.vector_store %arg9[%swap3A_223, %swap3A_224], %swap3A_227 {strides = array<i32>} : memref<328x128xf32, #tpu.memory_space<vmem>>, vector<1x16xf32>,
        %get3A_228 = arith.index_cast %min3A_145 : i32 to index
        %get3A_229 = arith.constant 80 : index
        %get3A_230 = tpu.vector_load %arg9[%get3A_228, %get3A_229] {strides = array<i32>} : memref<328x128xf32, #tpu.memory_space<vmem>>, vector<1x16xf32>,
        %get3A_231 = vector.shape_cast %get3A_230 : vector<1x16xf32> to vector<16xf32>
        %get3A_232 = arith.index_cast %while3A_133 : i32 to index
        %get3A_233 = arith.constant 80 : index
        %get3A_234 = tpu.vector_load %arg13[%get3A_232, %get3A_233] {strides = array<i32>} : memref<80x128xf32, #tpu.memory_space<vmem>>, vector<1x16xf32>,
        %get3A_235 = vector.shape_cast %get3A_234 : vector<1x16xf32> to vector<16xf32>
        %add3A_236 = arith.addf %get3A_231, %get3A_235 : vector<16xf32>
        %swap3A_237 = arith.index_cast %min3A_145 : i32 to index
        %swap3A_238 = arith.constant 80 : index
        %swap3A_239 = tpu.vector_load %arg9[%swap3A_237, %swap3A_238] {strides = array<i32>} : memref<328x128xf32, #tpu.memory_space<vmem>>, vector<1x16xf32>,
        %swap3A_240 = vector.shape_cast %swap3A_239 : vector<1x16xf32> to vector<16xf32>
        %swap3A_241 = vector.shape_cast %add3A_236 : vector<16xf32> to vector<1x16xf32>
        tpu.vector_store %arg9[%swap3A_237, %swap3A_238], %swap3A_241 {strides = array<i32>} : memref<328x128xf32, #tpu.memory_space<vmem>>, vector<1x16xf32>,
        %get3A_242 = arith.index_cast %min3A_145 : i32 to index
        %get3A_243 = arith.constant 96 : index
        %get3A_244 = tpu.vector_load %arg9[%get3A_242, %get3A_243] {strides = array<i32>} : memref<328x128xf32, #tpu.memory_space<vmem>>, vector<1x16xf32>,
        %get3A_245 = vector.shape_cast %get3A_244 : vector<1x16xf32> to vector<16xf32>
        %get3A_246 = arith.index_cast %while3A_133 : i32 to index
        %get3A_247 = arith.constant 96 : index
        %get3A_248 = tpu.vector_load %arg13[%get3A_246, %get3A_247] {strides = array<i32>} : memref<80x128xf32, #tpu.memory_space<vmem>>, vector<1x16xf32>,
        %get3A_249 = vector.shape_cast %get3A_248 : vector<1x16xf32> to vector<16xf32>
        %add3A_250 = arith.addf %get3A_245, %get3A_249 : vector<16xf32>
        %swap3A_251 = arith.index_cast %min3A_145 : i32 to index
        %swap3A_252 = arith.constant 96 : index
        %swap3A_253 = tpu.vector_load %arg9[%swap3A_251, %swap3A_252] {strides = array<i32>} : memref<328x128xf32, #tpu.memory_space<vmem>>, vector<1x16xf32>,
        %swap3A_254 = vector.shape_cast %swap3A_253 : vector<1x16xf32> to vector<16xf32>
        %swap3A_255 = vector.shape_cast %add3A_250 : vector<16xf32> to vector<1x16xf32>
        tpu.vector_store %arg9[%swap3A_251, %swap3A_252], %swap3A_255 {strides = array<i32>} : memref<328x128xf32, #tpu.memory_space<vmem>>, vector<1x16xf32>,
        %get3A_256 = arith.index_cast %min3A_145 : i32 to index
        %get3A_257 = arith.constant 112 : index
        %get3A_258 = tpu.vector_load %arg9[%get3A_256, %get3A_257] {strides = array<i32>} : memref<328x128xf32, #tpu.memory_space<vmem>>, vector<1x16xf32>,
        %get3A_259 = vector.shape_cast %get3A_258 : vector<1x16xf32> to vector<16xf32>
        %get3A_260 = arith.index_cast %while3A_133 : i32 to index
        %get3A_261 = arith.constant 112 : index
        %get3A_262 = tpu.vector_load %arg13[%get3A_260, %get3A_261] {strides = array<i32>} : memref<80x128xf32, #tpu.memory_space<vmem>>, vector<1x16xf32>,
        %get3A_263 = vector.shape_cast %get3A_262 : vector<1x16xf32> to vector<16xf32>
        %add3A_264 = arith.addf %get3A_259, %get3A_263 : vector<16xf32>
        %swap3A_265 = arith.index_cast %min3A_145 : i32 to index
        %swap3A_266 = arith.constant 112 : index
        %swap3A_267 = tpu.vector_load %arg9[%swap3A_265, %swap3A_266] {strides = array<i32>} : memref<328x128xf32, #tpu.memory_space<vmem>>, vector<1x16xf32>,
        %swap3A_268 = vector.shape_cast %swap3A_267 : vector<1x16xf32> to vector<16xf32>
        %swap3A_269 = vector.shape_cast %add3A_264 : vector<16xf32> to vector<1x16xf32>
        tpu.vector_store %arg9[%swap3A_265, %swap3A_266], %swap3A_269 {strides = array<i32>} : memref<328x128xf32, #tpu.memory_space<vmem>>, vector<1x16xf32>,
      }
    }
    "tpu.region"() ({
      %run_scoped3A = tpu.sem_alloc : memref<!tpu.dma_semaphore, #tpu.memory_space<semaphore_mem>>
      %dma_start3A = arith.constant 0 : i32
      %dma_start3A_34 = arith.constant 0 : i32
      %dma_start3A_35 = tpu.memref_slice %arg9[%dma_start3A, %dma_start3A_34] : memref<328x128xf32, #tpu.memory_space<vmem>> -> memref<320x128xf32, #tpu.memory_space<vmem>>
      %dma_start3A_36 = arith.constant 0 : i32
      %dma_start3A_37 = tpu.memref_slice %arg7[%mul3A_2, %dma_start3A_36] : memref<10240x128xf32, #tpu.memory_space<hbm>> -> memref<320x128xf32, #tpu.memory_space<hbm>>
      %dma_start3A_38 = arith.constant 0 : i32
      %dma_start3A_39 = tpu.memref_slice %arg7[%mul3A_2, %dma_start3A_38] : memref<10240x128xf32, #tpu.memory_space<hbm>> -> memref<320x128xf32, #tpu.memory_space<hbm>>
      %dma_start3A_40 = arith.constant 0 : i32
      %dma_start3A_41 = arith.constant 0 : i32
      %dma_start3A_42 = tpu.memref_slice %arg9[%dma_start3A_40, %dma_start3A_41] : memref<328x128xf32, #tpu.memory_space<vmem>> -> memref<320x128xf32, #tpu.memory_space<vmem>>
      tpu.enqueue_dma source(%dma_start3A_42 : memref<320x128xf32, #tpu.memory_space<vmem>>) target(%dma_start3A_39 : memref<320x128xf32, #tpu.memory_space<hbm>>) target_semaphore(%run_scoped3A : memref<!tpu.dma_semaphore, #tpu.memory_space<semaphore_mem>>)
      %dma_wait3A = arith.constant 0 : i32
      %dma_wait3A_43 = arith.constant 0 : i32
      %dma_wait3A_44 = tpu.memref_slice %arg9[%dma_wait3A, %dma_wait3A_43] : memref<328x128xf32, #tpu.memory_space<vmem>> -> memref<320x128xf32, #tpu.memory_space<vmem>>
      %dma_wait3A_45 = arith.constant 0 : i32
      %dma_wait3A_46 = tpu.memref_slice %arg7[%mul3A_2, %dma_wait3A_45] : memref<10240x128xf32, #tpu.memory_space<hbm>> -> memref<320x128xf32, #tpu.memory_space<hbm>>
      %dma_wait3A_47 = arith.constant 0 : i32
      %dma_wait3A_48 = tpu.memref_slice %arg7[%mul3A_2, %dma_wait3A_47] : memref<10240x128xf32, #tpu.memory_space<hbm>> -> memref<320x128xf32, #tpu.memory_space<hbm>>
      %dma_wait3A_49 = arith.constant 0 : i32
      %dma_wait3A_50 = arith.constant 0 : i32
      %dma_wait3A_51 = tpu.memref_slice %arg9[%dma_wait3A_49, %dma_wait3A_50] : memref<328x128xf32, #tpu.memory_space<vmem>> -> memref<320x128xf32, #tpu.memory_space<vmem>>
      tpu.wait_dma2 semaphore(%run_scoped3A : memref<!tpu.dma_semaphore, #tpu.memory_space<semaphore_mem>>) src(%dma_wait3A_51 : memref<320x128xf32, #tpu.memory_space<vmem>>) dst(%dma_wait3A_48 : memref<320x128xf32, #tpu.memory_space<hbm>>)
      tpu.yield
    }) : () -> ()
    "tpu.region"() ({
      %run_scoped3A = tpu.sem_alloc : memref<!tpu.dma_semaphore, #tpu.memory_space<semaphore_mem>>
      %dma_start3A = arith.constant 0 : i32
      %dma_start3A_34 = arith.constant 0 : i32
      %dma_start3A_35 = tpu.memref_slice %arg10[%dma_start3A, %dma_start3A_34] : memref<328x16xf32, #tpu.memory_space<vmem>> -> memref<320x16xf32, #tpu.memory_space<vmem>>
      %dma_start3A_36 = arith.constant 0 : i32
      %dma_start3A_37 = tpu.memref_slice %arg8[%mul3A_2, %dma_start3A_36] : memref<10240x16xf32, #tpu.memory_space<hbm>> -> memref<320x16xf32, #tpu.memory_space<hbm>>
      %dma_start3A_38 = arith.constant 0 : i32
      %dma_start3A_39 = tpu.memref_slice %arg8[%mul3A_2, %dma_start3A_38] : memref<10240x16xf32, #tpu.memory_space<hbm>> -> memref<320x16xf32, #tpu.memory_space<hbm>>
      %dma_start3A_40 = arith.constant 0 : i32
      %dma_start3A_41 = arith.constant 0 : i32
      %dma_start3A_42 = tpu.memref_slice %arg10[%dma_start3A_40, %dma_start3A_41] : memref<328x16xf32, #tpu.memory_space<vmem>> -> memref<320x16xf32, #tpu.memory_space<vmem>>
      tpu.enqueue_dma source(%dma_start3A_42 : memref<320x16xf32, #tpu.memory_space<vmem>>) target(%dma_start3A_39 : memref<320x16xf32, #tpu.memory_space<hbm>>) target_semaphore(%run_scoped3A : memref<!tpu.dma_semaphore, #tpu.memory_space<semaphore_mem>>)
      %dma_wait3A = arith.constant 0 : i32
      %dma_wait3A_43 = arith.constant 0 : i32
      %dma_wait3A_44 = tpu.memref_slice %arg10[%dma_wait3A, %dma_wait3A_43] : memref<328x16xf32, #tpu.memory_space<vmem>> -> memref<320x16xf32, #tpu.memory_space<vmem>>
      %dma_wait3A_45 = arith.constant 0 : i32
      %dma_wait3A_46 = tpu.memref_slice %arg8[%mul3A_2, %dma_wait3A_45] : memref<10240x16xf32, #tpu.memory_space<hbm>> -> memref<320x16xf32, #tpu.memory_space<hbm>>
      %dma_wait3A_47 = arith.constant 0 : i32
      %dma_wait3A_48 = tpu.memref_slice %arg8[%mul3A_2, %dma_wait3A_47] : memref<10240x16xf32, #tpu.memory_space<hbm>> -> memref<320x16xf32, #tpu.memory_space<hbm>>
      %dma_wait3A_49 = arith.constant 0 : i32
      %dma_wait3A_50 = arith.constant 0 : i32
      %dma_wait3A_51 = tpu.memref_slice %arg10[%dma_wait3A_49, %dma_wait3A_50] : memref<328x16xf32, #tpu.memory_space<vmem>> -> memref<320x16xf32, #tpu.memory_space<vmem>>
      tpu.wait_dma2 semaphore(%run_scoped3A : memref<!tpu.dma_semaphore, #tpu.memory_space<semaphore_mem>>) src(%dma_wait3A_51 : memref<320x16xf32, #tpu.memory_space<vmem>>) dst(%dma_wait3A_48 : memref<320x16xf32, #tpu.memory_space<hbm>>)
      tpu.yield
    }) : () -> ()
    return
  }
}

module attributes {stable_mosaic.version = 14 : i64} {
  func.func @_rank_body(%arg0: i32, %arg1: memref<8x512xi32, #tpu.memory_space<vmem>>, %arg2: memref<8x512xi32, #tpu.memory_space<vmem>>, %arg3: memref<512x512xf32, #tpu.memory_space<vmem>>, %arg4: memref<8x512xi32, #tpu.memory_space<vmem>>, %arg5: memref<8x512xi32, #tpu.memory_space<vmem>>, %arg6: memref<1x32xf32, #tpu.memory_space<vmem>>, %arg7: memref<1x32xf32, #tpu.memory_space<vmem>>) attributes {dimension_semantics = [#tpu.dimension_semantics<arbitrary>], iteration_bounds = array<i64: 80>, scalar_prefetch = 0 : i64, scratch_operands = 1 : i64, tpu.core_type = #tpu.core_type<tc>, window_params = [{transform_indices = @transform_0, window_bounds = array<i64: 8, 512>}, {transform_indices = @transform_1, window_bounds = array<i64: 8, 512>}, {pipeline_mode = #tpu.pipeline_mode<synchronous>, transform_indices = @transform_2, window_bounds = array<i64: 512, 512>}, {transform_indices = @transform_3, window_bounds = array<i64: 8, 512>}, {transform_indices = @transform_4, window_bounds = array<i64: 8, 512>}, {pipeline_mode = #tpu.pipeline_mode<synchronous>, transform_indices = @transform_5, window_bounds = array<i64: 1, 32>}]} {
    %eq3A = arith.constant 0 : i32
    %eq3A_0 = arith.cmpi eq, %arg0, %eq3A : i32
    %convert_element_type3A = arith.extui %eq3A_0 : i1 to i32
    %cond3A = arith.constant 0 : i32
    %cond3A_1 = arith.cmpi ne, %convert_element_type3A, %cond3A : i32
    scf.if %cond3A_1 {
      %broadcast_in_dim3A_805 = arith.constant 0.000000e+00 : f32
      %broadcast_in_dim3A_806 = vector.broadcast %broadcast_in_dim3A_805 : f32 to vector<1x32xf32>
      %swap3A_807 = arith.constant 0 : index
      %swap3A_808 = arith.constant 0 : index
      %swap3A_809 = vector.load %arg7[%swap3A_807, %swap3A_808] : memref<1x32xf32, #tpu.memory_space<vmem>>, vector<1x32xf32>
      tpu.vector_store %arg7[%swap3A_807, %swap3A_808], %broadcast_in_dim3A_806 {strides = array<i32>} : memref<1x32xf32, #tpu.memory_space<vmem>>, vector<1x32xf32>,
    } else {
    }
    %get3A = arith.constant 0 : index
    %get3A_2 = arith.constant 0 : index
    %get3A_3 = vector.load %arg1[%get3A, %get3A_2] : memref<8x512xi32, #tpu.memory_space<vmem>>, vector<1x512xi32>
    %get3A_4 = vector.shape_cast %get3A_3 : vector<1x512xi32> to vector<512xi32>
    %jit3A = arith.constant 320 : i32
    %div3A = vector.broadcast %jit3A : i32 to vector<512xi32>
    %div3A_5 = arith.divsi %get3A_4, %div3A : vector<512xi32>
    %sign3A = arith.constant 0 : i32
    %sign3A_6 = vector.broadcast %sign3A : i32 to vector<512xi32>
    %sign3A_7 = arith.cmpi sgt, %get3A_4, %sign3A_6 : vector<512xi32>
    %sign3A_8 = arith.extui %sign3A_7 : vector<512xi1> to vector<512xi32>
    %sign3A_9 = arith.constant 0 : i32
    %sign3A_10 = vector.broadcast %sign3A_9 : i32 to vector<512xi32>
    %sign3A_11 = arith.cmpi slt, %get3A_4, %sign3A_10 : vector<512xi32>
    %sign3A_12 = arith.extui %sign3A_11 : vector<512xi1> to vector<512xi32>
    %sign3A_13 = arith.subi %sign3A_8, %sign3A_12 : vector<512xi32>
    %sign3A_14 = arith.constant 0 : i32
    %sign3A_15 = arith.cmpi sgt, %jit3A, %sign3A_14 : i32
    %sign3A_16 = arith.extui %sign3A_15 : i1 to i32
    %sign3A_17 = arith.constant 0 : i32
    %sign3A_18 = arith.cmpi slt, %jit3A, %sign3A_17 : i32
    %sign3A_19 = arith.extui %sign3A_18 : i1 to i32
    %sign3A_20 = arith.subi %sign3A_16, %sign3A_19 : i32
    %ne3A = vector.broadcast %sign3A_20 : i32 to vector<512xi32>
    %ne3A_21 = arith.cmpi ne, %sign3A_13, %ne3A : vector<512xi32>
    %rem3A = vector.broadcast %jit3A : i32 to vector<512xi32>
    %rem3A_22 = arith.remsi %get3A_4, %rem3A : vector<512xi32>
    %ne3A_23 = arith.constant 0 : i32
    %ne3A_24 = vector.broadcast %ne3A_23 : i32 to vector<512xi32>
    %ne3A_25 = arith.cmpi ne, %rem3A_22, %ne3A_24 : vector<512xi32>
    %and3A = arith.andi %ne3A_21, %ne3A_25 : vector<512xi1>
    %sub3A = arith.constant 1 : i32
    %sub3A_26 = vector.broadcast %sub3A : i32 to vector<512xi32>
    %sub3A_27 = arith.subi %div3A_5, %sub3A_26 : vector<512xi32>
    %select_n3A = arith.select %and3A, %sub3A_27, %div3A_5 : vector<512xi1>, vector<512xi32>
    %mul3A = arith.constant 8 : i32
    %mul3A_28 = arith.muli %arg0, %mul3A : i32
    %add3A = arith.constant 0 : i32
    %add3A_29 = arith.addi %mul3A_28, %add3A : i32
    %lt3A = arith.constant 625 : i32
    %lt3A_30 = arith.cmpi slt, %add3A_29, %lt3A : i32
    %convert_element_type3A_31 = arith.extui %lt3A_30 : i1 to i32
    %convert_element_type3A_32 = arith.sitofp %convert_element_type3A_31 : i32 to f32
    %broadcast_in_dim3A = vector.shape_cast %select_n3A : vector<512xi32> to vector<512x1xi32>
    %iota3A = tpu.iota {dimensions = array<i32: 1>} : vector<512x32xi32>
    %eq3A_33 = vector.broadcast %broadcast_in_dim3A : vector<512x1xi32> to vector<512x32xi32>
    %eq3A_34 = arith.cmpi eq, %eq3A_33, %iota3A : vector<512x32xi32>
    %convert_element_type3A_35 = arith.extui %eq3A_34 : vector<512x32xi1> to vector<512x32xi32>
    %convert_element_type3A_36 = arith.sitofp %convert_element_type3A_35 : vector<512x32xi32> to vector<512x32xf32>
    %mul3A_37 = vector.broadcast %convert_element_type3A_32 : f32 to vector<512x32xf32>
    %mul3A_38 = arith.mulf %convert_element_type3A_36, %mul3A_37 : vector<512x32xf32>
    %get3A_39 = arith.constant 0 : index
    %get3A_40 = arith.constant 0 : index
    %get3A_41 = vector.load %arg3[%get3A_39, %get3A_40] : memref<512x512xf32, #tpu.memory_space<vmem>>, vector<512x512xf32>
    %dot_general3A = arith.constant dense<0.000000e+00> : vector<512x32xf32>
    %dot_general3A_42 = tpu.matmul %get3A_41, %mul3A_38, %dot_general3A {dimension_numbers = #tpu.dot_dimension_numbers<[1], [0], [0], [1], [0, 0, 1, 1], [], []>, precision = #tpu.contract_precision<fp32>, transpose_lhs_hint = false} : vector<512x512xf32>, vector<512x32xf32>, vector<512x32xf32> -> vector<512x32xf32>
    %mul3A_43 = arith.mulf %dot_general3A_42, %mul3A_38 : vector<512x32xf32>
    %reduce_sum3A = arith.constant dense<0.000000e+00> : vector<512xf32>
    %reduce_sum3A_44 = vector.multi_reduction <add>, %mul3A_43, %reduce_sum3A [1] : vector<512x32xf32> to vector<512xf32>
    %get3A_45 = arith.constant 0 : index
    %get3A_46 = arith.constant 0 : index
    %get3A_47 = vector.load %arg7[%get3A_45, %get3A_46] : memref<1x32xf32, #tpu.memory_space<vmem>>, vector<1x32xf32>
    %get3A_48 = vector.shape_cast %get3A_47 : vector<1x32xf32> to vector<32xf32>
    %broadcast_in_dim3A_49 = vector.shape_cast %get3A_48 : vector<32xf32> to vector<1x32xf32>
    %mul3A_50 = vector.broadcast %broadcast_in_dim3A_49 : vector<1x32xf32> to vector<512x32xf32>
    %mul3A_51 = arith.mulf %mul3A_50, %mul3A_38 : vector<512x32xf32>
    %reduce_sum3A_52 = arith.constant dense<0.000000e+00> : vector<512xf32>
    %reduce_sum3A_53 = vector.multi_reduction <add>, %mul3A_51, %reduce_sum3A_52 [1] : vector<512x32xf32> to vector<512xf32>
    %mul3A_54 = arith.constant 320000 : i32
    %mul3A_55 = vector.broadcast %mul3A_54 : i32 to vector<512xi32>
    %mul3A_56 = arith.muli %select_n3A, %mul3A_55 : vector<512xi32>
    %add3A_57 = arith.addf %reduce_sum3A_44, %reduce_sum3A_53 : vector<512xf32>
    %convert_element_type3A_58 = arith.fptosi %add3A_57 : vector<512xf32> to vector<512xi32>
    %add3A_59 = arith.addi %mul3A_56, %convert_element_type3A_58 : vector<512xi32>
    %swap3A = arith.constant 0 : index
    %swap3A_60 = arith.constant 0 : index
    %swap3A_61 = vector.load %arg4[%swap3A, %swap3A_60] : memref<8x512xi32, #tpu.memory_space<vmem>>, vector<1x512xi32>
    %swap3A_62 = vector.shape_cast %swap3A_61 : vector<1x512xi32> to vector<512xi32>
    %swap3A_63 = vector.shape_cast %add3A_59 : vector<512xi32> to vector<1x512xi32>
    tpu.vector_store %arg4[%swap3A, %swap3A_60], %swap3A_63 {strides = array<i32>} : memref<8x512xi32, #tpu.memory_space<vmem>>, vector<1x512xi32>,
    %get3A_64 = arith.constant 0 : index
    %get3A_65 = arith.constant 0 : index
    %get3A_66 = vector.load %arg2[%get3A_64, %get3A_65] : memref<8x512xi32, #tpu.memory_space<vmem>>, vector<1x512xi32>
    %get3A_67 = vector.shape_cast %get3A_66 : vector<1x512xi32> to vector<512xi32>
    %shift_left3A = arith.constant 14 : i32
    %shift_left3A_68 = vector.broadcast %shift_left3A : i32 to vector<512xi32>
    %shift_left3A_69 = arith.shli %get3A_67, %shift_left3A_68 : vector<512xi32>
    %or3A = arith.ori %shift_left3A_69, %get3A_4 : vector<512xi32>
    %swap3A_70 = arith.constant 0 : index
    %swap3A_71 = arith.constant 0 : index
    %swap3A_72 = vector.load %arg5[%swap3A_70, %swap3A_71] : memref<8x512xi32, #tpu.memory_space<vmem>>, vector<1x512xi32>
    %swap3A_73 = vector.shape_cast %swap3A_72 : vector<1x512xi32> to vector<512xi32>
    %swap3A_74 = vector.shape_cast %or3A : vector<512xi32> to vector<1x512xi32>
    tpu.vector_store %arg5[%swap3A_70, %swap3A_71], %swap3A_74 {strides = array<i32>} : memref<8x512xi32, #tpu.memory_space<vmem>>, vector<1x512xi32>,
    %get3A_75 = arith.constant 0 : index
    %get3A_76 = arith.constant 0 : index
    %get3A_77 = vector.load %arg7[%get3A_75, %get3A_76] : memref<1x32xf32, #tpu.memory_space<vmem>>, vector<1x32xf32>
    %reduce_sum3A_78 = arith.constant dense<0.000000e+00> : vector<32xf32>
    %reduce_sum3A_79 = vector.multi_reduction <add>, %mul3A_38, %reduce_sum3A_78 [0] : vector<512x32xf32> to vector<32xf32>
    %broadcast_in_dim3A_80 = vector.shape_cast %reduce_sum3A_79 : vector<32xf32> to vector<1x32xf32>
    %add3A_81 = arith.addf %get3A_77, %broadcast_in_dim3A_80 : vector<1x32xf32>
    %swap3A_82 = arith.constant 0 : index
    %swap3A_83 = arith.constant 0 : index
    %swap3A_84 = vector.load %arg7[%swap3A_82, %swap3A_83] : memref<1x32xf32, #tpu.memory_space<vmem>>, vector<1x32xf32>
    tpu.vector_store %arg7[%swap3A_82, %swap3A_83], %add3A_81 {strides = array<i32>} : memref<1x32xf32, #tpu.memory_space<vmem>>, vector<1x32xf32>,
    %get3A_85 = arith.constant 1 : index
    %get3A_86 = arith.constant 0 : index
    %get3A_87 = vector.load %arg1[%get3A_85, %get3A_86] : memref<8x512xi32, #tpu.memory_space<vmem>>, vector<1x512xi32>
    %get3A_88 = vector.shape_cast %get3A_87 : vector<1x512xi32> to vector<512xi32>
    %jit3A_89 = arith.constant 320 : i32
    %div3A_90 = vector.broadcast %jit3A_89 : i32 to vector<512xi32>
    %div3A_91 = arith.divsi %get3A_88, %div3A_90 : vector<512xi32>
    %sign3A_92 = arith.constant 0 : i32
    %sign3A_93 = vector.broadcast %sign3A_92 : i32 to vector<512xi32>
    %sign3A_94 = arith.cmpi sgt, %get3A_88, %sign3A_93 : vector<512xi32>
    %sign3A_95 = arith.extui %sign3A_94 : vector<512xi1> to vector<512xi32>
    %sign3A_96 = arith.constant 0 : i32
    %sign3A_97 = vector.broadcast %sign3A_96 : i32 to vector<512xi32>
    %sign3A_98 = arith.cmpi slt, %get3A_88, %sign3A_97 : vector<512xi32>
    %sign3A_99 = arith.extui %sign3A_98 : vector<512xi1> to vector<512xi32>
    %sign3A_100 = arith.subi %sign3A_95, %sign3A_99 : vector<512xi32>
    %sign3A_101 = arith.constant 0 : i32
    %sign3A_102 = arith.cmpi sgt, %jit3A_89, %sign3A_101 : i32
    %sign3A_103 = arith.extui %sign3A_102 : i1 to i32
    %sign3A_104 = arith.constant 0 : i32
    %sign3A_105 = arith.cmpi slt, %jit3A_89, %sign3A_104 : i32
    %sign3A_106 = arith.extui %sign3A_105 : i1 to i32
    %sign3A_107 = arith.subi %sign3A_103, %sign3A_106 : i32
    %ne3A_108 = vector.broadcast %sign3A_107 : i32 to vector<512xi32>
    %ne3A_109 = arith.cmpi ne, %sign3A_100, %ne3A_108 : vector<512xi32>
    %rem3A_110 = vector.broadcast %jit3A_89 : i32 to vector<512xi32>
    %rem3A_111 = arith.remsi %get3A_88, %rem3A_110 : vector<512xi32>
    %ne3A_112 = arith.constant 0 : i32
    %ne3A_113 = vector.broadcast %ne3A_112 : i32 to vector<512xi32>
    %ne3A_114 = arith.cmpi ne, %rem3A_111, %ne3A_113 : vector<512xi32>
    %and3A_115 = arith.andi %ne3A_109, %ne3A_114 : vector<512xi1>
    %sub3A_116 = arith.constant 1 : i32
    %sub3A_117 = vector.broadcast %sub3A_116 : i32 to vector<512xi32>
    %sub3A_118 = arith.subi %div3A_91, %sub3A_117 : vector<512xi32>
    %select_n3A_119 = arith.select %and3A_115, %sub3A_118, %div3A_91 : vector<512xi1>, vector<512xi32>
    %mul3A_120 = arith.constant 8 : i32
    %mul3A_121 = arith.muli %arg0, %mul3A_120 : i32
    %add3A_122 = arith.constant 1 : i32
    %add3A_123 = arith.addi %mul3A_121, %add3A_122 : i32
    %lt3A_124 = arith.constant 625 : i32
    %lt3A_125 = arith.cmpi slt, %add3A_123, %lt3A_124 : i32
    %convert_element_type3A_126 = arith.extui %lt3A_125 : i1 to i32
    %convert_element_type3A_127 = arith.sitofp %convert_element_type3A_126 : i32 to f32
    %broadcast_in_dim3A_128 = vector.shape_cast %select_n3A_119 : vector<512xi32> to vector<512x1xi32>
    %iota3A_129 = tpu.iota {dimensions = array<i32: 1>} : vector<512x32xi32>
    %eq3A_130 = vector.broadcast %broadcast_in_dim3A_128 : vector<512x1xi32> to vector<512x32xi32>
    %eq3A_131 = arith.cmpi eq, %eq3A_130, %iota3A_129 : vector<512x32xi32>
    %convert_element_type3A_132 = arith.extui %eq3A_131 : vector<512x32xi1> to vector<512x32xi32>
    %convert_element_type3A_133 = arith.sitofp %convert_element_type3A_132 : vector<512x32xi32> to vector<512x32xf32>
    %mul3A_134 = vector.broadcast %convert_element_type3A_127 : f32 to vector<512x32xf32>
    %mul3A_135 = arith.mulf %convert_element_type3A_133, %mul3A_134 : vector<512x32xf32>
    %get3A_136 = arith.constant 0 : index
    %get3A_137 = arith.constant 0 : index
    %get3A_138 = vector.load %arg3[%get3A_136, %get3A_137] : memref<512x512xf32, #tpu.memory_space<vmem>>, vector<512x512xf32>
    %dot_general3A_139 = arith.constant dense<0.000000e+00> : vector<512x32xf32>
    %dot_general3A_140 = tpu.matmul %get3A_138, %mul3A_135, %dot_general3A_139 {dimension_numbers = #tpu.dot_dimension_numbers<[1], [0], [0], [1], [0, 0, 1, 1], [], []>, precision = #tpu.contract_precision<fp32>, transpose_lhs_hint = false} : vector<512x512xf32>, vector<512x32xf32>, vector<512x32xf32> -> vector<512x32xf32>
    %mul3A_141 = arith.mulf %dot_general3A_140, %mul3A_135 : vector<512x32xf32>
    %reduce_sum3A_142 = arith.constant dense<0.000000e+00> : vector<512xf32>
    %reduce_sum3A_143 = vector.multi_reduction <add>, %mul3A_141, %reduce_sum3A_142 [1] : vector<512x32xf32> to vector<512xf32>
    %get3A_144 = arith.constant 0 : index
    %get3A_145 = arith.constant 0 : index
    %get3A_146 = vector.load %arg7[%get3A_144, %get3A_145] : memref<1x32xf32, #tpu.memory_space<vmem>>, vector<1x32xf32>
    %get3A_147 = vector.shape_cast %get3A_146 : vector<1x32xf32> to vector<32xf32>
    %broadcast_in_dim3A_148 = vector.shape_cast %get3A_147 : vector<32xf32> to vector<1x32xf32>
    %mul3A_149 = vector.broadcast %broadcast_in_dim3A_148 : vector<1x32xf32> to vector<512x32xf32>
    %mul3A_150 = arith.mulf %mul3A_149, %mul3A_135 : vector<512x32xf32>
    %reduce_sum3A_151 = arith.constant dense<0.000000e+00> : vector<512xf32>
    %reduce_sum3A_152 = vector.multi_reduction <add>, %mul3A_150, %reduce_sum3A_151 [1] : vector<512x32xf32> to vector<512xf32>
    %mul3A_153 = arith.constant 320000 : i32
    %mul3A_154 = vector.broadcast %mul3A_153 : i32 to vector<512xi32>
    %mul3A_155 = arith.muli %select_n3A_119, %mul3A_154 : vector<512xi32>
    %add3A_156 = arith.addf %reduce_sum3A_143, %reduce_sum3A_152 : vector<512xf32>
    %convert_element_type3A_157 = arith.fptosi %add3A_156 : vector<512xf32> to vector<512xi32>
    %add3A_158 = arith.addi %mul3A_155, %convert_element_type3A_157 : vector<512xi32>
    %swap3A_159 = arith.constant 1 : index
    %swap3A_160 = arith.constant 0 : index
    %swap3A_161 = vector.load %arg4[%swap3A_159, %swap3A_160] : memref<8x512xi32, #tpu.memory_space<vmem>>, vector<1x512xi32>
    %swap3A_162 = vector.shape_cast %swap3A_161 : vector<1x512xi32> to vector<512xi32>
    %swap3A_163 = vector.shape_cast %add3A_158 : vector<512xi32> to vector<1x512xi32>
    tpu.vector_store %arg4[%swap3A_159, %swap3A_160], %swap3A_163 {strides = array<i32>} : memref<8x512xi32, #tpu.memory_space<vmem>>, vector<1x512xi32>,
    %get3A_164 = arith.constant 1 : index
    %get3A_165 = arith.constant 0 : index
    %get3A_166 = vector.load %arg2[%get3A_164, %get3A_165] : memref<8x512xi32, #tpu.memory_space<vmem>>, vector<1x512xi32>
    %get3A_167 = vector.shape_cast %get3A_166 : vector<1x512xi32> to vector<512xi32>
    %shift_left3A_168 = arith.constant 14 : i32
    %shift_left3A_169 = vector.broadcast %shift_left3A_168 : i32 to vector<512xi32>
    %shift_left3A_170 = arith.shli %get3A_167, %shift_left3A_169 : vector<512xi32>
    %or3A_171 = arith.ori %shift_left3A_170, %get3A_88 : vector<512xi32>
    %swap3A_172 = arith.constant 1 : index
    %swap3A_173 = arith.constant 0 : index
    %swap3A_174 = vector.load %arg5[%swap3A_172, %swap3A_173] : memref<8x512xi32, #tpu.memory_space<vmem>>, vector<1x512xi32>
    %swap3A_175 = vector.shape_cast %swap3A_174 : vector<1x512xi32> to vector<512xi32>
    %swap3A_176 = vector.shape_cast %or3A_171 : vector<512xi32> to vector<1x512xi32>
    tpu.vector_store %arg5[%swap3A_172, %swap3A_173], %swap3A_176 {strides = array<i32>} : memref<8x512xi32, #tpu.memory_space<vmem>>, vector<1x512xi32>,
    %get3A_177 = arith.constant 0 : index
    %get3A_178 = arith.constant 0 : index
    %get3A_179 = vector.load %arg7[%get3A_177, %get3A_178] : memref<1x32xf32, #tpu.memory_space<vmem>>, vector<1x32xf32>
    %reduce_sum3A_180 = arith.constant dense<0.000000e+00> : vector<32xf32>
    %reduce_sum3A_181 = vector.multi_reduction <add>, %mul3A_135, %reduce_sum3A_180 [0] : vector<512x32xf32> to vector<32xf32>
    %broadcast_in_dim3A_182 = vector.shape_cast %reduce_sum3A_181 : vector<32xf32> to vector<1x32xf32>
    %add3A_183 = arith.addf %get3A_179, %broadcast_in_dim3A_182 : vector<1x32xf32>
    %swap3A_184 = arith.constant 0 : index
    %swap3A_185 = arith.constant 0 : index
    %swap3A_186 = vector.load %arg7[%swap3A_184, %swap3A_185] : memref<1x32xf32, #tpu.memory_space<vmem>>, vector<1x32xf32>
    tpu.vector_store %arg7[%swap3A_184, %swap3A_185], %add3A_183 {strides = array<i32>} : memref<1x32xf32, #tpu.memory_space<vmem>>, vector<1x32xf32>,
    %get3A_187 = arith.constant 2 : index
    %get3A_188 = arith.constant 0 : index
    %get3A_189 = vector.load %arg1[%get3A_187, %get3A_188] : memref<8x512xi32, #tpu.memory_space<vmem>>, vector<1x512xi32>
    %get3A_190 = vector.shape_cast %get3A_189 : vector<1x512xi32> to vector<512xi32>
    %jit3A_191 = arith.constant 320 : i32
    %div3A_192 = vector.broadcast %jit3A_191 : i32 to vector<512xi32>
    %div3A_193 = arith.divsi %get3A_190, %div3A_192 : vector<512xi32>
    %sign3A_194 = arith.constant 0 : i32
    %sign3A_195 = vector.broadcast %sign3A_194 : i32 to vector<512xi32>
    %sign3A_196 = arith.cmpi sgt, %get3A_190, %sign3A_195 : vector<512xi32>
    %sign3A_197 = arith.extui %sign3A_196 : vector<512xi1> to vector<512xi32>
    %sign3A_198 = arith.constant 0 : i32
    %sign3A_199 = vector.broadcast %sign3A_198 : i32 to vector<512xi32>
    %sign3A_200 = arith.cmpi slt, %get3A_190, %sign3A_199 : vector<512xi32>
    %sign3A_201 = arith.extui %sign3A_200 : vector<512xi1> to vector<512xi32>
    %sign3A_202 = arith.subi %sign3A_197, %sign3A_201 : vector<512xi32>
    %sign3A_203 = arith.constant 0 : i32
    %sign3A_204 = arith.cmpi sgt, %jit3A_191, %sign3A_203 : i32
    %sign3A_205 = arith.extui %sign3A_204 : i1 to i32
    %sign3A_206 = arith.constant 0 : i32
    %sign3A_207 = arith.cmpi slt, %jit3A_191, %sign3A_206 : i32
    %sign3A_208 = arith.extui %sign3A_207 : i1 to i32
    %sign3A_209 = arith.subi %sign3A_205, %sign3A_208 : i32
    %ne3A_210 = vector.broadcast %sign3A_209 : i32 to vector<512xi32>
    %ne3A_211 = arith.cmpi ne, %sign3A_202, %ne3A_210 : vector<512xi32>
    %rem3A_212 = vector.broadcast %jit3A_191 : i32 to vector<512xi32>
    %rem3A_213 = arith.remsi %get3A_190, %rem3A_212 : vector<512xi32>
    %ne3A_214 = arith.constant 0 : i32
    %ne3A_215 = vector.broadcast %ne3A_214 : i32 to vector<512xi32>
    %ne3A_216 = arith.cmpi ne, %rem3A_213, %ne3A_215 : vector<512xi32>
    %and3A_217 = arith.andi %ne3A_211, %ne3A_216 : vector<512xi1>
    %sub3A_218 = arith.constant 1 : i32
    %sub3A_219 = vector.broadcast %sub3A_218 : i32 to vector<512xi32>
    %sub3A_220 = arith.subi %div3A_193, %sub3A_219 : vector<512xi32>
    %select_n3A_221 = arith.select %and3A_217, %sub3A_220, %div3A_193 : vector<512xi1>, vector<512xi32>
    %mul3A_222 = arith.constant 8 : i32
    %mul3A_223 = arith.muli %arg0, %mul3A_222 : i32
    %add3A_224 = arith.constant 2 : i32
    %add3A_225 = arith.addi %mul3A_223, %add3A_224 : i32
    %lt3A_226 = arith.constant 625 : i32
    %lt3A_227 = arith.cmpi slt, %add3A_225, %lt3A_226 : i32
    %convert_element_type3A_228 = arith.extui %lt3A_227 : i1 to i32
    %convert_element_type3A_229 = arith.sitofp %convert_element_type3A_228 : i32 to f32
    %broadcast_in_dim3A_230 = vector.shape_cast %select_n3A_221 : vector<512xi32> to vector<512x1xi32>
    %iota3A_231 = tpu.iota {dimensions = array<i32: 1>} : vector<512x32xi32>
    %eq3A_232 = vector.broadcast %broadcast_in_dim3A_230 : vector<512x1xi32> to vector<512x32xi32>
    %eq3A_233 = arith.cmpi eq, %eq3A_232, %iota3A_231 : vector<512x32xi32>
    %convert_element_type3A_234 = arith.extui %eq3A_233 : vector<512x32xi1> to vector<512x32xi32>
    %convert_element_type3A_235 = arith.sitofp %convert_element_type3A_234 : vector<512x32xi32> to vector<512x32xf32>
    %mul3A_236 = vector.broadcast %convert_element_type3A_229 : f32 to vector<512x32xf32>
    %mul3A_237 = arith.mulf %convert_element_type3A_235, %mul3A_236 : vector<512x32xf32>
    %get3A_238 = arith.constant 0 : index
    %get3A_239 = arith.constant 0 : index
    %get3A_240 = vector.load %arg3[%get3A_238, %get3A_239] : memref<512x512xf32, #tpu.memory_space<vmem>>, vector<512x512xf32>
    %dot_general3A_241 = arith.constant dense<0.000000e+00> : vector<512x32xf32>
    %dot_general3A_242 = tpu.matmul %get3A_240, %mul3A_237, %dot_general3A_241 {dimension_numbers = #tpu.dot_dimension_numbers<[1], [0], [0], [1], [0, 0, 1, 1], [], []>, precision = #tpu.contract_precision<fp32>, transpose_lhs_hint = false} : vector<512x512xf32>, vector<512x32xf32>, vector<512x32xf32> -> vector<512x32xf32>
    %mul3A_243 = arith.mulf %dot_general3A_242, %mul3A_237 : vector<512x32xf32>
    %reduce_sum3A_244 = arith.constant dense<0.000000e+00> : vector<512xf32>
    %reduce_sum3A_245 = vector.multi_reduction <add>, %mul3A_243, %reduce_sum3A_244 [1] : vector<512x32xf32> to vector<512xf32>
    %get3A_246 = arith.constant 0 : index
    %get3A_247 = arith.constant 0 : index
    %get3A_248 = vector.load %arg7[%get3A_246, %get3A_247] : memref<1x32xf32, #tpu.memory_space<vmem>>, vector<1x32xf32>
    %get3A_249 = vector.shape_cast %get3A_248 : vector<1x32xf32> to vector<32xf32>
    %broadcast_in_dim3A_250 = vector.shape_cast %get3A_249 : vector<32xf32> to vector<1x32xf32>
    %mul3A_251 = vector.broadcast %broadcast_in_dim3A_250 : vector<1x32xf32> to vector<512x32xf32>
    %mul3A_252 = arith.mulf %mul3A_251, %mul3A_237 : vector<512x32xf32>
    %reduce_sum3A_253 = arith.constant dense<0.000000e+00> : vector<512xf32>
    %reduce_sum3A_254 = vector.multi_reduction <add>, %mul3A_252, %reduce_sum3A_253 [1] : vector<512x32xf32> to vector<512xf32>
    %mul3A_255 = arith.constant 320000 : i32
    %mul3A_256 = vector.broadcast %mul3A_255 : i32 to vector<512xi32>
    %mul3A_257 = arith.muli %select_n3A_221, %mul3A_256 : vector<512xi32>
    %add3A_258 = arith.addf %reduce_sum3A_245, %reduce_sum3A_254 : vector<512xf32>
    %convert_element_type3A_259 = arith.fptosi %add3A_258 : vector<512xf32> to vector<512xi32>
    %add3A_260 = arith.addi %mul3A_257, %convert_element_type3A_259 : vector<512xi32>
    %swap3A_261 = arith.constant 2 : index
    %swap3A_262 = arith.constant 0 : index
    %swap3A_263 = vector.load %arg4[%swap3A_261, %swap3A_262] : memref<8x512xi32, #tpu.memory_space<vmem>>, vector<1x512xi32>
    %swap3A_264 = vector.shape_cast %swap3A_263 : vector<1x512xi32> to vector<512xi32>
    %swap3A_265 = vector.shape_cast %add3A_260 : vector<512xi32> to vector<1x512xi32>
    tpu.vector_store %arg4[%swap3A_261, %swap3A_262], %swap3A_265 {strides = array<i32>} : memref<8x512xi32, #tpu.memory_space<vmem>>, vector<1x512xi32>,
    %get3A_266 = arith.constant 2 : index
    %get3A_267 = arith.constant 0 : index
    %get3A_268 = vector.load %arg2[%get3A_266, %get3A_267] : memref<8x512xi32, #tpu.memory_space<vmem>>, vector<1x512xi32>
    %get3A_269 = vector.shape_cast %get3A_268 : vector<1x512xi32> to vector<512xi32>
    %shift_left3A_270 = arith.constant 14 : i32
    %shift_left3A_271 = vector.broadcast %shift_left3A_270 : i32 to vector<512xi32>
    %shift_left3A_272 = arith.shli %get3A_269, %shift_left3A_271 : vector<512xi32>
    %or3A_273 = arith.ori %shift_left3A_272, %get3A_190 : vector<512xi32>
    %swap3A_274 = arith.constant 2 : index
    %swap3A_275 = arith.constant 0 : index
    %swap3A_276 = vector.load %arg5[%swap3A_274, %swap3A_275] : memref<8x512xi32, #tpu.memory_space<vmem>>, vector<1x512xi32>
    %swap3A_277 = vector.shape_cast %swap3A_276 : vector<1x512xi32> to vector<512xi32>
    %swap3A_278 = vector.shape_cast %or3A_273 : vector<512xi32> to vector<1x512xi32>
    tpu.vector_store %arg5[%swap3A_274, %swap3A_275], %swap3A_278 {strides = array<i32>} : memref<8x512xi32, #tpu.memory_space<vmem>>, vector<1x512xi32>,
    %get3A_279 = arith.constant 0 : index
    %get3A_280 = arith.constant 0 : index
    %get3A_281 = vector.load %arg7[%get3A_279, %get3A_280] : memref<1x32xf32, #tpu.memory_space<vmem>>, vector<1x32xf32>
    %reduce_sum3A_282 = arith.constant dense<0.000000e+00> : vector<32xf32>
    %reduce_sum3A_283 = vector.multi_reduction <add>, %mul3A_237, %reduce_sum3A_282 [0] : vector<512x32xf32> to vector<32xf32>
    %broadcast_in_dim3A_284 = vector.shape_cast %reduce_sum3A_283 : vector<32xf32> to vector<1x32xf32>
    %add3A_285 = arith.addf %get3A_281, %broadcast_in_dim3A_284 : vector<1x32xf32>
    %swap3A_286 = arith.constant 0 : index
    %swap3A_287 = arith.constant 0 : index
    %swap3A_288 = vector.load %arg7[%swap3A_286, %swap3A_287] : memref<1x32xf32, #tpu.memory_space<vmem>>, vector<1x32xf32>
    tpu.vector_store %arg7[%swap3A_286, %swap3A_287], %add3A_285 {strides = array<i32>} : memref<1x32xf32, #tpu.memory_space<vmem>>, vector<1x32xf32>,
    %get3A_289 = arith.constant 3 : index
    %get3A_290 = arith.constant 0 : index
    %get3A_291 = vector.load %arg1[%get3A_289, %get3A_290] : memref<8x512xi32, #tpu.memory_space<vmem>>, vector<1x512xi32>
    %get3A_292 = vector.shape_cast %get3A_291 : vector<1x512xi32> to vector<512xi32>
    %jit3A_293 = arith.constant 320 : i32
    %div3A_294 = vector.broadcast %jit3A_293 : i32 to vector<512xi32>
    %div3A_295 = arith.divsi %get3A_292, %div3A_294 : vector<512xi32>
    %sign3A_296 = arith.constant 0 : i32
    %sign3A_297 = vector.broadcast %sign3A_296 : i32 to vector<512xi32>
    %sign3A_298 = arith.cmpi sgt, %get3A_292, %sign3A_297 : vector<512xi32>
    %sign3A_299 = arith.extui %sign3A_298 : vector<512xi1> to vector<512xi32>
    %sign3A_300 = arith.constant 0 : i32
    %sign3A_301 = vector.broadcast %sign3A_300 : i32 to vector<512xi32>
    %sign3A_302 = arith.cmpi slt, %get3A_292, %sign3A_301 : vector<512xi32>
    %sign3A_303 = arith.extui %sign3A_302 : vector<512xi1> to vector<512xi32>
    %sign3A_304 = arith.subi %sign3A_299, %sign3A_303 : vector<512xi32>
    %sign3A_305 = arith.constant 0 : i32
    %sign3A_306 = arith.cmpi sgt, %jit3A_293, %sign3A_305 : i32
    %sign3A_307 = arith.extui %sign3A_306 : i1 to i32
    %sign3A_308 = arith.constant 0 : i32
    %sign3A_309 = arith.cmpi slt, %jit3A_293, %sign3A_308 : i32
    %sign3A_310 = arith.extui %sign3A_309 : i1 to i32
    %sign3A_311 = arith.subi %sign3A_307, %sign3A_310 : i32
    %ne3A_312 = vector.broadcast %sign3A_311 : i32 to vector<512xi32>
    %ne3A_313 = arith.cmpi ne, %sign3A_304, %ne3A_312 : vector<512xi32>
    %rem3A_314 = vector.broadcast %jit3A_293 : i32 to vector<512xi32>
    %rem3A_315 = arith.remsi %get3A_292, %rem3A_314 : vector<512xi32>
    %ne3A_316 = arith.constant 0 : i32
    %ne3A_317 = vector.broadcast %ne3A_316 : i32 to vector<512xi32>
    %ne3A_318 = arith.cmpi ne, %rem3A_315, %ne3A_317 : vector<512xi32>
    %and3A_319 = arith.andi %ne3A_313, %ne3A_318 : vector<512xi1>
    %sub3A_320 = arith.constant 1 : i32
    %sub3A_321 = vector.broadcast %sub3A_320 : i32 to vector<512xi32>
    %sub3A_322 = arith.subi %div3A_295, %sub3A_321 : vector<512xi32>
    %select_n3A_323 = arith.select %and3A_319, %sub3A_322, %div3A_295 : vector<512xi1>, vector<512xi32>
    %mul3A_324 = arith.constant 8 : i32
    %mul3A_325 = arith.muli %arg0, %mul3A_324 : i32
    %add3A_326 = arith.constant 3 : i32
    %add3A_327 = arith.addi %mul3A_325, %add3A_326 : i32
    %lt3A_328 = arith.constant 625 : i32
    %lt3A_329 = arith.cmpi slt, %add3A_327, %lt3A_328 : i32
    %convert_element_type3A_330 = arith.extui %lt3A_329 : i1 to i32
    %convert_element_type3A_331 = arith.sitofp %convert_element_type3A_330 : i32 to f32
    %broadcast_in_dim3A_332 = vector.shape_cast %select_n3A_323 : vector<512xi32> to vector<512x1xi32>
    %iota3A_333 = tpu.iota {dimensions = array<i32: 1>} : vector<512x32xi32>
    %eq3A_334 = vector.broadcast %broadcast_in_dim3A_332 : vector<512x1xi32> to vector<512x32xi32>
    %eq3A_335 = arith.cmpi eq, %eq3A_334, %iota3A_333 : vector<512x32xi32>
    %convert_element_type3A_336 = arith.extui %eq3A_335 : vector<512x32xi1> to vector<512x32xi32>
    %convert_element_type3A_337 = arith.sitofp %convert_element_type3A_336 : vector<512x32xi32> to vector<512x32xf32>
    %mul3A_338 = vector.broadcast %convert_element_type3A_331 : f32 to vector<512x32xf32>
    %mul3A_339 = arith.mulf %convert_element_type3A_337, %mul3A_338 : vector<512x32xf32>
    %get3A_340 = arith.constant 0 : index
    %get3A_341 = arith.constant 0 : index
    %get3A_342 = vector.load %arg3[%get3A_340, %get3A_341] : memref<512x512xf32, #tpu.memory_space<vmem>>, vector<512x512xf32>
    %dot_general3A_343 = arith.constant dense<0.000000e+00> : vector<512x32xf32>
    %dot_general3A_344 = tpu.matmul %get3A_342, %mul3A_339, %dot_general3A_343 {dimension_numbers = #tpu.dot_dimension_numbers<[1], [0], [0], [1], [0, 0, 1, 1], [], []>, precision = #tpu.contract_precision<fp32>, transpose_lhs_hint = false} : vector<512x512xf32>, vector<512x32xf32>, vector<512x32xf32> -> vector<512x32xf32>
    %mul3A_345 = arith.mulf %dot_general3A_344, %mul3A_339 : vector<512x32xf32>
    %reduce_sum3A_346 = arith.constant dense<0.000000e+00> : vector<512xf32>
    %reduce_sum3A_347 = vector.multi_reduction <add>, %mul3A_345, %reduce_sum3A_346 [1] : vector<512x32xf32> to vector<512xf32>
    %get3A_348 = arith.constant 0 : index
    %get3A_349 = arith.constant 0 : index
    %get3A_350 = vector.load %arg7[%get3A_348, %get3A_349] : memref<1x32xf32, #tpu.memory_space<vmem>>, vector<1x32xf32>
    %get3A_351 = vector.shape_cast %get3A_350 : vector<1x32xf32> to vector<32xf32>
    %broadcast_in_dim3A_352 = vector.shape_cast %get3A_351 : vector<32xf32> to vector<1x32xf32>
    %mul3A_353 = vector.broadcast %broadcast_in_dim3A_352 : vector<1x32xf32> to vector<512x32xf32>
    %mul3A_354 = arith.mulf %mul3A_353, %mul3A_339 : vector<512x32xf32>
    %reduce_sum3A_355 = arith.constant dense<0.000000e+00> : vector<512xf32>
    %reduce_sum3A_356 = vector.multi_reduction <add>, %mul3A_354, %reduce_sum3A_355 [1] : vector<512x32xf32> to vector<512xf32>
    %mul3A_357 = arith.constant 320000 : i32
    %mul3A_358 = vector.broadcast %mul3A_357 : i32 to vector<512xi32>
    %mul3A_359 = arith.muli %select_n3A_323, %mul3A_358 : vector<512xi32>
    %add3A_360 = arith.addf %reduce_sum3A_347, %reduce_sum3A_356 : vector<512xf32>
    %convert_element_type3A_361 = arith.fptosi %add3A_360 : vector<512xf32> to vector<512xi32>
    %add3A_362 = arith.addi %mul3A_359, %convert_element_type3A_361 : vector<512xi32>
    %swap3A_363 = arith.constant 3 : index
    %swap3A_364 = arith.constant 0 : index
    %swap3A_365 = vector.load %arg4[%swap3A_363, %swap3A_364] : memref<8x512xi32, #tpu.memory_space<vmem>>, vector<1x512xi32>
    %swap3A_366 = vector.shape_cast %swap3A_365 : vector<1x512xi32> to vector<512xi32>
    %swap3A_367 = vector.shape_cast %add3A_362 : vector<512xi32> to vector<1x512xi32>
    tpu.vector_store %arg4[%swap3A_363, %swap3A_364], %swap3A_367 {strides = array<i32>} : memref<8x512xi32, #tpu.memory_space<vmem>>, vector<1x512xi32>,
    %get3A_368 = arith.constant 3 : index
    %get3A_369 = arith.constant 0 : index
    %get3A_370 = vector.load %arg2[%get3A_368, %get3A_369] : memref<8x512xi32, #tpu.memory_space<vmem>>, vector<1x512xi32>
    %get3A_371 = vector.shape_cast %get3A_370 : vector<1x512xi32> to vector<512xi32>
    %shift_left3A_372 = arith.constant 14 : i32
    %shift_left3A_373 = vector.broadcast %shift_left3A_372 : i32 to vector<512xi32>
    %shift_left3A_374 = arith.shli %get3A_371, %shift_left3A_373 : vector<512xi32>
    %or3A_375 = arith.ori %shift_left3A_374, %get3A_292 : vector<512xi32>
    %swap3A_376 = arith.constant 3 : index
    %swap3A_377 = arith.constant 0 : index
    %swap3A_378 = vector.load %arg5[%swap3A_376, %swap3A_377] : memref<8x512xi32, #tpu.memory_space<vmem>>, vector<1x512xi32>
    %swap3A_379 = vector.shape_cast %swap3A_378 : vector<1x512xi32> to vector<512xi32>
    %swap3A_380 = vector.shape_cast %or3A_375 : vector<512xi32> to vector<1x512xi32>
    tpu.vector_store %arg5[%swap3A_376, %swap3A_377], %swap3A_380 {strides = array<i32>} : memref<8x512xi32, #tpu.memory_space<vmem>>, vector<1x512xi32>,
    %get3A_381 = arith.constant 0 : index
    %get3A_382 = arith.constant 0 : index
    %get3A_383 = vector.load %arg7[%get3A_381, %get3A_382] : memref<1x32xf32, #tpu.memory_space<vmem>>, vector<1x32xf32>
    %reduce_sum3A_384 = arith.constant dense<0.000000e+00> : vector<32xf32>
    %reduce_sum3A_385 = vector.multi_reduction <add>, %mul3A_339, %reduce_sum3A_384 [0] : vector<512x32xf32> to vector<32xf32>
    %broadcast_in_dim3A_386 = vector.shape_cast %reduce_sum3A_385 : vector<32xf32> to vector<1x32xf32>
    %add3A_387 = arith.addf %get3A_383, %broadcast_in_dim3A_386 : vector<1x32xf32>
    %swap3A_388 = arith.constant 0 : index
    %swap3A_389 = arith.constant 0 : index
    %swap3A_390 = vector.load %arg7[%swap3A_388, %swap3A_389] : memref<1x32xf32, #tpu.memory_space<vmem>>, vector<1x32xf32>
    tpu.vector_store %arg7[%swap3A_388, %swap3A_389], %add3A_387 {strides = array<i32>} : memref<1x32xf32, #tpu.memory_space<vmem>>, vector<1x32xf32>,
    %get3A_391 = arith.constant 4 : index
    %get3A_392 = arith.constant 0 : index
    %get3A_393 = vector.load %arg1[%get3A_391, %get3A_392] : memref<8x512xi32, #tpu.memory_space<vmem>>, vector<1x512xi32>
    %get3A_394 = vector.shape_cast %get3A_393 : vector<1x512xi32> to vector<512xi32>
    %jit3A_395 = arith.constant 320 : i32
    %div3A_396 = vector.broadcast %jit3A_395 : i32 to vector<512xi32>
    %div3A_397 = arith.divsi %get3A_394, %div3A_396 : vector<512xi32>
    %sign3A_398 = arith.constant 0 : i32
    %sign3A_399 = vector.broadcast %sign3A_398 : i32 to vector<512xi32>
    %sign3A_400 = arith.cmpi sgt, %get3A_394, %sign3A_399 : vector<512xi32>
    %sign3A_401 = arith.extui %sign3A_400 : vector<512xi1> to vector<512xi32>
    %sign3A_402 = arith.constant 0 : i32
    %sign3A_403 = vector.broadcast %sign3A_402 : i32 to vector<512xi32>
    %sign3A_404 = arith.cmpi slt, %get3A_394, %sign3A_403 : vector<512xi32>
    %sign3A_405 = arith.extui %sign3A_404 : vector<512xi1> to vector<512xi32>
    %sign3A_406 = arith.subi %sign3A_401, %sign3A_405 : vector<512xi32>
    %sign3A_407 = arith.constant 0 : i32
    %sign3A_408 = arith.cmpi sgt, %jit3A_395, %sign3A_407 : i32
    %sign3A_409 = arith.extui %sign3A_408 : i1 to i32
    %sign3A_410 = arith.constant 0 : i32
    %sign3A_411 = arith.cmpi slt, %jit3A_395, %sign3A_410 : i32
    %sign3A_412 = arith.extui %sign3A_411 : i1 to i32
    %sign3A_413 = arith.subi %sign3A_409, %sign3A_412 : i32
    %ne3A_414 = vector.broadcast %sign3A_413 : i32 to vector<512xi32>
    %ne3A_415 = arith.cmpi ne, %sign3A_406, %ne3A_414 : vector<512xi32>
    %rem3A_416 = vector.broadcast %jit3A_395 : i32 to vector<512xi32>
    %rem3A_417 = arith.remsi %get3A_394, %rem3A_416 : vector<512xi32>
    %ne3A_418 = arith.constant 0 : i32
    %ne3A_419 = vector.broadcast %ne3A_418 : i32 to vector<512xi32>
    %ne3A_420 = arith.cmpi ne, %rem3A_417, %ne3A_419 : vector<512xi32>
    %and3A_421 = arith.andi %ne3A_415, %ne3A_420 : vector<512xi1>
    %sub3A_422 = arith.constant 1 : i32
    %sub3A_423 = vector.broadcast %sub3A_422 : i32 to vector<512xi32>
    %sub3A_424 = arith.subi %div3A_397, %sub3A_423 : vector<512xi32>
    %select_n3A_425 = arith.select %and3A_421, %sub3A_424, %div3A_397 : vector<512xi1>, vector<512xi32>
    %mul3A_426 = arith.constant 8 : i32
    %mul3A_427 = arith.muli %arg0, %mul3A_426 : i32
    %add3A_428 = arith.constant 4 : i32
    %add3A_429 = arith.addi %mul3A_427, %add3A_428 : i32
    %lt3A_430 = arith.constant 625 : i32
    %lt3A_431 = arith.cmpi slt, %add3A_429, %lt3A_430 : i32
    %convert_element_type3A_432 = arith.extui %lt3A_431 : i1 to i32
    %convert_element_type3A_433 = arith.sitofp %convert_element_type3A_432 : i32 to f32
    %broadcast_in_dim3A_434 = vector.shape_cast %select_n3A_425 : vector<512xi32> to vector<512x1xi32>
    %iota3A_435 = tpu.iota {dimensions = array<i32: 1>} : vector<512x32xi32>
    %eq3A_436 = vector.broadcast %broadcast_in_dim3A_434 : vector<512x1xi32> to vector<512x32xi32>
    %eq3A_437 = arith.cmpi eq, %eq3A_436, %iota3A_435 : vector<512x32xi32>
    %convert_element_type3A_438 = arith.extui %eq3A_437 : vector<512x32xi1> to vector<512x32xi32>
    %convert_element_type3A_439 = arith.sitofp %convert_element_type3A_438 : vector<512x32xi32> to vector<512x32xf32>
    %mul3A_440 = vector.broadcast %convert_element_type3A_433 : f32 to vector<512x32xf32>
    %mul3A_441 = arith.mulf %convert_element_type3A_439, %mul3A_440 : vector<512x32xf32>
    %get3A_442 = arith.constant 0 : index
    %get3A_443 = arith.constant 0 : index
    %get3A_444 = vector.load %arg3[%get3A_442, %get3A_443] : memref<512x512xf32, #tpu.memory_space<vmem>>, vector<512x512xf32>
    %dot_general3A_445 = arith.constant dense<0.000000e+00> : vector<512x32xf32>
    %dot_general3A_446 = tpu.matmul %get3A_444, %mul3A_441, %dot_general3A_445 {dimension_numbers = #tpu.dot_dimension_numbers<[1], [0], [0], [1], [0, 0, 1, 1], [], []>, precision = #tpu.contract_precision<fp32>, transpose_lhs_hint = false} : vector<512x512xf32>, vector<512x32xf32>, vector<512x32xf32> -> vector<512x32xf32>
    %mul3A_447 = arith.mulf %dot_general3A_446, %mul3A_441 : vector<512x32xf32>
    %reduce_sum3A_448 = arith.constant dense<0.000000e+00> : vector<512xf32>
    %reduce_sum3A_449 = vector.multi_reduction <add>, %mul3A_447, %reduce_sum3A_448 [1] : vector<512x32xf32> to vector<512xf32>
    %get3A_450 = arith.constant 0 : index
    %get3A_451 = arith.constant 0 : index
    %get3A_452 = vector.load %arg7[%get3A_450, %get3A_451] : memref<1x32xf32, #tpu.memory_space<vmem>>, vector<1x32xf32>
    %get3A_453 = vector.shape_cast %get3A_452 : vector<1x32xf32> to vector<32xf32>
    %broadcast_in_dim3A_454 = vector.shape_cast %get3A_453 : vector<32xf32> to vector<1x32xf32>
    %mul3A_455 = vector.broadcast %broadcast_in_dim3A_454 : vector<1x32xf32> to vector<512x32xf32>
    %mul3A_456 = arith.mulf %mul3A_455, %mul3A_441 : vector<512x32xf32>
    %reduce_sum3A_457 = arith.constant dense<0.000000e+00> : vector<512xf32>
    %reduce_sum3A_458 = vector.multi_reduction <add>, %mul3A_456, %reduce_sum3A_457 [1] : vector<512x32xf32> to vector<512xf32>
    %mul3A_459 = arith.constant 320000 : i32
    %mul3A_460 = vector.broadcast %mul3A_459 : i32 to vector<512xi32>
    %mul3A_461 = arith.muli %select_n3A_425, %mul3A_460 : vector<512xi32>
    %add3A_462 = arith.addf %reduce_sum3A_449, %reduce_sum3A_458 : vector<512xf32>
    %convert_element_type3A_463 = arith.fptosi %add3A_462 : vector<512xf32> to vector<512xi32>
    %add3A_464 = arith.addi %mul3A_461, %convert_element_type3A_463 : vector<512xi32>
    %swap3A_465 = arith.constant 4 : index
    %swap3A_466 = arith.constant 0 : index
    %swap3A_467 = vector.load %arg4[%swap3A_465, %swap3A_466] : memref<8x512xi32, #tpu.memory_space<vmem>>, vector<1x512xi32>
    %swap3A_468 = vector.shape_cast %swap3A_467 : vector<1x512xi32> to vector<512xi32>
    %swap3A_469 = vector.shape_cast %add3A_464 : vector<512xi32> to vector<1x512xi32>
    tpu.vector_store %arg4[%swap3A_465, %swap3A_466], %swap3A_469 {strides = array<i32>} : memref<8x512xi32, #tpu.memory_space<vmem>>, vector<1x512xi32>,
    %get3A_470 = arith.constant 4 : index
    %get3A_471 = arith.constant 0 : index
    %get3A_472 = vector.load %arg2[%get3A_470, %get3A_471] : memref<8x512xi32, #tpu.memory_space<vmem>>, vector<1x512xi32>
    %get3A_473 = vector.shape_cast %get3A_472 : vector<1x512xi32> to vector<512xi32>
    %shift_left3A_474 = arith.constant 14 : i32
    %shift_left3A_475 = vector.broadcast %shift_left3A_474 : i32 to vector<512xi32>
    %shift_left3A_476 = arith.shli %get3A_473, %shift_left3A_475 : vector<512xi32>
    %or3A_477 = arith.ori %shift_left3A_476, %get3A_394 : vector<512xi32>
    %swap3A_478 = arith.constant 4 : index
    %swap3A_479 = arith.constant 0 : index
    %swap3A_480 = vector.load %arg5[%swap3A_478, %swap3A_479] : memref<8x512xi32, #tpu.memory_space<vmem>>, vector<1x512xi32>
    %swap3A_481 = vector.shape_cast %swap3A_480 : vector<1x512xi32> to vector<512xi32>
    %swap3A_482 = vector.shape_cast %or3A_477 : vector<512xi32> to vector<1x512xi32>
    tpu.vector_store %arg5[%swap3A_478, %swap3A_479], %swap3A_482 {strides = array<i32>} : memref<8x512xi32, #tpu.memory_space<vmem>>, vector<1x512xi32>,
    %get3A_483 = arith.constant 0 : index
    %get3A_484 = arith.constant 0 : index
    %get3A_485 = vector.load %arg7[%get3A_483, %get3A_484] : memref<1x32xf32, #tpu.memory_space<vmem>>, vector<1x32xf32>
    %reduce_sum3A_486 = arith.constant dense<0.000000e+00> : vector<32xf32>
    %reduce_sum3A_487 = vector.multi_reduction <add>, %mul3A_441, %reduce_sum3A_486 [0] : vector<512x32xf32> to vector<32xf32>
    %broadcast_in_dim3A_488 = vector.shape_cast %reduce_sum3A_487 : vector<32xf32> to vector<1x32xf32>
    %add3A_489 = arith.addf %get3A_485, %broadcast_in_dim3A_488 : vector<1x32xf32>
    %swap3A_490 = arith.constant 0 : index
    %swap3A_491 = arith.constant 0 : index
    %swap3A_492 = vector.load %arg7[%swap3A_490, %swap3A_491] : memref<1x32xf32, #tpu.memory_space<vmem>>, vector<1x32xf32>
    tpu.vector_store %arg7[%swap3A_490, %swap3A_491], %add3A_489 {strides = array<i32>} : memref<1x32xf32, #tpu.memory_space<vmem>>, vector<1x32xf32>,
    %get3A_493 = arith.constant 5 : index
    %get3A_494 = arith.constant 0 : index
    %get3A_495 = vector.load %arg1[%get3A_493, %get3A_494] : memref<8x512xi32, #tpu.memory_space<vmem>>, vector<1x512xi32>
    %get3A_496 = vector.shape_cast %get3A_495 : vector<1x512xi32> to vector<512xi32>
    %jit3A_497 = arith.constant 320 : i32
    %div3A_498 = vector.broadcast %jit3A_497 : i32 to vector<512xi32>
    %div3A_499 = arith.divsi %get3A_496, %div3A_498 : vector<512xi32>
    %sign3A_500 = arith.constant 0 : i32
    %sign3A_501 = vector.broadcast %sign3A_500 : i32 to vector<512xi32>
    %sign3A_502 = arith.cmpi sgt, %get3A_496, %sign3A_501 : vector<512xi32>
    %sign3A_503 = arith.extui %sign3A_502 : vector<512xi1> to vector<512xi32>
    %sign3A_504 = arith.constant 0 : i32
    %sign3A_505 = vector.broadcast %sign3A_504 : i32 to vector<512xi32>
    %sign3A_506 = arith.cmpi slt, %get3A_496, %sign3A_505 : vector<512xi32>
    %sign3A_507 = arith.extui %sign3A_506 : vector<512xi1> to vector<512xi32>
    %sign3A_508 = arith.subi %sign3A_503, %sign3A_507 : vector<512xi32>
    %sign3A_509 = arith.constant 0 : i32
    %sign3A_510 = arith.cmpi sgt, %jit3A_497, %sign3A_509 : i32
    %sign3A_511 = arith.extui %sign3A_510 : i1 to i32
    %sign3A_512 = arith.constant 0 : i32
    %sign3A_513 = arith.cmpi slt, %jit3A_497, %sign3A_512 : i32
    %sign3A_514 = arith.extui %sign3A_513 : i1 to i32
    %sign3A_515 = arith.subi %sign3A_511, %sign3A_514 : i32
    %ne3A_516 = vector.broadcast %sign3A_515 : i32 to vector<512xi32>
    %ne3A_517 = arith.cmpi ne, %sign3A_508, %ne3A_516 : vector<512xi32>
    %rem3A_518 = vector.broadcast %jit3A_497 : i32 to vector<512xi32>
    %rem3A_519 = arith.remsi %get3A_496, %rem3A_518 : vector<512xi32>
    %ne3A_520 = arith.constant 0 : i32
    %ne3A_521 = vector.broadcast %ne3A_520 : i32 to vector<512xi32>
    %ne3A_522 = arith.cmpi ne, %rem3A_519, %ne3A_521 : vector<512xi32>
    %and3A_523 = arith.andi %ne3A_517, %ne3A_522 : vector<512xi1>
    %sub3A_524 = arith.constant 1 : i32
    %sub3A_525 = vector.broadcast %sub3A_524 : i32 to vector<512xi32>
    %sub3A_526 = arith.subi %div3A_499, %sub3A_525 : vector<512xi32>
    %select_n3A_527 = arith.select %and3A_523, %sub3A_526, %div3A_499 : vector<512xi1>, vector<512xi32>
    %mul3A_528 = arith.constant 8 : i32
    %mul3A_529 = arith.muli %arg0, %mul3A_528 : i32
    %add3A_530 = arith.constant 5 : i32
    %add3A_531 = arith.addi %mul3A_529, %add3A_530 : i32
    %lt3A_532 = arith.constant 625 : i32
    %lt3A_533 = arith.cmpi slt, %add3A_531, %lt3A_532 : i32
    %convert_element_type3A_534 = arith.extui %lt3A_533 : i1 to i32
    %convert_element_type3A_535 = arith.sitofp %convert_element_type3A_534 : i32 to f32
    %broadcast_in_dim3A_536 = vector.shape_cast %select_n3A_527 : vector<512xi32> to vector<512x1xi32>
    %iota3A_537 = tpu.iota {dimensions = array<i32: 1>} : vector<512x32xi32>
    %eq3A_538 = vector.broadcast %broadcast_in_dim3A_536 : vector<512x1xi32> to vector<512x32xi32>
    %eq3A_539 = arith.cmpi eq, %eq3A_538, %iota3A_537 : vector<512x32xi32>
    %convert_element_type3A_540 = arith.extui %eq3A_539 : vector<512x32xi1> to vector<512x32xi32>
    %convert_element_type3A_541 = arith.sitofp %convert_element_type3A_540 : vector<512x32xi32> to vector<512x32xf32>
    %mul3A_542 = vector.broadcast %convert_element_type3A_535 : f32 to vector<512x32xf32>
    %mul3A_543 = arith.mulf %convert_element_type3A_541, %mul3A_542 : vector<512x32xf32>
    %get3A_544 = arith.constant 0 : index
    %get3A_545 = arith.constant 0 : index
    %get3A_546 = vector.load %arg3[%get3A_544, %get3A_545] : memref<512x512xf32, #tpu.memory_space<vmem>>, vector<512x512xf32>
    %dot_general3A_547 = arith.constant dense<0.000000e+00> : vector<512x32xf32>
    %dot_general3A_548 = tpu.matmul %get3A_546, %mul3A_543, %dot_general3A_547 {dimension_numbers = #tpu.dot_dimension_numbers<[1], [0], [0], [1], [0, 0, 1, 1], [], []>, precision = #tpu.contract_precision<fp32>, transpose_lhs_hint = false} : vector<512x512xf32>, vector<512x32xf32>, vector<512x32xf32> -> vector<512x32xf32>
    %mul3A_549 = arith.mulf %dot_general3A_548, %mul3A_543 : vector<512x32xf32>
    %reduce_sum3A_550 = arith.constant dense<0.000000e+00> : vector<512xf32>
    %reduce_sum3A_551 = vector.multi_reduction <add>, %mul3A_549, %reduce_sum3A_550 [1] : vector<512x32xf32> to vector<512xf32>
    %get3A_552 = arith.constant 0 : index
    %get3A_553 = arith.constant 0 : index
    %get3A_554 = vector.load %arg7[%get3A_552, %get3A_553] : memref<1x32xf32, #tpu.memory_space<vmem>>, vector<1x32xf32>
    %get3A_555 = vector.shape_cast %get3A_554 : vector<1x32xf32> to vector<32xf32>
    %broadcast_in_dim3A_556 = vector.shape_cast %get3A_555 : vector<32xf32> to vector<1x32xf32>
    %mul3A_557 = vector.broadcast %broadcast_in_dim3A_556 : vector<1x32xf32> to vector<512x32xf32>
    %mul3A_558 = arith.mulf %mul3A_557, %mul3A_543 : vector<512x32xf32>
    %reduce_sum3A_559 = arith.constant dense<0.000000e+00> : vector<512xf32>
    %reduce_sum3A_560 = vector.multi_reduction <add>, %mul3A_558, %reduce_sum3A_559 [1] : vector<512x32xf32> to vector<512xf32>
    %mul3A_561 = arith.constant 320000 : i32
    %mul3A_562 = vector.broadcast %mul3A_561 : i32 to vector<512xi32>
    %mul3A_563 = arith.muli %select_n3A_527, %mul3A_562 : vector<512xi32>
    %add3A_564 = arith.addf %reduce_sum3A_551, %reduce_sum3A_560 : vector<512xf32>
    %convert_element_type3A_565 = arith.fptosi %add3A_564 : vector<512xf32> to vector<512xi32>
    %add3A_566 = arith.addi %mul3A_563, %convert_element_type3A_565 : vector<512xi32>
    %swap3A_567 = arith.constant 5 : index
    %swap3A_568 = arith.constant 0 : index
    %swap3A_569 = vector.load %arg4[%swap3A_567, %swap3A_568] : memref<8x512xi32, #tpu.memory_space<vmem>>, vector<1x512xi32>
    %swap3A_570 = vector.shape_cast %swap3A_569 : vector<1x512xi32> to vector<512xi32>
    %swap3A_571 = vector.shape_cast %add3A_566 : vector<512xi32> to vector<1x512xi32>
    tpu.vector_store %arg4[%swap3A_567, %swap3A_568], %swap3A_571 {strides = array<i32>} : memref<8x512xi32, #tpu.memory_space<vmem>>, vector<1x512xi32>,
    %get3A_572 = arith.constant 5 : index
    %get3A_573 = arith.constant 0 : index
    %get3A_574 = vector.load %arg2[%get3A_572, %get3A_573] : memref<8x512xi32, #tpu.memory_space<vmem>>, vector<1x512xi32>
    %get3A_575 = vector.shape_cast %get3A_574 : vector<1x512xi32> to vector<512xi32>
    %shift_left3A_576 = arith.constant 14 : i32
    %shift_left3A_577 = vector.broadcast %shift_left3A_576 : i32 to vector<512xi32>
    %shift_left3A_578 = arith.shli %get3A_575, %shift_left3A_577 : vector<512xi32>
    %or3A_579 = arith.ori %shift_left3A_578, %get3A_496 : vector<512xi32>
    %swap3A_580 = arith.constant 5 : index
    %swap3A_581 = arith.constant 0 : index
    %swap3A_582 = vector.load %arg5[%swap3A_580, %swap3A_581] : memref<8x512xi32, #tpu.memory_space<vmem>>, vector<1x512xi32>
    %swap3A_583 = vector.shape_cast %swap3A_582 : vector<1x512xi32> to vector<512xi32>
    %swap3A_584 = vector.shape_cast %or3A_579 : vector<512xi32> to vector<1x512xi32>
    tpu.vector_store %arg5[%swap3A_580, %swap3A_581], %swap3A_584 {strides = array<i32>} : memref<8x512xi32, #tpu.memory_space<vmem>>, vector<1x512xi32>,
    %get3A_585 = arith.constant 0 : index
    %get3A_586 = arith.constant 0 : index
    %get3A_587 = vector.load %arg7[%get3A_585, %get3A_586] : memref<1x32xf32, #tpu.memory_space<vmem>>, vector<1x32xf32>
    %reduce_sum3A_588 = arith.constant dense<0.000000e+00> : vector<32xf32>
    %reduce_sum3A_589 = vector.multi_reduction <add>, %mul3A_543, %reduce_sum3A_588 [0] : vector<512x32xf32> to vector<32xf32>
    %broadcast_in_dim3A_590 = vector.shape_cast %reduce_sum3A_589 : vector<32xf32> to vector<1x32xf32>
    %add3A_591 = arith.addf %get3A_587, %broadcast_in_dim3A_590 : vector<1x32xf32>
    %swap3A_592 = arith.constant 0 : index
    %swap3A_593 = arith.constant 0 : index
    %swap3A_594 = vector.load %arg7[%swap3A_592, %swap3A_593] : memref<1x32xf32, #tpu.memory_space<vmem>>, vector<1x32xf32>
    tpu.vector_store %arg7[%swap3A_592, %swap3A_593], %add3A_591 {strides = array<i32>} : memref<1x32xf32, #tpu.memory_space<vmem>>, vector<1x32xf32>,
    %get3A_595 = arith.constant 6 : index
    %get3A_596 = arith.constant 0 : index
    %get3A_597 = vector.load %arg1[%get3A_595, %get3A_596] : memref<8x512xi32, #tpu.memory_space<vmem>>, vector<1x512xi32>
    %get3A_598 = vector.shape_cast %get3A_597 : vector<1x512xi32> to vector<512xi32>
    %jit3A_599 = arith.constant 320 : i32
    %div3A_600 = vector.broadcast %jit3A_599 : i32 to vector<512xi32>
    %div3A_601 = arith.divsi %get3A_598, %div3A_600 : vector<512xi32>
    %sign3A_602 = arith.constant 0 : i32
    %sign3A_603 = vector.broadcast %sign3A_602 : i32 to vector<512xi32>
    %sign3A_604 = arith.cmpi sgt, %get3A_598, %sign3A_603 : vector<512xi32>
    %sign3A_605 = arith.extui %sign3A_604 : vector<512xi1> to vector<512xi32>
    %sign3A_606 = arith.constant 0 : i32
    %sign3A_607 = vector.broadcast %sign3A_606 : i32 to vector<512xi32>
    %sign3A_608 = arith.cmpi slt, %get3A_598, %sign3A_607 : vector<512xi32>
    %sign3A_609 = arith.extui %sign3A_608 : vector<512xi1> to vector<512xi32>
    %sign3A_610 = arith.subi %sign3A_605, %sign3A_609 : vector<512xi32>
    %sign3A_611 = arith.constant 0 : i32
    %sign3A_612 = arith.cmpi sgt, %jit3A_599, %sign3A_611 : i32
    %sign3A_613 = arith.extui %sign3A_612 : i1 to i32
    %sign3A_614 = arith.constant 0 : i32
    %sign3A_615 = arith.cmpi slt, %jit3A_599, %sign3A_614 : i32
    %sign3A_616 = arith.extui %sign3A_615 : i1 to i32
    %sign3A_617 = arith.subi %sign3A_613, %sign3A_616 : i32
    %ne3A_618 = vector.broadcast %sign3A_617 : i32 to vector<512xi32>
    %ne3A_619 = arith.cmpi ne, %sign3A_610, %ne3A_618 : vector<512xi32>
    %rem3A_620 = vector.broadcast %jit3A_599 : i32 to vector<512xi32>
    %rem3A_621 = arith.remsi %get3A_598, %rem3A_620 : vector<512xi32>
    %ne3A_622 = arith.constant 0 : i32
    %ne3A_623 = vector.broadcast %ne3A_622 : i32 to vector<512xi32>
    %ne3A_624 = arith.cmpi ne, %rem3A_621, %ne3A_623 : vector<512xi32>
    %and3A_625 = arith.andi %ne3A_619, %ne3A_624 : vector<512xi1>
    %sub3A_626 = arith.constant 1 : i32
    %sub3A_627 = vector.broadcast %sub3A_626 : i32 to vector<512xi32>
    %sub3A_628 = arith.subi %div3A_601, %sub3A_627 : vector<512xi32>
    %select_n3A_629 = arith.select %and3A_625, %sub3A_628, %div3A_601 : vector<512xi1>, vector<512xi32>
    %mul3A_630 = arith.constant 8 : i32
    %mul3A_631 = arith.muli %arg0, %mul3A_630 : i32
    %add3A_632 = arith.constant 6 : i32
    %add3A_633 = arith.addi %mul3A_631, %add3A_632 : i32
    %lt3A_634 = arith.constant 625 : i32
    %lt3A_635 = arith.cmpi slt, %add3A_633, %lt3A_634 : i32
    %convert_element_type3A_636 = arith.extui %lt3A_635 : i1 to i32
    %convert_element_type3A_637 = arith.sitofp %convert_element_type3A_636 : i32 to f32
    %broadcast_in_dim3A_638 = vector.shape_cast %select_n3A_629 : vector<512xi32> to vector<512x1xi32>
    %iota3A_639 = tpu.iota {dimensions = array<i32: 1>} : vector<512x32xi32>
    %eq3A_640 = vector.broadcast %broadcast_in_dim3A_638 : vector<512x1xi32> to vector<512x32xi32>
    %eq3A_641 = arith.cmpi eq, %eq3A_640, %iota3A_639 : vector<512x32xi32>
    %convert_element_type3A_642 = arith.extui %eq3A_641 : vector<512x32xi1> to vector<512x32xi32>
    %convert_element_type3A_643 = arith.sitofp %convert_element_type3A_642 : vector<512x32xi32> to vector<512x32xf32>
    %mul3A_644 = vector.broadcast %convert_element_type3A_637 : f32 to vector<512x32xf32>
    %mul3A_645 = arith.mulf %convert_element_type3A_643, %mul3A_644 : vector<512x32xf32>
    %get3A_646 = arith.constant 0 : index
    %get3A_647 = arith.constant 0 : index
    %get3A_648 = vector.load %arg3[%get3A_646, %get3A_647] : memref<512x512xf32, #tpu.memory_space<vmem>>, vector<512x512xf32>
    %dot_general3A_649 = arith.constant dense<0.000000e+00> : vector<512x32xf32>
    %dot_general3A_650 = tpu.matmul %get3A_648, %mul3A_645, %dot_general3A_649 {dimension_numbers = #tpu.dot_dimension_numbers<[1], [0], [0], [1], [0, 0, 1, 1], [], []>, precision = #tpu.contract_precision<fp32>, transpose_lhs_hint = false} : vector<512x512xf32>, vector<512x32xf32>, vector<512x32xf32> -> vector<512x32xf32>
    %mul3A_651 = arith.mulf %dot_general3A_650, %mul3A_645 : vector<512x32xf32>
    %reduce_sum3A_652 = arith.constant dense<0.000000e+00> : vector<512xf32>
    %reduce_sum3A_653 = vector.multi_reduction <add>, %mul3A_651, %reduce_sum3A_652 [1] : vector<512x32xf32> to vector<512xf32>
    %get3A_654 = arith.constant 0 : index
    %get3A_655 = arith.constant 0 : index
    %get3A_656 = vector.load %arg7[%get3A_654, %get3A_655] : memref<1x32xf32, #tpu.memory_space<vmem>>, vector<1x32xf32>
    %get3A_657 = vector.shape_cast %get3A_656 : vector<1x32xf32> to vector<32xf32>
    %broadcast_in_dim3A_658 = vector.shape_cast %get3A_657 : vector<32xf32> to vector<1x32xf32>
    %mul3A_659 = vector.broadcast %broadcast_in_dim3A_658 : vector<1x32xf32> to vector<512x32xf32>
    %mul3A_660 = arith.mulf %mul3A_659, %mul3A_645 : vector<512x32xf32>
    %reduce_sum3A_661 = arith.constant dense<0.000000e+00> : vector<512xf32>
    %reduce_sum3A_662 = vector.multi_reduction <add>, %mul3A_660, %reduce_sum3A_661 [1] : vector<512x32xf32> to vector<512xf32>
    %mul3A_663 = arith.constant 320000 : i32
    %mul3A_664 = vector.broadcast %mul3A_663 : i32 to vector<512xi32>
    %mul3A_665 = arith.muli %select_n3A_629, %mul3A_664 : vector<512xi32>
    %add3A_666 = arith.addf %reduce_sum3A_653, %reduce_sum3A_662 : vector<512xf32>
    %convert_element_type3A_667 = arith.fptosi %add3A_666 : vector<512xf32> to vector<512xi32>
    %add3A_668 = arith.addi %mul3A_665, %convert_element_type3A_667 : vector<512xi32>
    %swap3A_669 = arith.constant 6 : index
    %swap3A_670 = arith.constant 0 : index
    %swap3A_671 = vector.load %arg4[%swap3A_669, %swap3A_670] : memref<8x512xi32, #tpu.memory_space<vmem>>, vector<1x512xi32>
    %swap3A_672 = vector.shape_cast %swap3A_671 : vector<1x512xi32> to vector<512xi32>
    %swap3A_673 = vector.shape_cast %add3A_668 : vector<512xi32> to vector<1x512xi32>
    tpu.vector_store %arg4[%swap3A_669, %swap3A_670], %swap3A_673 {strides = array<i32>} : memref<8x512xi32, #tpu.memory_space<vmem>>, vector<1x512xi32>,
    %get3A_674 = arith.constant 6 : index
    %get3A_675 = arith.constant 0 : index
    %get3A_676 = vector.load %arg2[%get3A_674, %get3A_675] : memref<8x512xi32, #tpu.memory_space<vmem>>, vector<1x512xi32>
    %get3A_677 = vector.shape_cast %get3A_676 : vector<1x512xi32> to vector<512xi32>
    %shift_left3A_678 = arith.constant 14 : i32
    %shift_left3A_679 = vector.broadcast %shift_left3A_678 : i32 to vector<512xi32>
    %shift_left3A_680 = arith.shli %get3A_677, %shift_left3A_679 : vector<512xi32>
    %or3A_681 = arith.ori %shift_left3A_680, %get3A_598 : vector<512xi32>
    %swap3A_682 = arith.constant 6 : index
    %swap3A_683 = arith.constant 0 : index
    %swap3A_684 = vector.load %arg5[%swap3A_682, %swap3A_683] : memref<8x512xi32, #tpu.memory_space<vmem>>, vector<1x512xi32>
    %swap3A_685 = vector.shape_cast %swap3A_684 : vector<1x512xi32> to vector<512xi32>
    %swap3A_686 = vector.shape_cast %or3A_681 : vector<512xi32> to vector<1x512xi32>
    tpu.vector_store %arg5[%swap3A_682, %swap3A_683], %swap3A_686 {strides = array<i32>} : memref<8x512xi32, #tpu.memory_space<vmem>>, vector<1x512xi32>,
    %get3A_687 = arith.constant 0 : index
    %get3A_688 = arith.constant 0 : index
    %get3A_689 = vector.load %arg7[%get3A_687, %get3A_688] : memref<1x32xf32, #tpu.memory_space<vmem>>, vector<1x32xf32>
    %reduce_sum3A_690 = arith.constant dense<0.000000e+00> : vector<32xf32>
    %reduce_sum3A_691 = vector.multi_reduction <add>, %mul3A_645, %reduce_sum3A_690 [0] : vector<512x32xf32> to vector<32xf32>
    %broadcast_in_dim3A_692 = vector.shape_cast %reduce_sum3A_691 : vector<32xf32> to vector<1x32xf32>
    %add3A_693 = arith.addf %get3A_689, %broadcast_in_dim3A_692 : vector<1x32xf32>
    %swap3A_694 = arith.constant 0 : index
    %swap3A_695 = arith.constant 0 : index
    %swap3A_696 = vector.load %arg7[%swap3A_694, %swap3A_695] : memref<1x32xf32, #tpu.memory_space<vmem>>, vector<1x32xf32>
    tpu.vector_store %arg7[%swap3A_694, %swap3A_695], %add3A_693 {strides = array<i32>} : memref<1x32xf32, #tpu.memory_space<vmem>>, vector<1x32xf32>,
    %get3A_697 = arith.constant 7 : index
    %get3A_698 = arith.constant 0 : index
    %get3A_699 = vector.load %arg1[%get3A_697, %get3A_698] : memref<8x512xi32, #tpu.memory_space<vmem>>, vector<1x512xi32>
    %get3A_700 = vector.shape_cast %get3A_699 : vector<1x512xi32> to vector<512xi32>
    %jit3A_701 = arith.constant 320 : i32
    %div3A_702 = vector.broadcast %jit3A_701 : i32 to vector<512xi32>
    %div3A_703 = arith.divsi %get3A_700, %div3A_702 : vector<512xi32>
    %sign3A_704 = arith.constant 0 : i32
    %sign3A_705 = vector.broadcast %sign3A_704 : i32 to vector<512xi32>
    %sign3A_706 = arith.cmpi sgt, %get3A_700, %sign3A_705 : vector<512xi32>
    %sign3A_707 = arith.extui %sign3A_706 : vector<512xi1> to vector<512xi32>
    %sign3A_708 = arith.constant 0 : i32
    %sign3A_709 = vector.broadcast %sign3A_708 : i32 to vector<512xi32>
    %sign3A_710 = arith.cmpi slt, %get3A_700, %sign3A_709 : vector<512xi32>
    %sign3A_711 = arith.extui %sign3A_710 : vector<512xi1> to vector<512xi32>
    %sign3A_712 = arith.subi %sign3A_707, %sign3A_711 : vector<512xi32>
    %sign3A_713 = arith.constant 0 : i32
    %sign3A_714 = arith.cmpi sgt, %jit3A_701, %sign3A_713 : i32
    %sign3A_715 = arith.extui %sign3A_714 : i1 to i32
    %sign3A_716 = arith.constant 0 : i32
    %sign3A_717 = arith.cmpi slt, %jit3A_701, %sign3A_716 : i32
    %sign3A_718 = arith.extui %sign3A_717 : i1 to i32
    %sign3A_719 = arith.subi %sign3A_715, %sign3A_718 : i32
    %ne3A_720 = vector.broadcast %sign3A_719 : i32 to vector<512xi32>
    %ne3A_721 = arith.cmpi ne, %sign3A_712, %ne3A_720 : vector<512xi32>
    %rem3A_722 = vector.broadcast %jit3A_701 : i32 to vector<512xi32>
    %rem3A_723 = arith.remsi %get3A_700, %rem3A_722 : vector<512xi32>
    %ne3A_724 = arith.constant 0 : i32
    %ne3A_725 = vector.broadcast %ne3A_724 : i32 to vector<512xi32>
    %ne3A_726 = arith.cmpi ne, %rem3A_723, %ne3A_725 : vector<512xi32>
    %and3A_727 = arith.andi %ne3A_721, %ne3A_726 : vector<512xi1>
    %sub3A_728 = arith.constant 1 : i32
    %sub3A_729 = vector.broadcast %sub3A_728 : i32 to vector<512xi32>
    %sub3A_730 = arith.subi %div3A_703, %sub3A_729 : vector<512xi32>
    %select_n3A_731 = arith.select %and3A_727, %sub3A_730, %div3A_703 : vector<512xi1>, vector<512xi32>
    %mul3A_732 = arith.constant 8 : i32
    %mul3A_733 = arith.muli %arg0, %mul3A_732 : i32
    %add3A_734 = arith.constant 7 : i32
    %add3A_735 = arith.addi %mul3A_733, %add3A_734 : i32
    %lt3A_736 = arith.constant 625 : i32
    %lt3A_737 = arith.cmpi slt, %add3A_735, %lt3A_736 : i32
    %convert_element_type3A_738 = arith.extui %lt3A_737 : i1 to i32
    %convert_element_type3A_739 = arith.sitofp %convert_element_type3A_738 : i32 to f32
    %broadcast_in_dim3A_740 = vector.shape_cast %select_n3A_731 : vector<512xi32> to vector<512x1xi32>
    %iota3A_741 = tpu.iota {dimensions = array<i32: 1>} : vector<512x32xi32>
    %eq3A_742 = vector.broadcast %broadcast_in_dim3A_740 : vector<512x1xi32> to vector<512x32xi32>
    %eq3A_743 = arith.cmpi eq, %eq3A_742, %iota3A_741 : vector<512x32xi32>
    %convert_element_type3A_744 = arith.extui %eq3A_743 : vector<512x32xi1> to vector<512x32xi32>
    %convert_element_type3A_745 = arith.sitofp %convert_element_type3A_744 : vector<512x32xi32> to vector<512x32xf32>
    %mul3A_746 = vector.broadcast %convert_element_type3A_739 : f32 to vector<512x32xf32>
    %mul3A_747 = arith.mulf %convert_element_type3A_745, %mul3A_746 : vector<512x32xf32>
    %get3A_748 = arith.constant 0 : index
    %get3A_749 = arith.constant 0 : index
    %get3A_750 = vector.load %arg3[%get3A_748, %get3A_749] : memref<512x512xf32, #tpu.memory_space<vmem>>, vector<512x512xf32>
    %dot_general3A_751 = arith.constant dense<0.000000e+00> : vector<512x32xf32>
    %dot_general3A_752 = tpu.matmul %get3A_750, %mul3A_747, %dot_general3A_751 {dimension_numbers = #tpu.dot_dimension_numbers<[1], [0], [0], [1], [0, 0, 1, 1], [], []>, precision = #tpu.contract_precision<fp32>, transpose_lhs_hint = false} : vector<512x512xf32>, vector<512x32xf32>, vector<512x32xf32> -> vector<512x32xf32>
    %mul3A_753 = arith.mulf %dot_general3A_752, %mul3A_747 : vector<512x32xf32>
    %reduce_sum3A_754 = arith.constant dense<0.000000e+00> : vector<512xf32>
    %reduce_sum3A_755 = vector.multi_reduction <add>, %mul3A_753, %reduce_sum3A_754 [1] : vector<512x32xf32> to vector<512xf32>
    %get3A_756 = arith.constant 0 : index
    %get3A_757 = arith.constant 0 : index
    %get3A_758 = vector.load %arg7[%get3A_756, %get3A_757] : memref<1x32xf32, #tpu.memory_space<vmem>>, vector<1x32xf32>
    %get3A_759 = vector.shape_cast %get3A_758 : vector<1x32xf32> to vector<32xf32>
    %broadcast_in_dim3A_760 = vector.shape_cast %get3A_759 : vector<32xf32> to vector<1x32xf32>
    %mul3A_761 = vector.broadcast %broadcast_in_dim3A_760 : vector<1x32xf32> to vector<512x32xf32>
    %mul3A_762 = arith.mulf %mul3A_761, %mul3A_747 : vector<512x32xf32>
    %reduce_sum3A_763 = arith.constant dense<0.000000e+00> : vector<512xf32>
    %reduce_sum3A_764 = vector.multi_reduction <add>, %mul3A_762, %reduce_sum3A_763 [1] : vector<512x32xf32> to vector<512xf32>
    %mul3A_765 = arith.constant 320000 : i32
    %mul3A_766 = vector.broadcast %mul3A_765 : i32 to vector<512xi32>
    %mul3A_767 = arith.muli %select_n3A_731, %mul3A_766 : vector<512xi32>
    %add3A_768 = arith.addf %reduce_sum3A_755, %reduce_sum3A_764 : vector<512xf32>
    %convert_element_type3A_769 = arith.fptosi %add3A_768 : vector<512xf32> to vector<512xi32>
    %add3A_770 = arith.addi %mul3A_767, %convert_element_type3A_769 : vector<512xi32>
    %swap3A_771 = arith.constant 7 : index
    %swap3A_772 = arith.constant 0 : index
    %swap3A_773 = vector.load %arg4[%swap3A_771, %swap3A_772] : memref<8x512xi32, #tpu.memory_space<vmem>>, vector<1x512xi32>
    %swap3A_774 = vector.shape_cast %swap3A_773 : vector<1x512xi32> to vector<512xi32>
    %swap3A_775 = vector.shape_cast %add3A_770 : vector<512xi32> to vector<1x512xi32>
    tpu.vector_store %arg4[%swap3A_771, %swap3A_772], %swap3A_775 {strides = array<i32>} : memref<8x512xi32, #tpu.memory_space<vmem>>, vector<1x512xi32>,
    %get3A_776 = arith.constant 7 : index
    %get3A_777 = arith.constant 0 : index
    %get3A_778 = vector.load %arg2[%get3A_776, %get3A_777] : memref<8x512xi32, #tpu.memory_space<vmem>>, vector<1x512xi32>
    %get3A_779 = vector.shape_cast %get3A_778 : vector<1x512xi32> to vector<512xi32>
    %shift_left3A_780 = arith.constant 14 : i32
    %shift_left3A_781 = vector.broadcast %shift_left3A_780 : i32 to vector<512xi32>
    %shift_left3A_782 = arith.shli %get3A_779, %shift_left3A_781 : vector<512xi32>
    %or3A_783 = arith.ori %shift_left3A_782, %get3A_700 : vector<512xi32>
    %swap3A_784 = arith.constant 7 : index
    %swap3A_785 = arith.constant 0 : index
    %swap3A_786 = vector.load %arg5[%swap3A_784, %swap3A_785] : memref<8x512xi32, #tpu.memory_space<vmem>>, vector<1x512xi32>
    %swap3A_787 = vector.shape_cast %swap3A_786 : vector<1x512xi32> to vector<512xi32>
    %swap3A_788 = vector.shape_cast %or3A_783 : vector<512xi32> to vector<1x512xi32>
    tpu.vector_store %arg5[%swap3A_784, %swap3A_785], %swap3A_788 {strides = array<i32>} : memref<8x512xi32, #tpu.memory_space<vmem>>, vector<1x512xi32>,
    %get3A_789 = arith.constant 0 : index
    %get3A_790 = arith.constant 0 : index
    %get3A_791 = vector.load %arg7[%get3A_789, %get3A_790] : memref<1x32xf32, #tpu.memory_space<vmem>>, vector<1x32xf32>
    %reduce_sum3A_792 = arith.constant dense<0.000000e+00> : vector<32xf32>
    %reduce_sum3A_793 = vector.multi_reduction <add>, %mul3A_747, %reduce_sum3A_792 [0] : vector<512x32xf32> to vector<32xf32>
    %broadcast_in_dim3A_794 = vector.shape_cast %reduce_sum3A_793 : vector<32xf32> to vector<1x32xf32>
    %add3A_795 = arith.addf %get3A_791, %broadcast_in_dim3A_794 : vector<1x32xf32>
    %swap3A_796 = arith.constant 0 : index
    %swap3A_797 = arith.constant 0 : index
    %swap3A_798 = vector.load %arg7[%swap3A_796, %swap3A_797] : memref<1x32xf32, #tpu.memory_space<vmem>>, vector<1x32xf32>
    tpu.vector_store %arg7[%swap3A_796, %swap3A_797], %add3A_795 {strides = array<i32>} : memref<1x32xf32, #tpu.memory_space<vmem>>, vector<1x32xf32>,
    %get3A_799 = arith.constant 0 : index
    %get3A_800 = arith.constant 0 : index
    %get3A_801 = vector.load %arg7[%get3A_799, %get3A_800] : memref<1x32xf32, #tpu.memory_space<vmem>>, vector<1x32xf32>
    %swap3A_802 = arith.constant 0 : index
    %swap3A_803 = arith.constant 0 : index
    %swap3A_804 = vector.load %arg6[%swap3A_802, %swap3A_803] : memref<1x32xf32, #tpu.memory_space<vmem>>, vector<1x32xf32>
    tpu.vector_store %arg6[%swap3A_802, %swap3A_803], %get3A_801 {strides = array<i32>} : memref<1x32xf32, #tpu.memory_space<vmem>>, vector<1x32xf32>,
    return
  }
  func.func @transform_0(%arg0: i32) -> (i32, i32) {
    %c0_i32 = arith.constant 0 : i32
    %c0_i32_0 = arith.constant 0 : i32
    return %arg0, %c0_i32 : i32, i32
  }
  func.func @transform_1(%arg0: i32) -> (i32, i32) {
    %c0_i32 = arith.constant 0 : i32
    %c0_i32_0 = arith.constant 0 : i32
    return %arg0, %c0_i32 : i32, i32
  }
  func.func @transform_2(%arg0: i32) -> (i32, i32) {
    %c0_i32 = arith.constant 0 : i32
    %c0_i32_0 = arith.constant 0 : i32
    %c0_i32_1 = arith.constant 0 : i32
    return %c0_i32, %c0_i32_0 : i32, i32
  }
  func.func @transform_3(%arg0: i32) -> (i32, i32) {
    %c0_i32 = arith.constant 0 : i32
    %c0_i32_0 = arith.constant 0 : i32
    return %arg0, %c0_i32 : i32, i32
  }
  func.func @transform_4(%arg0: i32) -> (i32, i32) {
    %c0_i32 = arith.constant 0 : i32
    %c0_i32_0 = arith.constant 0 : i32
    return %arg0, %c0_i32 : i32, i32
  }
  func.func @transform_5(%arg0: i32) -> (i32, i32) {
    %c0_i32 = arith.constant 0 : i32
    %c0_i32_0 = arith.constant 0 : i32
    %c0_i32_1 = arith.constant 0 : i32
    return %c0_i32, %c0_i32_0 : i32, i32
  }
}

module attributes {stable_mosaic.version = 14 : i64} {
  func.func @_dense1_body(%arg0: i32, %arg1: memref<1024x128xf32, #tpu.memory_space<vmem>>, %arg2: memref<1024x16xf32, #tpu.memory_space<vmem>>, %arg3: memref<1024x128xf32, #tpu.memory_space<vmem>>, %arg4: memref<128x128xf32, #tpu.memory_space<vmem>>, %arg5: memref<1x128xf32, #tpu.memory_space<vmem>>, %arg6: memref<128x128xf32, #tpu.memory_space<vmem>>, %arg7: memref<1024x128xf32, #tpu.memory_space<vmem>>) attributes {dimension_semantics = [#tpu.dimension_semantics<arbitrary>], iteration_bounds = array<i64: 10>, scalar_prefetch = 0 : i64, scratch_operands = 0 : i64, tpu.core_type = #tpu.core_type<tc>, window_params = [{transform_indices = @transform_0, window_bounds = array<i64: 1024, 128>}, {transform_indices = @transform_1, window_bounds = array<i64: 1024, 16>}, {transform_indices = @transform_2, window_bounds = array<i64: 1024, 128>}, {pipeline_mode = #tpu.pipeline_mode<synchronous>, transform_indices = @transform_3, window_bounds = array<i64: 128, 128>}, {pipeline_mode = #tpu.pipeline_mode<synchronous>, transform_indices = @transform_4, window_bounds = array<i64: 1, 128>}, {pipeline_mode = #tpu.pipeline_mode<synchronous>, transform_indices = @transform_5, window_bounds = array<i64: 128, 128>}, {transform_indices = @transform_6, window_bounds = array<i64: 1024, 128>}]} {
    %get3A = arith.constant 0 : index
    %get3A_0 = arith.constant 0 : index
    %get3A_1 = vector.load %arg2[%get3A, %get3A_0] : memref<1024x16xf32, #tpu.memory_space<vmem>>, vector<1024x1xf32>
    %jit3A = arith.constant 1.000000e+00 : f32
    %max3A = vector.broadcast %jit3A : f32 to vector<1024x1xf32>
    %max3A_2 = arith.maximumf %max3A, %get3A_1 : vector<1024x1xf32>
    %get3A_3 = arith.constant 0 : index
    %get3A_4 = arith.constant 0 : index
    %get3A_5 = vector.load %arg1[%get3A_3, %get3A_4] : memref<1024x128xf32, #tpu.memory_space<vmem>>, vector<1024x128xf32>
    %div3A = vector.broadcast %max3A_2 : vector<1024x1xf32> to vector<1024x128xf32>
    %div3A_6 = arith.divf %get3A_5, %div3A : vector<1024x128xf32>
    %get3A_7 = arith.constant 0 : index
    %get3A_8 = arith.constant 0 : index
    %get3A_9 = vector.load %arg4[%get3A_7, %get3A_8] : memref<128x128xf32, #tpu.memory_space<vmem>>, vector<128x128xf32>
    %dot_general3A = arith.constant dense<0.000000e+00> : vector<1024x128xf32>
    %dot_general3A_10 = tpu.matmul %div3A_6, %get3A_9, %dot_general3A {dimension_numbers = #tpu.dot_dimension_numbers<[1], [0], [0], [1], [0, 0, 1, 1], [], []>, precision = #tpu.contract_precision<fp32>, transpose_lhs_hint = false} : vector<1024x128xf32>, vector<128x128xf32>, vector<1024x128xf32> -> vector<1024x128xf32>
    %get3A_11 = arith.constant 0 : index
    %get3A_12 = arith.constant 0 : index
    %get3A_13 = vector.load %arg3[%get3A_11, %get3A_12] : memref<1024x128xf32, #tpu.memory_space<vmem>>, vector<1024x128xf32>
    %get3A_14 = arith.constant 0 : index
    %get3A_15 = arith.constant 0 : index
    %get3A_16 = vector.load %arg6[%get3A_14, %get3A_15] : memref<128x128xf32, #tpu.memory_space<vmem>>, vector<128x128xf32>
    %dot_general3A_17 = arith.constant dense<0.000000e+00> : vector<1024x128xf32>
    %dot_general3A_18 = tpu.matmul %get3A_13, %get3A_16, %dot_general3A_17 {dimension_numbers = #tpu.dot_dimension_numbers<[1], [0], [0], [1], [0, 0, 1, 1], [], []>, precision = #tpu.contract_precision<fp32>, transpose_lhs_hint = false} : vector<1024x128xf32>, vector<128x128xf32>, vector<1024x128xf32> -> vector<1024x128xf32>
    %add3A = arith.addf %dot_general3A_10, %dot_general3A_18 : vector<1024x128xf32>
    %get3A_19 = arith.constant 0 : index
    %get3A_20 = arith.constant 0 : index
    %get3A_21 = vector.load %arg5[%get3A_19, %get3A_20] : memref<1x128xf32, #tpu.memory_space<vmem>>, vector<1x128xf32>
    %add3A_22 = vector.broadcast %get3A_21 : vector<1x128xf32> to vector<1024x128xf32>
    %add3A_23 = arith.addf %add3A, %add3A_22 : vector<1024x128xf32>
    %max3A_24 = arith.constant 0.000000e+00 : f32
    %max3A_25 = vector.broadcast %max3A_24 : f32 to vector<1024x128xf32>
    %max3A_26 = arith.maximumf %add3A_23, %max3A_25 : vector<1024x128xf32>
    %swap3A = arith.constant 0 : index
    %swap3A_27 = arith.constant 0 : index
    %swap3A_28 = vector.load %arg7[%swap3A, %swap3A_27] : memref<1024x128xf32, #tpu.memory_space<vmem>>, vector<1024x128xf32>
    tpu.vector_store %arg7[%swap3A, %swap3A_27], %max3A_26 {strides = array<i32>} : memref<1024x128xf32, #tpu.memory_space<vmem>>, vector<1024x128xf32>,
    return
  }
  func.func @transform_0(%arg0: i32) -> (i32, i32) {
    %c0_i32 = arith.constant 0 : i32
    %c0_i32_0 = arith.constant 0 : i32
    return %arg0, %c0_i32 : i32, i32
  }
  func.func @transform_1(%arg0: i32) -> (i32, i32) {
    %c0_i32 = arith.constant 0 : i32
    %c0_i32_0 = arith.constant 0 : i32
    return %arg0, %c0_i32 : i32, i32
  }
  func.func @transform_2(%arg0: i32) -> (i32, i32) {
    %c0_i32 = arith.constant 0 : i32
    %c0_i32_0 = arith.constant 0 : i32
    return %arg0, %c0_i32 : i32, i32
  }
  func.func @transform_3(%arg0: i32) -> (i32, i32) {
    %c0_i32 = arith.constant 0 : i32
    %c0_i32_0 = arith.constant 0 : i32
    %c0_i32_1 = arith.constant 0 : i32
    return %c0_i32, %c0_i32_0 : i32, i32
  }
  func.func @transform_4(%arg0: i32) -> (i32, i32) {
    %c0_i32 = arith.constant 0 : i32
    %c0_i32_0 = arith.constant 0 : i32
    %c0_i32_1 = arith.constant 0 : i32
    return %c0_i32, %c0_i32_0 : i32, i32
  }
  func.func @transform_5(%arg0: i32) -> (i32, i32) {
    %c0_i32 = arith.constant 0 : i32
    %c0_i32_0 = arith.constant 0 : i32
    %c0_i32_1 = arith.constant 0 : i32
    return %c0_i32, %c0_i32_0 : i32, i32
  }
  func.func @transform_6(%arg0: i32) -> (i32, i32) {
    %c0_i32 = arith.constant 0 : i32
    %c0_i32_0 = arith.constant 0 : i32
    return %arg0, %c0_i32 : i32, i32
  }
}

module attributes {stable_mosaic.version = 14 : i64} {
  func.func @_dense2_body(%arg0: i32, %arg1: memref<1000x128xf32, #tpu.memory_space<vmem>>, %arg2: memref<1000x16xf32, #tpu.memory_space<vmem>>, %arg3: memref<1000x128xf32, #tpu.memory_space<vmem>>, %arg4: memref<128x128xf32, #tpu.memory_space<vmem>>, %arg5: memref<1x128xf32, #tpu.memory_space<vmem>>, %arg6: memref<128x128xf32, #tpu.memory_space<vmem>>, %arg7: memref<128x64xf32, #tpu.memory_space<vmem>>, %arg8: memref<1x64xf32, #tpu.memory_space<vmem>>, %arg9: memref<1000x64xf32, #tpu.memory_space<vmem>>) attributes {dimension_semantics = [#tpu.dimension_semantics<arbitrary>], iteration_bounds = array<i64: 10>, scalar_prefetch = 0 : i64, scratch_operands = 0 : i64, tpu.core_type = #tpu.core_type<tc>, window_params = [{transform_indices = @transform_0, window_bounds = array<i64: 1000, 128>}, {transform_indices = @transform_1, window_bounds = array<i64: 1000, 16>}, {transform_indices = @transform_2, window_bounds = array<i64: 1000, 128>}, {pipeline_mode = #tpu.pipeline_mode<synchronous>, transform_indices = @transform_3, window_bounds = array<i64: 128, 128>}, {pipeline_mode = #tpu.pipeline_mode<synchronous>, transform_indices = @transform_4, window_bounds = array<i64: 1, 128>}, {pipeline_mode = #tpu.pipeline_mode<synchronous>, transform_indices = @transform_5, window_bounds = array<i64: 128, 128>}, {pipeline_mode = #tpu.pipeline_mode<synchronous>, transform_indices = @transform_6, window_bounds = array<i64: 128, 64>}, {pipeline_mode = #tpu.pipeline_mode<synchronous>, transform_indices = @transform_7, window_bounds = array<i64: 1, 64>}, {transform_indices = @transform_8, window_bounds = array<i64: 1000, 64>}]} {
    %get3A = arith.constant 0 : index
    %get3A_0 = arith.constant 0 : index
    %get3A_1 = vector.load %arg2[%get3A, %get3A_0] : memref<1000x16xf32, #tpu.memory_space<vmem>>, vector<1000x1xf32>
    %jit3A = arith.constant 1.000000e+00 : f32
    %max3A = vector.broadcast %jit3A : f32 to vector<1000x1xf32>
    %max3A_2 = arith.maximumf %max3A, %get3A_1 : vector<1000x1xf32>
    %get3A_3 = arith.constant 0 : index
    %get3A_4 = arith.constant 0 : index
    %get3A_5 = vector.load %arg1[%get3A_3, %get3A_4] : memref<1000x128xf32, #tpu.memory_space<vmem>>, vector<1000x128xf32>
    %div3A = vector.broadcast %max3A_2 : vector<1000x1xf32> to vector<1000x128xf32>
    %div3A_6 = arith.divf %get3A_5, %div3A : vector<1000x128xf32>
    %get3A_7 = arith.constant 0 : index
    %get3A_8 = arith.constant 0 : index
    %get3A_9 = vector.load %arg4[%get3A_7, %get3A_8] : memref<128x128xf32, #tpu.memory_space<vmem>>, vector<128x128xf32>
    %dot_general3A = arith.constant dense<0.000000e+00> : vector<1000x128xf32>
    %dot_general3A_10 = tpu.matmul %div3A_6, %get3A_9, %dot_general3A {dimension_numbers = #tpu.dot_dimension_numbers<[1], [0], [0], [1], [0, 0, 1, 1], [], []>, precision = #tpu.contract_precision<fp32>, transpose_lhs_hint = false} : vector<1000x128xf32>, vector<128x128xf32>, vector<1000x128xf32> -> vector<1000x128xf32>
    %get3A_11 = arith.constant 0 : index
    %get3A_12 = arith.constant 0 : index
    %get3A_13 = vector.load %arg3[%get3A_11, %get3A_12] : memref<1000x128xf32, #tpu.memory_space<vmem>>, vector<1000x128xf32>
    %get3A_14 = arith.constant 0 : index
    %get3A_15 = arith.constant 0 : index
    %get3A_16 = vector.load %arg6[%get3A_14, %get3A_15] : memref<128x128xf32, #tpu.memory_space<vmem>>, vector<128x128xf32>
    %dot_general3A_17 = arith.constant dense<0.000000e+00> : vector<1000x128xf32>
    %dot_general3A_18 = tpu.matmul %get3A_13, %get3A_16, %dot_general3A_17 {dimension_numbers = #tpu.dot_dimension_numbers<[1], [0], [0], [1], [0, 0, 1, 1], [], []>, precision = #tpu.contract_precision<fp32>, transpose_lhs_hint = false} : vector<1000x128xf32>, vector<128x128xf32>, vector<1000x128xf32> -> vector<1000x128xf32>
    %add3A = arith.addf %dot_general3A_10, %dot_general3A_18 : vector<1000x128xf32>
    %get3A_19 = arith.constant 0 : index
    %get3A_20 = arith.constant 0 : index
    %get3A_21 = vector.load %arg5[%get3A_19, %get3A_20] : memref<1x128xf32, #tpu.memory_space<vmem>>, vector<1x128xf32>
    %add3A_22 = vector.broadcast %get3A_21 : vector<1x128xf32> to vector<1000x128xf32>
    %add3A_23 = arith.addf %add3A, %add3A_22 : vector<1000x128xf32>
    %max3A_24 = arith.constant 0.000000e+00 : f32
    %max3A_25 = vector.broadcast %max3A_24 : f32 to vector<1000x128xf32>
    %max3A_26 = arith.maximumf %add3A_23, %max3A_25 : vector<1000x128xf32>
    %get3A_27 = arith.constant 0 : index
    %get3A_28 = arith.constant 0 : index
    %get3A_29 = vector.load %arg7[%get3A_27, %get3A_28] : memref<128x64xf32, #tpu.memory_space<vmem>>, vector<128x64xf32>
    %dot_general3A_30 = arith.constant dense<0.000000e+00> : vector<1000x64xf32>
    %dot_general3A_31 = tpu.matmul %max3A_26, %get3A_29, %dot_general3A_30 {dimension_numbers = #tpu.dot_dimension_numbers<[1], [0], [0], [1], [0, 0, 1, 1], [], []>, precision = #tpu.contract_precision<fp32>, transpose_lhs_hint = false} : vector<1000x128xf32>, vector<128x64xf32>, vector<1000x64xf32> -> vector<1000x64xf32>
    %get3A_32 = arith.constant 0 : index
    %get3A_33 = arith.constant 0 : index
    %get3A_34 = vector.load %arg8[%get3A_32, %get3A_33] : memref<1x64xf32, #tpu.memory_space<vmem>>, vector<1x64xf32>
    %add3A_35 = vector.broadcast %get3A_34 : vector<1x64xf32> to vector<1000x64xf32>
    %add3A_36 = arith.addf %dot_general3A_31, %add3A_35 : vector<1000x64xf32>
    %swap3A = arith.constant 0 : index
    %swap3A_37 = arith.constant 0 : index
    %swap3A_38 = vector.load %arg9[%swap3A, %swap3A_37] : memref<1000x64xf32, #tpu.memory_space<vmem>>, vector<1000x64xf32>
    tpu.vector_store %arg9[%swap3A, %swap3A_37], %add3A_36 {strides = array<i32>} : memref<1000x64xf32, #tpu.memory_space<vmem>>, vector<1000x64xf32>,
    return
  }
  func.func @transform_0(%arg0: i32) -> (i32, i32) {
    %c0_i32 = arith.constant 0 : i32
    %c0_i32_0 = arith.constant 0 : i32
    return %arg0, %c0_i32 : i32, i32
  }
  func.func @transform_1(%arg0: i32) -> (i32, i32) {
    %c0_i32 = arith.constant 0 : i32
    %c0_i32_0 = arith.constant 0 : i32
    return %arg0, %c0_i32 : i32, i32
  }
  func.func @transform_2(%arg0: i32) -> (i32, i32) {
    %c0_i32 = arith.constant 0 : i32
    %c0_i32_0 = arith.constant 0 : i32
    return %arg0, %c0_i32 : i32, i32
  }
  func.func @transform_3(%arg0: i32) -> (i32, i32) {
    %c0_i32 = arith.constant 0 : i32
    %c0_i32_0 = arith.constant 0 : i32
    %c0_i32_1 = arith.constant 0 : i32
    return %c0_i32, %c0_i32_0 : i32, i32
  }
  func.func @transform_4(%arg0: i32) -> (i32, i32) {
    %c0_i32 = arith.constant 0 : i32
    %c0_i32_0 = arith.constant 0 : i32
    %c0_i32_1 = arith.constant 0 : i32
    return %c0_i32, %c0_i32_0 : i32, i32
  }
  func.func @transform_5(%arg0: i32) -> (i32, i32) {
    %c0_i32 = arith.constant 0 : i32
    %c0_i32_0 = arith.constant 0 : i32
    %c0_i32_1 = arith.constant 0 : i32
    return %c0_i32, %c0_i32_0 : i32, i32
  }
  func.func @transform_6(%arg0: i32) -> (i32, i32) {
    %c0_i32 = arith.constant 0 : i32
    %c0_i32_0 = arith.constant 0 : i32
    %c0_i32_1 = arith.constant 0 : i32
    return %c0_i32, %c0_i32_0 : i32, i32
  }
  func.func @transform_7(%arg0: i32) -> (i32, i32) {
    %c0_i32 = arith.constant 0 : i32
    %c0_i32_0 = arith.constant 0 : i32
    %c0_i32_1 = arith.constant 0 : i32
    return %c0_i32, %c0_i32_0 : i32, i32
  }
  func.func @transform_8(%arg0: i32) -> (i32, i32) {
    %c0_i32 = arith.constant 0 : i32
    %c0_i32_0 = arith.constant 0 : i32
    return %arg0, %c0_i32 : i32, i32
  }
}

</mosaic_0001>

<sc_bundles>
// kernel: kernel.11.cloned.1.call-start
scs
__scs_entry_jumppad:
0x0: {  	(pc) =	sbr.rel $0x88, $3  }
0x1: {  	(tag) =	ssettag $0x0;
	lr =	simm.s32 $0x1  }
0x2: {  	[smem:$0x3F97] =	sst lr;
	_ =	strace $0xD0000000  }
0x3: {  	_ = 	snop  }
0x4: {  	_ = 	snop  }
0x5: {  	_ = 	snop  }
0x6: {  	_ = 	snop  }
0x7: {  	_ = 	snop  }
__scs_overlays_trampoline_lowered:
0x8: {  	[smem:$0x3FA6] =	sst s0  }
0x9: {  	[smem:$0x3FA7] =	sst s1  }
0xa: {  	[smem:$0x3FA8] =	sst s2  }
0xb: {  	[smem:$0x3FA9] =	sst s3  }
0xc: {  	[smem:$0x3FAA] =	sst s4  }
0xd: {  	[smem:$0x3FAB] =	sst s5  }
0xe: {  	[smem:$0x3FAC] =	sst s6  }
0xf: {  	[smem:$0x3FAD] =	sst s7  }
0x10: {  	[smem:$0x3FAE] =	sst s8  }
0x11: {  	[smem:$0x3FAF] =	sst s9;
	s0 =	simm.s32 @!p0 $0x0  }
0x12: {  	s1 =	sld [smem:$0x3F95];
	s0 =	simm.s32 @p0 $0x1  }
0x13: {  	[smem:$0x3FB0] =	sst s0;
	s0 =	simm.s32 @!p1 $0x0  }
0x14: {  	s2 =	sld [smem:$0x3F94];
	s0 =	simm.s32 @p1 $0x1  }
0x15: {  	[smem:$0x3FB1] =	sst s0;
	s0 =	simm.s32 @!p2 $0x0  }
0x16: {  	s3 =	sld [smem:$0x3FDB];
	s0 =	simm.s32 @p2 $0x1  }
0x17: {  	s4 =	simm.s32 $0x1BF5;
	[smem:$0x3FB3] =	sst s0  }
0x18: {  	s0 =	sld [smem:$0x3F96];
	_ =	swait.ge [sflag:s4], $0x0  }
0x19: {  	s7 =	sld [smem:$0x3F97]  }
0x1a: {  	s8 =	sadd.s32 $0xFFFFE003, lr  }
0x1b: {  	s9 =	sadd.s32 $0xFFFFFEF7, lr;
	s5 =	simm.s32 $0xFFFFFFFF;
	p2 =	slt.u32 s8, $0xFFFFF086  }
0x1c: {  	p1 =	slt.u32 s9, $0xF7A;
	s5 =	simm.s32 @!p2 $0x0  }
0x1d: {  	s5 =	simm.s32 @p1 $0x1;
	p0 =	seq.s32 s7, s2  }
0x1e: {  	s7 =	smul.u32 @!p0 $0xF7A, s2;
	p2 =	seq.s32 @!p0 s5, $0x0  }
0x1f: {  	s9 =	smul.u32 $0xF7A, s1;
	s8 =	simm.s32 @!p0 $0x1BF5;
	p2 =	por !p2, p0  }
0x20: {  	[sflag:s8] =	ssyncset.s32 @!p0 $0xFFFFF086;
	s6 =	sadd.s32 @!p0 s3, s7;
	s7 =	simm.s32 @!p0 $0x108  }
0x21: {  	s3 =	sadd.s32 s3, s9;
	s6 =	sadd.s32 @!p0 $0x88, s6;
	s7 =	simm.s32 @p2 $0x1082  }
0x22: {  	[simem:s7], [sflag:s8] =	dma.local @!p0 [hbm:s6], $0xF7A  }
0x23: {  	s9 =	sor.u32 $0xD0000000, s2;
	s6 =	simm.s32 $0x108;
	_ =	swait.ge @!p0 [sflag:s8], $0x0  }
0x24: {  	s3 =	sadd.s32 $0x88, s3;
	s6 =	simm.s32 @!p1 $0x1082;
	[sflag:s4] =	ssyncset.s32 $0xFFFFF086  }
0x25: {  	[simem:s6], [sflag:s4] =	dma.local [hbm:s3], $0xF7A  }
0x26: {  	[smem:$0x3F97] =	sst s1;
	(tag) =	ssettag s2;
	_ =	strace s9  }
0x27: {  	s1 =	sld [smem:$0x3FA7]  }
0x28: {  	s2 =	sld [smem:$0x3FA8]  }
0x29: {  	s4 =	sld [smem:$0x3FAA]  }
0x2a: {  	p0 =	seq.s32 s5, $0x0;
	s5 =	sld [smem:$0x3FAB]  }
0x2b: {  	s6 =	sld [smem:$0x3FAC]  }
0x2c: {  	s7 =	sld [smem:$0x3FAD]  }
0x2d: {  	s3 =	simm.s32 $0x108;
	s8 =	sld [smem:$0x3FAE]  }
0x2e: {  	s3 =	simm.s32 @!p0 $0x1082;
	s9 =	sld [smem:$0x3FAF]  }
0x2f: {  	lr =	sadd.s32 s0, s3;
	s0 =	sld [smem:$0x3FA6]  }
0x30: {  	s3 =	sld [smem:$0x3FA9]  }
0x31: {  	[smem:$0x3FB2] =	sst s10  }
0x32: {  	s10 =	sld [smem:$0x3FB0];
	_ =	sdelay $0x3  }
0x33: {  	p0 =	seq.s32 s10, $0x1;
	s10 =	sld [smem:$0x3FB2];
	_ =	sdelay $0x3  }
0x34: {  	[smem:$0x3FB2] =	sst s10  }
0x35: {  	s10 =	sld [smem:$0x3FB1];
	_ =	sdelay $0x3  }
0x36: {  	p1 =	seq.s32 s10, $0x1;
	s10 =	sld [smem:$0x3FB2];
	_ =	sdelay $0x3  }
0x37: {  	[smem:$0x3FB2] =	sst s10  }
0x38: {  	s10 =	sld [smem:$0x3FB3]  }
0x39: {  	_ = 	snop;
	(pc) =	sbr.ind lr, $3  }
0x3a: {  	_ = 	snop  }
0x3b: {  	_ = 	snop  }
0x3c: {  	p2 =	seq.s32 s10, $0x1;
	s10 =	sld [smem:$0x3FB2]  }
0x3d: {  	_ =	shalt  }
0x3e: {  	_ =	shalt  }
0x3f: {  	_ =	shalt  }
0x40: {  	_ =	shalt  }
0x41: {  	_ =	shalt  }
0x42: {  	_ =	shalt  }
0x43: {  	_ =	shalt  }
0x44: {  	_ =	shalt  }
0x45: {  	_ =	shalt  }
0x46: {  	_ =	shalt  }
0x47: {  	_ =	shalt  }
0x48: {  	_ =	shalt  }
0x49: {  	_ =	shalt  }
0x4a: {  	_ =	shalt  }
0x4b: {  	_ =	shalt  }
0x4c: {  	_ =	shalt  }
0x4d: {  	_ =	shalt  }
0x4e: {  	_ =	shalt  }
0x4f: {  	_ =	shalt  }
0x50: {  	_ =	shalt  }
0x51: {  	_ =	shalt  }
0x52: {  	_ =	shalt  }
0x53: {  	_ =	shalt  }
0x54: {  	_ =	shalt  }
0x55: {  	_ =	shalt  }
0x56: {  	_ =	shalt  }
0x57: {  	_ =	shalt  }
0x58: {  	_ =	shalt  }
0x59: {  	_ =	shalt  }
0x5a: {  	_ =	shalt  }
0x5b: {  	_ =	shalt  }
0x5c: {  	_ =	shalt  }
0x5d: {  	_ =	shalt  }
0x5e: {  	_ =	shalt  }
0x5f: {  	_ =	shalt  }
0x60: {  	_ =	shalt  }
0x61: {  	_ =	shalt  }
0x62: {  	_ =	shalt  }
0x63: {  	_ =	shalt  }
0x64: {  	_ =	shalt  }
0x65: {  	_ =	shalt  }
0x66: {  	_ =	shalt  }
0x67: {  	_ =	shalt  }
0x68: {  	_ =	shalt  }
0x69: {  	_ =	shalt  }
0x6a: {  	_ =	shalt  }
0x6b: {  	_ =	shalt  }
0x6c: {  	_ =	shalt  }
0x6d: {  	_ =	shalt  }
0x6e: {  	_ =	shalt  }
0x6f: {  	_ =	shalt  }
0x70: {  	_ =	shalt  }
0x71: {  	_ =	shalt  }
0x72: {  	_ =	shalt  }
0x73: {  	_ =	shalt  }
0x74: {  	_ =	shalt  }
0x75: {  	_ =	shalt  }
0x76: {  	_ =	shalt  }
0x77: {  	_ =	shalt  }
0x78: {  	_ =	shalt  }
0x79: {  	_ =	shalt  }
0x7a: {  	_ =	shalt  }
0x7b: {  	_ =	shalt  }
0x7c: {  	_ =	shalt  }
0x7d: {  	_ =	shalt  }
0x7e: {  	_ =	shalt  }
0x7f: {  	_ =	shalt  }
0x80: {  	_ =	shalt  }
0x81: {  	_ =	shalt  }
0x82: {  	_ =	shalt  }
0x83: {  	_ =	shalt  }
0x84: {  	_ =	shalt  }
0x85: {  	_ =	shalt  }
0x86: {  	_ =	shalt  }
0x87: {  	_ =	shalt  }
.Lfunc_end0:
.L_simem_size_0:
called_computation.1_lowered:
.L_overlay_start_0:
0x88: {  	s2 =	sld [smem:$0x3FD9]  }
0x89: {  	s3 =	sld [smem:$0x3FFE];
	_ =	sdelay $0x1  }
0x8a: {  	s1 =	srdreg.scid  }
0x8b: {  	s0 =	sand.u32 $0x1, s1  }
0x8c: {  	s17 =	sshll.u32 s0, $0xA;
	s2 =	sadd.s32 s3, s2  }
0x8d: {  	s2 =	sadd.s32 s2, s17  }
0x8e: {  	[smem:$0x3FBE] =	sst s2  }
0x8f: {  	_ = 	snop  }
0x90: {  	s2 =	sld [smem:$0x3FD0];
	(tm) =	ssettm $0x1  }
0x91: {  	s18 =	sld [smem:$0x3FFB];
	_ =	sdelay $0x3  }
0x92: {  	_ =	strace s18  }
0x93: {  	s3 =	sld [smem:$0x3FFC];
	_ =	sdelay $0x3  }
0x94: {  	_ =	strace s3  }
0x95: {  	s3 =	sld [smem:$0x3FFD];
	_ =	sdelay $0x3  }
0x96: {  	_ =	strace s3  }
0x97: {  	_ =	strace $0x8FFFFFFF  }
0x98: {  	s19 =	sld [smem:$0x3FDB];
	_ =	sdelay $0x1  }
0x99: {  	s4 =	simm.s32 $_scs_section_size  }
0x9a: {  	s5 =	simm.s32 $_size__tile_overlayer_lowered;
	s6 =	simm.s32 $_tile_overlayer_lowered  }
0x9b: {  	s22 =	simm.s32 $0x1BFF;
	s21 =	sshll.u32 s6, $0x1;
	s3 =	sadd.s32 s4, s19  }
0x9c: {  	s7 =	simm.s32 $0x0;
	s20 =	sshll.u32 s5, $0x1;
	s5 =	sadd.s32 s21, s3  }
0x9d: {  	[timem:s7], [sflag:s22] =	dma.local [hbm:s5], s20  }
0x9e: {  	_ =	swait.ge [sflag:s22], s20  }
0x9f: {  	s4 =	ssub.s32 $0x0, s20;
	[sflag:s22] =	ssyncset.done $0x0  }
0xa0: {  	[sflag:s22] =	ssyncadd.s32 s4;
	_ =	sdelay $0x1  }
0xa1: {  	s23 =	simm.s32 $0x1B8B  }
0xa2: {  	_ =	swait.ge [sflag:s23], $0x1  }
0xa3: {  	[sflag:s23] =	ssyncset.done $0x0  }
0xa4: {  	s25 =	simm.s32 $0x1B8E;
	s24 =	sld [smem:$0x3FFE];
	[sflag:s23] =	ssyncadd.s32 $0xFFFFFFFF  }
0xa5: {  	s26 =	simm.s32 $execute0_lowered;
	[smem:$0x3FD2] =	sst s25  }
0xa6: {  	s5 =	sshll.u32 s26, $0x1;
	_ =	strace $0x80000049;
	[dreg:$0x1] =	wrdreg $0xFFFFFFFF  }
0xa7: {  	s28 =	simm.s32 $_size_execute0_lowered;
	s3 =	sadd.s32 s3, s5;
	[dreg:$0x0] =	wrdreg $0x0  }
0xa8: {  	s5 =	sshll.u32 s28, $0x1;
	[dreg:$0x2] =	wrdreg s3  }
0xa9: {  	[dreg:$0x3] =	wrdreg s5  }
0xaa: {  	[dreg:$0x4] =	wrdreg $0xC0  }
0xab: {  	_ =	task [dreg:s7], $0x5FFFF  }
0xac: {  	[dreg:$0x1] =	wrdreg $0xFFFFFFFF  }
0xad: {  	[dreg:$0x0] =	wrdreg $0x60  }
0xae: {  	[dreg:$0x2] =	wrdreg s24  }
0xaf: {  	[dreg:$0x3] =	wrdreg s2  }
0xb0: {  	[dreg:$0x4] =	wrdreg $0x9  }
0xb1: {  	_ =	task.clear_ibuf [dreg:s7], $0x5FFFF;
	_ =	strace $0x90000049  }
0xb2: {  	s29 =	simm.s32 $0x9;
	_ =	strace $0x8000004B  }
0xb3: {  	_ =	swait.ge [sflag:s29], $0x1  }
0xb4: {  	[sflag:s29] =	ssyncadd.s32 $0xFFFFFFFF  }
0xb5: {  	_ =	strace $0x9000004B  }
0xb6: {  	_ =	sfence  }
0xb7: {  	s30 =	sld [smem:$0x0];
	_ =	sdelay $0x2  }
0xb8: {  	s31 =	sshll.u32 s1, $0xD;
	s1 =	sshrl.u32 s1, $0x2  }
0xb9: {  	s3 =	sand.u32 $0x4000, s31;
	s1 =	sadd.s32 s1, s30  }
0xba: {  	s0 =	sor.u32 s3, s0;
	s1 =	sshll.u32 s1, $0x11  }
0xbb: {  	s0 =	sor.u32 s1, s0  }
0xbc: {  	s0 =	sadd.s32 $0x8F2B, s0  }
0xbd: {  	[sflag:s0] =	ssyncadd.remote.s32 $0x1  }
0xbe: {  	_ =	sfence.sel $0xFFFF  }
0xbf: {  	[dreg:$0x0] =	wrdreg $0xFFFFFFFF;
	(pc) =	sbr.abs _section_cstart, $3  }
0xc0: {  	[dreg:$0x1] =	wrdreg $0xFFFFFFFF  }
0xc1: {  	_ =	task.clear_ibuf [dreg:s7], $0x2FFFF;
	_ =	strace $0x9FFFFFFF  }
0xc2: {  	(tm) =	ssettm $0x7FFFFFFF  }
0xc3: {  	_ =	shalt  }
tec
execute0_lowered:
.L_overlay_start_1:
0x0: {  	(tag) =	ssettag $0x1  }
0x1: {  	s10 =	rddreg [dreg:$0x0]  }
0x2: {  	s1 =	rddreg [dreg:$0x1]  }
0x3: {  	s2 =	srdreg.scid;
	s0 =	rddreg [dreg:$0x2]  }
0x4: {  	s3 =	simm.s32 $0x0;
	s15 =	simm.s32 $0xA400;
	s16 =	simm.s32 $0x17100  }
0x5: {  	s17 =	simm.s32 $0x1;
	s18 =	simm.s32 $0x50;
	s9 =	sand.u32 $0x1, s2  }
0x6: {  	s19 =	simm.s32 $0x14800;
	s2 =	stileid.u32;
	s5 =	sshll.u32 s9, $0x4  }
0x7: {  	s20 =	simm.s32 $0x14900;
	s21 =	simm.s32 $0x0;
	s5 =	sor.u32 s2, s5  }
0x8: {  	[smem:$0x7FF] =	sst s3;
	s4 =	sadd.s32 $0x146400, s10;
	s11 =	smul.u32 $0x1400, s5  }
.Ltmp0:
0x9: {  	s6 =	sadd.s32 $0xDA00, s10;
	s7 =	sadd.s32 $0x146200, s10;
	(pc) =	sbr.rel .LBB2_1-.Ltmp0, $4  }
0xa: {  	s8 =	sadd.s32 $0x3C00, s10;
	_ =	strace $0x8000004A;
	s12 =	ssub.s32 $0x2, s9  }
0xb: {  	s31 =	sshrl.u32 s12, $0x1;
	s9 =	smul.u32 $0xFFFFFEC0, s5;
	s13 =	sadd.s32 s11, s10  }
0xc: {  	s14 =	ssub.s32 s12, s31;
	s10 =	smul.u32 $0x4E200, s5;
	s11 =	sadd.s32 $0x16E400, s13  }
0xd: {  	s12 =	sadd.s32 $0x196400, s13;
	s13 =	smax.u32 s14, $0x1;
	s14 =	simm.s32 $0x2  }
.LBB2_10:
0xe: {  	[hbm4b:s11+s3] =	stream.linear.scatter [tilespmem:s3], [sflag:$0x2], $0xA000, $0x38;
	[tilespmem:$0x17180] =	vst v63  }
0xf: {  	s21 =	sadd.s32 $0x1, s21;
	_ =	swait.ge [sflag:s14], $0xA000  }
0x10: {  	p0 =	sne.s32 s21, s13;
	[sflag:s14] =	ssyncset.done $0x0  }
.Ltmp1:
0x11: {  	[sflag:s14] =	ssyncadd.s32 $0xFFFF6000;
	(pc) =	sbr.rel @!p0 .LBB2_11-.Ltmp1, $4  }
0x12: {  	[hbm4b:s12+s3] =	stream.linear.scatter [tilespmem:s15], [sflag:$0x2], $0xA000, $0x38;
	[tilespmem:$0x17180] =	vst v63  }
0x13: {  	_ =	swait.ge [sflag:s14], $0xA000  }
0x14: {  	[sflag:s14] =	ssyncset.done $0x0  }
0x15: {  	[sflag:s14] =	ssyncadd.s32 $0xFFFF6000  }
.LBB2_1:
0x16: {  	[tilespmem:s3], [sflag:$0x2] =	stream.linear.gather [hbm4b:s1+s3], $0xA400, $0x38;
	[tilespmem:$0x17180] =	vst v63  }
0x17: {  	_ =	swait.ge [sflag:s14], $0xA400  }
0x18: {  	[sflag:s14] =	ssyncset.done $0x0  }
0x19: {  	[sflag:s14] =	ssyncadd.s32 $0xFFFF5C00  }
0x1a: {  	[tilespmem:s15], [sflag:$0x2] =	stream.linear.gather [hbm4b:s8+s3], $0xA400, $0x38;
	[tilespmem:$0x17180] =	vst v63  }
0x1b: {  	_ =	swait.ge [sflag:s14], $0xA400  }
0x1c: {  	[sflag:s14] =	ssyncset.done $0x0  }
0x1d: {  	[sflag:s14] =	ssyncadd.s32 $0xFFFF5C00  }
0x1e: {  	[tilespmem:s16], [sflag:$0x2] =	stream.linear.gather [hbm4b:s7+s3], $0x80, $0x38;
	[tilespmem:$0x17180] =	vst v63  }
0x1f: {  	_ =	swait.ge [sflag:s14], $0x80  }
0x20: {  	[sflag:s14] =	ssyncset.done $0x0  }
0x21: {  	[sflag:s14] =	ssyncadd.s32 $0xFFFFFF80  }
0x22: {  	v0 =	vld [tilespmem:s5+$0x17100];
	_ =	sdelay $0x4  }
0x23: {  	(v2sf) =	vpush v0, $0x0;
	_ =	sdelay $0xe  }
0x24: {  	s22 =	spop (v2sf)  }
0x25: {  	s23 =	sadd.s32 $0x4F, s22  }
0x26: {  	s24 =	smulhi.u32 $0x66666667, s23;
	s25 =	sshra.s32 s23, $0x1F  }
0x27: {  	s25 =	smul.u32 $0x66666667, s25;
	_ =	sdelay $0x1  }
0x28: {  	s24 =	sadd.s32 s25, s24  }
0x29: {  	s25 =	sshrl.u32 s24, $0x1F;
	s24 =	sshra.s32 s24, $0x5  }
0x2a: {  	s24 =	sadd.s32 s25, s24  }
0x2b: {  	s25 =	smul.u32 $0xFFFFFFB0, s24  }
0x2c: {  	s26 =	ssub.s32 $0xFFFFFFB1, s22  }
0x2d: {  	p0 =	slt.s32 s23, $0x1;
	p1 =	sne.s32 s25, s26  }
0x2e: {  	p0 =	por !p0, !p1  }
0x2f: {  	s23 =	simm.s32 $0x1;
	p0 =	por !p0, !p0  }
0x30: {  	s23 =	simm.s32 @!p0 $0x0  }
0x31: {  	s23 =	ssub.s32 s24, s23  }
0x32: {  	p0 =	slt.s32 s23, $0x1  }
.Ltmp2:
0x33: {  	_ = 	snop;
	(pc) =	sbr.rel @!p0 .LBB2_2-.Ltmp2, $4  }
.Ltmp3:
0x34: {  	_ = 	snop;
	(pc) =	sbr.rel @p0 .LBB2_10-.Ltmp3, $4  }
0x35: {  	_ = 	snop  }
0x36: {  	_ = 	snop  }
0x37: {  	s25 =	simm.s32 $0x0;
	s24 =	smov.u32 s22  }
0x38: {  	_ = 	snop  }
.LBB2_4:
0x39: {  	s28 =	simm.s32 $0x14940  }
.LBB2_8:
0x3a: {  	(v2sf) =	vpush v0, $0x0;
	_ =	sdelay $0xe  }
0x3b: {  	s29 =	spop (v2sf)  }
0x3c: {  	s29 =	sand.u32 $0x3FFF, s29  }
0x3d: {  	s29 =	sadd.s32 s9, s29  }
0x3e: {  	p1 =	sgt.s32 s29, $0x0  }
0x3f: {  	s29 =	simm.s32 @!p1 $0x0  }
0x40: {  	s29 =	smin.u32 s29, $0x140  }
0x41: {  	s29 =	sshll.u32 s29, $0x7  }
0x42: {  	v49 =	vld [tilespmem:s29+$0xA400];
	_ =	sdelay $0x4  }
0x43: {  	v0 =	vadd.f32 $1.000000000e+00, v49  }
0x44: {  	s28 =	sadd.s32 @p0 $0x80, s28  }
0x45: {  	s26 =	smov.u32 @p0 s28;
	v50 =	vld [tilespmem:s29+$0x0];
	[tilespmem:s29+$0xA400] =	vst v0  }
0x46: {  	v1 =	vld [tilespmem:s26+$0xFFFFFFC0];
	_ =	sdelay $0x4  }
0x47: {  	v0 =	vadd.f32 v1, v50;
	_ =	sdelay $0x1  }
0x48: {  	v51 =	vld [tilespmem:s29+$0x10];
	[tilespmem:s29+$0x0] =	vst v0  }
0x49: {  	v52 =	vld [tilespmem:s26+$0xFFFFFFD0];
	_ =	sdelay $0x4  }
0x4a: {  	v0 =	vadd.f32 v52, v51;
	_ =	sdelay $0x1  }
0x4b: {  	v53 =	vld [tilespmem:s29+$0x20];
	[tilespmem:s29+$0x10] =	vst v0  }
0x4c: {  	v54 =	vld [tilespmem:s26+$0xFFFFFFE0];
	_ =	sdelay $0x4  }
0x4d: {  	v0 =	vadd.f32 v54, v53;
	_ =	sdelay $0x1  }
0x4e: {  	v55 =	vld [tilespmem:s29+$0x30];
	[tilespmem:s29+$0x20] =	vst v0  }
0x4f: {  	v56 =	vld [tilespmem:s26+$0xFFFFFFF0];
	_ =	sdelay $0x4  }
0x50: {  	v0 =	vadd.f32 v56, v55;
	_ =	sdelay $0x1  }
0x51: {  	v57 =	vld [tilespmem:s29+$0x40];
	[tilespmem:s29+$0x30] =	vst v0  }
0x52: {  	v58 =	vld [tilespmem:s26+$0x0];
	_ =	sdelay $0x4  }
0x53: {  	v0 =	vadd.f32 v58, v57;
	_ =	sdelay $0x1  }
0x54: {  	v59 =	vld [tilespmem:s29+$0x50];
	[tilespmem:s29+$0x40] =	vst v0  }
0x55: {  	v60 =	vld [tilespmem:s26+$0x10];
	_ =	sdelay $0x4  }
0x56: {  	v0 =	vadd.f32 v60, v59;
	_ =	sdelay $0x1  }
0x57: {  	v61 =	vld [tilespmem:s29+$0x60];
	[tilespmem:s29+$0x50] =	vst v0  }
0x58: {  	v62 =	vld [tilespmem:s26+$0x20];
	_ =	sdelay $0x4  }
0x59: {  	v0 =	vadd.f32 v62, v61;
	_ =	sdelay $0x1  }
0x5a: {  	v63 =	vld [tilespmem:s29+$0x70];
	[tilespmem:s29+$0x60] =	vst v0  }
0x5b: {  	v0 =	vld [tilespmem:s26+$0x30];
	_ =	sdelay $0x4  }
0x5c: {  	v0 =	vadd.f32 v0, v63;
	_ =	sdelay $0x1  }
0x5d: {  	[tilespmem:s29+$0x70] =	vst v0  }
.LBB2_9:
0x5e: {  	s25 =	sadd.s32 $0x1, s25  }
0x5f: {  	p0 =	sne.s32 s25, s23  }
.Ltmp4:
0x60: {  	_ = 	snop;
	(pc) =	sbr.rel @!p0 .LBB2_10-.Ltmp4, $2  }
0x61: {  	_ =	sdelay $0x2  }
0x62: {  	s24 =	sadd.s32 $0xFFFFFFB0, s24  }
.LBB2_2:
0x63: {  	s26 =	smul.u32 $0x50, s25;
	_ =	sdelay $0x1  }
0x64: {  	s28 =	sadd.s32 s10, s26  }
0x65: {  	s28 =	sshrl.u32 s28, $0x3  }
0x66: {  	s29 =	sadd.s32 s6, s28;
	s28 =	simm.s32 $0x14880  }
0x67: {  	[tilespmem:s28], [sflag:$0x2] =	stream.linear.gather [hbm4b:s29+s3], $0x50, $0x38;
	[tilespmem:$0x17180] =	vst v63  }
0x68: {  	_ =	swait.ge [sflag:s14], $0x50  }
0x69: {  	[sflag:s14] =	ssyncset.done $0x0  }
0x6a: {  	[sflag:s14] =	ssyncadd.s32 $0xFFFFFFB0  }
0x6b: {  	v0 =	vld [tilespmem:$0x14880]  }
0x6c: {  	v1 =	vld [tilespmem:$0x14890]  }
0x6d: {  	v2 =	vld [tilespmem:$0x148A0]  }
0x6e: {  	v3 =	vld [tilespmem:$0x148B0]  }
0x6f: {  	v4 =	vld [tilespmem:$0x148C0];
	_ =	sdelay $0x2  }
0x70: {  	v0 =	vshra.s32 v0, $0xE;
	v1 =	vshra.s32 v1, $0xE  }
0x71: {  	v2 =	vshra.s32 v2, $0xE;
	v3 =	vshra.s32 v3, $0xE;
	vm0 =	vgt.s32 v0, $0x0  }
0x72: {  	v61 =	vshra.s32 v4, $0xE;
	vm12 =	vgt.s32 v1, $0x0;
	v0 =	vnsel vm0, $0x0, v0  }
0x73: {  	vm13 =	vgt.s32 v2, $0x0;
	v1 =	vnsel vm12, $0x0, v1;
	v0 =	vmin.u32 v0, $0x27FF  }
0x74: {  	vm14 =	vgt.s32 v3, $0x0;
	v60 =	vnsel vm13, $0x0, v2;
	v1 =	vmin.u32 v1, $0x27FF;
	[tilespmem:$0x14800] =	vst v0  }
0x75: {  	vm15 =	vgt.s32 v61, $0x0;
	v62 =	vnsel vm14, $0x0, v3;
	[tilespmem:$0x14810] =	vst v1;
	v0 =	vmin.u32 v60, $0x27FF  }
0x76: {  	s26 =	ssub.s32 s22, s26;
	v63 =	vnsel vm15, $0x0, v61;
	v1 =	vmin.u32 v62, $0x27FF;
	[tilespmem:$0x14820] =	vst v0  }
0x77: {  	p0 =	slt.s32 s26, $0x1;
	[tilespmem:$0x14830] =	vst v1;
	v0 =	vmin.u32 v63, $0x27FF  }
.Ltmp5:
0x78: {  	[tilespmem:$0x14840] =	vst v0;
	(pc) =	sbr.rel @p0 .LBB2_9-.Ltmp5, $4  }
0x79: {  	[tilespmem:s20], [sflag:$0x1] =	stream.indirect.gather [hbm4b:s4+s18], $0x80, s19, s18, $0xb8;
	[tilespmem:$0x17180] =	vst v63  }
0x7a: {  	_ =	swait.ge [sflag:s17], $0x2800  }
0x7b: {  	[sflag:s17] =	ssyncset.done $0x0  }
0x7c: {  	[sflag:s17] =	ssyncadd.s32 $0xFFFFD800  }
0x7d: {  	p0 =	sgt.s32 s24, $0x1;
	s26 =	smov.u32 s24  }
0x7e: {  	s26 =	simm.s32 @!p0 $0x1  }
0x7f: {  	s29 =	smin.u32 s26, $0x50  }
0x80: {  	p1 =	sne.s32 s29, $0x1  }
.Ltmp6:
0x81: {  	v0 =	vld [tilespmem:s28+$0x0];
	(pc) =	sbr.rel @!p1 .LBB2_4-.Ltmp6, $2  }
0x82: {  	_ =	sdelay $0x2  }
0x83: {  	p0 =	por $0x0, $0x0;
	s26 =	simm.s32 $0x14940;
	s28 =	sadd.s32 $0xFFFFFFFF, s29  }
0x84: {  	(v2sf) =	vpush v0, $0x0;
	_ =	sdelay $0xe  }
0x85: {  	s29 =	spop (v2sf)  }
0x86: {  	s29 =	sand.u32 $0x3FFF, s29  }
0x87: {  	s29 =	sadd.s32 s9, s29  }
0x88: {  	p0 =	sgt.s32 s29, $0x0  }
0x89: {  	s29 =	simm.s32 @!p0 $0x0  }
0x8a: {  	s29 =	smin.u32 s29, $0x140  }
0x8b: {  	s29 =	sshll.u32 s29, $0x7  }
0x8c: {  	v0 =	vld [tilespmem:s29+$0xA400];
	_ =	sdelay $0x4  }
0x8d: {  	v0 =	vadd.f32 $1.000000000e+00, v0;
	_ =	sdelay $0x1  }
0x8e: {  	[tilespmem:s29+$0xA400] =	vst v0;
	v0 =	vld [tilespmem:s29+$0x0]  }
0x8f: {  	v1 =	vld [tilespmem:s26+$0xFFFFFFC0];
	_ =	sdelay $0x4  }
0x90: {  	v0 =	vadd.f32 v1, v0;
	_ =	sdelay $0x1  }
0x91: {  	[tilespmem:s29+$0x0] =	vst v0;
	v0 =	vld [tilespmem:s29+$0x10]  }
0x92: {  	v1 =	vld [tilespmem:s26+$0xFFFFFFD0];
	_ =	sdelay $0x4  }
0x93: {  	v0 =	vadd.f32 v1, v0;
	_ =	sdelay $0x1  }
0x94: {  	[tilespmem:s29+$0x10] =	vst v0;
	v0 =	vld [tilespmem:s29+$0x20]  }
0x95: {  	v1 =	vld [tilespmem:s26+$0xFFFFFFE0];
	_ =	sdelay $0x4  }
0x96: {  	v0 =	vadd.f32 v1, v0;
	_ =	sdelay $0x1  }
0x97: {  	[tilespmem:s29+$0x20] =	vst v0;
	v0 =	vld [tilespmem:s29+$0x30]  }
0x98: {  	v1 =	vld [tilespmem:s26+$0xFFFFFFF0];
	_ =	sdelay $0x4  }
0x99: {  	v0 =	vadd.f32 v1, v0;
	_ =	sdelay $0x1  }
0x9a: {  	[tilespmem:s29+$0x30] =	vst v0;
	v0 =	vld [tilespmem:s29+$0x40]  }
0x9b: {  	v1 =	vld [tilespmem:s26+$0x0];
	_ =	sdelay $0x4  }
0x9c: {  	v0 =	vadd.f32 v1, v0;
	_ =	sdelay $0x1  }
0x9d: {  	[tilespmem:s29+$0x40] =	vst v0;
	v0 =	vld [tilespmem:s29+$0x50]  }
0x9e: {  	v1 =	vld [tilespmem:s26+$0x10];
	_ =	sdelay $0x4  }
0x9f: {  	v0 =	vadd.f32 v1, v0;
	_ =	sdelay $0x1  }
0xa0: {  	[tilespmem:s29+$0x50] =	vst v0;
	v0 =	vld [tilespmem:s29+$0x60]  }
0xa1: {  	v1 =	vld [tilespmem:s26+$0x20];
	_ =	sdelay $0x4  }
0xa2: {  	v0 =	vadd.f32 v1, v0;
	_ =	sdelay $0x1  }
0xa3: {  	v1 =	vld [tilespmem:s29+$0x70];
	[tilespmem:s29+$0x60] =	vst v0  }
0xa4: {  	v0 =	vld [tilespmem:s26+$0x30];
	_ =	sdelay $0x4  }
0xa5: {  	v0 =	vadd.f32 v0, v1;
	_ =	sdelay $0x1  }
0xa6: {  	p1 =	sne.s32 s28, $0x1;
	[tilespmem:s29+$0x70] =	vst v0;
	s29 =	simm.s32 $0x14881  }
.Ltmp7:
0xa7: {  	v0 =	vld [tilespmem:s29+$0x0];
	(pc) =	sbr.rel @!p1 .LBB2_6-.Ltmp7, $2  }
0xa8: {  	_ =	sdelay $0x2  }
0xa9: {  	s30 =	sadd.s32 $0xFFFFFFFF, s28;
	s28 =	simm.s32 $0x14940;
	p0 =	por $0x1, $0x1  }
.LBB2_7:
0xaa: {  	p1 =	sne.s32 s30, $0x1;
	_ =	sdelay $0x3  }
0xab: {  	(v2sf) =	vpush v0, $0x0;
	_ =	sdelay $0xe  }
0xac: {  	s31 =	spop (v2sf)  }
0xad: {  	s31 =	sand.u32 $0x3FFF, s31  }
0xae: {  	s31 =	sadd.s32 s9, s31  }
0xaf: {  	p2 =	sgt.s32 s31, $0x0  }
0xb0: {  	s31 =	simm.s32 @!p2 $0x0  }
0xb1: {  	s31 =	smin.u32 s31, $0x140  }
0xb2: {  	s31 =	sshll.u32 s31, $0x7  }
0xb3: {  	v0 =	vld [tilespmem:s31+$0xA400]  }
0xb4: {  	v1 =	vld [tilespmem:s31+$0x70];
	_ =	sdelay $0x3  }
0xb5: {  	v0 =	vadd.f32 $1.000000000e+00, v0;
	_ =	sdelay $0x1  }
0xb6: {  	s28 =	sadd.s32 $0x80, s28;
	[tilespmem:s31+$0xA400] =	vst v0;
	v0 =	vld [tilespmem:s31+$0x0]  }
0xb7: {  	v2 =	vld [tilespmem:s28+$0xFFFFFFC0];
	_ =	sdelay $0x4  }
0xb8: {  	v0 =	vadd.f32 v2, v0;
	_ =	sdelay $0x1  }
0xb9: {  	[tilespmem:s31+$0x0] =	vst v0;
	v0 =	vld [tilespmem:s31+$0x10]  }
0xba: {  	v2 =	vld [tilespmem:s28+$0xFFFFFFD0];
	_ =	sdelay $0x4  }
0xbb: {  	v0 =	vadd.f32 v2, v0;
	_ =	sdelay $0x1  }
0xbc: {  	[tilespmem:s31+$0x10] =	vst v0;
	v0 =	vld [tilespmem:s31+$0x20]  }
0xbd: {  	v2 =	vld [tilespmem:s28+$0xFFFFFFE0];
	_ =	sdelay $0x4  }
0xbe: {  	v0 =	vadd.f32 v2, v0;
	_ =	sdelay $0x1  }
0xbf: {  	[tilespmem:s31+$0x20] =	vst v0;
	v0 =	vld [tilespmem:s31+$0x30]  }
0xc0: {  	v2 =	vld [tilespmem:s28+$0xFFFFFFF0];
	_ =	sdelay $0x4  }
0xc1: {  	v0 =	vadd.f32 v2, v0;
	_ =	sdelay $0x1  }
0xc2: {  	[tilespmem:s31+$0x30] =	vst v0;
	v0 =	vld [tilespmem:s31+$0x40]  }
0xc3: {  	v2 =	vld [tilespmem:s28+$0x0];
	_ =	sdelay $0x4  }
0xc4: {  	v0 =	vadd.f32 v2, v0;
	_ =	sdelay $0x1  }
0xc5: {  	[tilespmem:s31+$0x40] =	vst v0;
	v0 =	vld [tilespmem:s31+$0x50]  }
0xc6: {  	v2 =	vld [tilespmem:s28+$0x10];
	_ =	sdelay $0x4  }
0xc7: {  	v0 =	vadd.f32 v2, v0;
	_ =	sdelay $0x1  }
0xc8: {  	[tilespmem:s31+$0x50] =	vst v0;
	v0 =	vld [tilespmem:s31+$0x60]  }
0xc9: {  	v2 =	vld [tilespmem:s28+$0x20];
	_ =	sdelay $0x4  }
0xca: {  	v0 =	vadd.f32 v2, v0;
	_ =	sdelay $0x1  }
0xcb: {  	[tilespmem:s31+$0x60] =	vst v0  }
0xcc: {  	v0 =	vld [tilespmem:s28+$0x30];
	_ =	sdelay $0x3  }
.Ltmp8:
0xcd: {  	(pc) =	sbr.rel @p1 .LBB2_7-.Ltmp8, $3  }
0xce: {  	v0 =	vadd.f32 v0, v1;
	_ =	sdelay $0x1  }
0xcf: {  	s29 =	sadd.s32 $0x1, s29;
	[tilespmem:s31+$0x70] =	vst v0  }
0xd0: {  	s30 =	sadd.s32 $0xFFFFFFFF, s30;
	v0 =	vld [tilespmem:s29+$0x0]  }
.Ltmp9:
0xd1: {  	_ = 	snop;
	(pc) =	sbr.rel .LBB2_8-.Ltmp9, $1  }
0xd2: {  	_ =	sdelay $0x3  }
.LBB2_6:
.Ltmp10:
0xd3: {  	(pc) =	sbr.rel .LBB2_8-.Ltmp10, $2  }
0xd4: {  	_ =	sdelay $0x2  }
0xd5: {  	s28 =	simm.s32 $0x14940  }
.LBB2_11:
0xd6: {  	_ =	sfence.sel $0x180000  }
0xd7: {  	[bflag:$0x0] =	sbarrier.arrive $0xFFFF  }
0xd8: {  	p0 =	sne.s32 s2, $0x0;
	_ =	strace $0x9000004A  }
0xd9: {  	s0 =	sadd.s32 @!p0 $0x100000, s0;
	[bflag:$0x2] =	sbarrier.arrive $0xFFFF  }
0xda: {  	[sflag:s0] =	ssyncadd.tile.s32 @!p0 $0x1;
	_ =	shalt  }
.Lfunc_end2:
_tile_overlayer_lowered:
.L_overlay_start_2:
0xdb: {  	(tag) =	ssettag $0x2  }
0xdc: {  	s0 =	rddreg [dreg:$0x0];
	s2 =	stileid.u32  }
0xdd: {  	s1 =	rddreg [dreg:$0x1];
	p0 =	sne.s32 s2, $0x0  }
0xde: {  	s3 =	rddreg [dreg:$0x2];
	[bflag:$0x3] =	sbarrier.arrive $0xFFFF;
	s2 =	simm.s32 @!p0 $0x1C02  }
0xdf: {  	[timem:s3], [sflag:s2] =	dma.local @!p0 [hbm:s0], s1  }
0xe0: {  	s0 =	simm.s32 @!p0 $0x2  }
0xe1: {  	_ =	swait.ge @!p0 [sflag:s0], s1  }
0xe2: {  	s1 =	ssub.s32 @!p0 $0x0, s1;
	[sflag:s0] =	ssyncset.done @!p0 $0x0  }
0xe3: {  	[sflag:s0] =	ssyncadd.s32 @!p0 s1  }
0xe4: {  	[bflag:$0x3] =	sbarrier.arrive $0xFFFF  }
0xe5: {  	_ =	shalt  }

// kernel: kernel.14.cloned.1.call-start
scs
__scs_entry_jumppad:
0x0: {  	(pc) =	sbr.rel $0x88, $3  }
0x1: {  	(tag) =	ssettag $0x0;
	lr =	simm.s32 $0x1  }
0x2: {  	[smem:$0x3F97] =	sst lr;
	_ =	strace $0xD0000000  }
0x3: {  	_ = 	snop  }
0x4: {  	_ = 	snop  }
0x5: {  	_ = 	snop  }
0x6: {  	_ = 	snop  }
0x7: {  	_ = 	snop  }
__scs_overlays_trampoline_lowered:
0x8: {  	[smem:$0x3FA6] =	sst s0  }
0x9: {  	[smem:$0x3FA7] =	sst s1  }
0xa: {  	[smem:$0x3FA8] =	sst s2  }
0xb: {  	[smem:$0x3FA9] =	sst s3  }
0xc: {  	[smem:$0x3FAA] =	sst s4  }
0xd: {  	[smem:$0x3FAB] =	sst s5  }
0xe: {  	[smem:$0x3FAC] =	sst s6  }
0xf: {  	[smem:$0x3FAD] =	sst s7  }
0x10: {  	[smem:$0x3FAE] =	sst s8  }
0x11: {  	[smem:$0x3FAF] =	sst s9;
	s0 =	simm.s32 @!p0 $0x0  }
0x12: {  	s1 =	sld [smem:$0x3F95];
	s0 =	simm.s32 @p0 $0x1  }
0x13: {  	[smem:$0x3FB0] =	sst s0;
	s0 =	simm.s32 @!p1 $0x0  }
0x14: {  	s2 =	sld [smem:$0x3F94];
	s0 =	simm.s32 @p1 $0x1  }
0x15: {  	[smem:$0x3FB1] =	sst s0;
	s0 =	simm.s32 @!p2 $0x0  }
0x16: {  	s3 =	sld [smem:$0x3FDB];
	s0 =	simm.s32 @p2 $0x1  }
0x17: {  	s4 =	simm.s32 $0x1BF5;
	[smem:$0x3FB3] =	sst s0  }
0x18: {  	s0 =	sld [smem:$0x3F96];
	_ =	swait.ge [sflag:s4], $0x0  }
0x19: {  	s7 =	sld [smem:$0x3F97]  }
0x1a: {  	s8 =	sadd.s32 $0xFFFFE003, lr  }
0x1b: {  	s9 =	sadd.s32 $0xFFFFFEF7, lr;
	s5 =	simm.s32 $0xFFFFFFFF;
	p2 =	slt.u32 s8, $0xFFFFF086  }
0x1c: {  	p1 =	slt.u32 s9, $0xF7A;
	s5 =	simm.s32 @!p2 $0x0  }
0x1d: {  	s5 =	simm.s32 @p1 $0x1;
	p0 =	seq.s32 s7, s2  }
0x1e: {  	s7 =	smul.u32 @!p0 $0xF7A, s2;
	p2 =	seq.s32 @!p0 s5, $0x0  }
0x1f: {  	s9 =	smul.u32 $0xF7A, s1;
	s8 =	simm.s32 @!p0 $0x1BF5;
	p2 =	por !p2, p0  }
0x20: {  	[sflag:s8] =	ssyncset.s32 @!p0 $0xFFFFF086;
	s6 =	sadd.s32 @!p0 s3, s7;
	s7 =	simm.s32 @!p0 $0x108  }
0x21: {  	s3 =	sadd.s32 s3, s9;
	s6 =	sadd.s32 @!p0 $0x88, s6;
	s7 =	simm.s32 @p2 $0x1082  }
0x22: {  	[simem:s7], [sflag:s8] =	dma.local @!p0 [hbm:s6], $0xF7A  }
0x23: {  	s9 =	sor.u32 $0xD0000000, s2;
	s6 =	simm.s32 $0x108;
	_ =	swait.ge @!p0 [sflag:s8], $0x0  }
0x24: {  	s3 =	sadd.s32 $0x88, s3;
	s6 =	simm.s32 @!p1 $0x1082;
	[sflag:s4] =	ssyncset.s32 $0xFFFFF086  }
0x25: {  	[simem:s6], [sflag:s4] =	dma.local [hbm:s3], $0xF7A  }
0x26: {  	[smem:$0x3F97] =	sst s1;
	(tag) =	ssettag s2;
	_ =	strace s9  }
0x27: {  	s1 =	sld [smem:$0x3FA7]  }
0x28: {  	s2 =	sld [smem:$0x3FA8]  }
0x29: {  	s4 =	sld [smem:$0x3FAA]  }
0x2a: {  	p0 =	seq.s32 s5, $0x0;
	s5 =	sld [smem:$0x3FAB]  }
0x2b: {  	s6 =	sld [smem:$0x3FAC]  }
0x2c: {  	s7 =	sld [smem:$0x3FAD]  }
0x2d: {  	s3 =	simm.s32 $0x108;
	s8 =	sld [smem:$0x3FAE]  }
0x2e: {  	s3 =	simm.s32 @!p0 $0x1082;
	s9 =	sld [smem:$0x3FAF]  }
0x2f: {  	lr =	sadd.s32 s0, s3;
	s0 =	sld [smem:$0x3FA6]  }
0x30: {  	s3 =	sld [smem:$0x3FA9]  }
0x31: {  	[smem:$0x3FB2] =	sst s10  }
0x32: {  	s10 =	sld [smem:$0x3FB0];
	_ =	sdelay $0x3  }
0x33: {  	p0 =	seq.s32 s10, $0x1;
	s10 =	sld [smem:$0x3FB2];
	_ =	sdelay $0x3  }
0x34: {  	[smem:$0x3FB2] =	sst s10  }
0x35: {  	s10 =	sld [smem:$0x3FB1];
	_ =	sdelay $0x3  }
0x36: {  	p1 =	seq.s32 s10, $0x1;
	s10 =	sld [smem:$0x3FB2];
	_ =	sdelay $0x3  }
0x37: {  	[smem:$0x3FB2] =	sst s10  }
0x38: {  	s10 =	sld [smem:$0x3FB3]  }
0x39: {  	_ = 	snop;
	(pc) =	sbr.ind lr, $3  }
0x3a: {  	_ = 	snop  }
0x3b: {  	_ = 	snop  }
0x3c: {  	p2 =	seq.s32 s10, $0x1;
	s10 =	sld [smem:$0x3FB2]  }
0x3d: {  	_ =	shalt  }
0x3e: {  	_ =	shalt  }
0x3f: {  	_ =	shalt  }
0x40: {  	_ =	shalt  }
0x41: {  	_ =	shalt  }
0x42: {  	_ =	shalt  }
0x43: {  	_ =	shalt  }
0x44: {  	_ =	shalt  }
0x45: {  	_ =	shalt  }
0x46: {  	_ =	shalt  }
0x47: {  	_ =	shalt  }
0x48: {  	_ =	shalt  }
0x49: {  	_ =	shalt  }
0x4a: {  	_ =	shalt  }
0x4b: {  	_ =	shalt  }
0x4c: {  	_ =	shalt  }
0x4d: {  	_ =	shalt  }
0x4e: {  	_ =	shalt  }
0x4f: {  	_ =	shalt  }
0x50: {  	_ =	shalt  }
0x51: {  	_ =	shalt  }
0x52: {  	_ =	shalt  }
0x53: {  	_ =	shalt  }
0x54: {  	_ =	shalt  }
0x55: {  	_ =	shalt  }
0x56: {  	_ =	shalt  }
0x57: {  	_ =	shalt  }
0x58: {  	_ =	shalt  }
0x59: {  	_ =	shalt  }
0x5a: {  	_ =	shalt  }
0x5b: {  	_ =	shalt  }
0x5c: {  	_ =	shalt  }
0x5d: {  	_ =	shalt  }
0x5e: {  	_ =	shalt  }
0x5f: {  	_ =	shalt  }
0x60: {  	_ =	shalt  }
0x61: {  	_ =	shalt  }
0x62: {  	_ =	shalt  }
0x63: {  	_ =	shalt  }
0x64: {  	_ =	shalt  }
0x65: {  	_ =	shalt  }
0x66: {  	_ =	shalt  }
0x67: {  	_ =	shalt  }
0x68: {  	_ =	shalt  }
0x69: {  	_ =	shalt  }
0x6a: {  	_ =	shalt  }
0x6b: {  	_ =	shalt  }
0x6c: {  	_ =	shalt  }
0x6d: {  	_ =	shalt  }
0x6e: {  	_ =	shalt  }
0x6f: {  	_ =	shalt  }
0x70: {  	_ =	shalt  }
0x71: {  	_ =	shalt  }
0x72: {  	_ =	shalt  }
0x73: {  	_ =	shalt  }
0x74: {  	_ =	shalt  }
0x75: {  	_ =	shalt  }
0x76: {  	_ =	shalt  }
0x77: {  	_ =	shalt  }
0x78: {  	_ =	shalt  }
0x79: {  	_ =	shalt  }
0x7a: {  	_ =	shalt  }
0x7b: {  	_ =	shalt  }
0x7c: {  	_ =	shalt  }
0x7d: {  	_ =	shalt  }
0x7e: {  	_ =	shalt  }
0x7f: {  	_ =	shalt  }
0x80: {  	_ =	shalt  }
0x81: {  	_ =	shalt  }
0x82: {  	_ =	shalt  }
0x83: {  	_ =	shalt  }
0x84: {  	_ =	shalt  }
0x85: {  	_ =	shalt  }
0x86: {  	_ =	shalt  }
0x87: {  	_ =	shalt  }
.Lfunc_end0:
.L_simem_size_0:
called_computation.2_lowered:
.L_overlay_start_0:
0x88: {  	s2 =	sld [smem:$0x3FD9]  }
0x89: {  	s3 =	sld [smem:$0x3FFE];
	_ =	sdelay $0x1  }
0x8a: {  	s1 =	srdreg.scid  }
0x8b: {  	s0 =	sand.u32 $0x1, s1  }
0x8c: {  	s17 =	sshll.u32 s0, $0xA;
	s2 =	sadd.s32 s3, s2  }
0x8d: {  	s2 =	sadd.s32 s2, s17  }
0x8e: {  	[smem:$0x3FBE] =	sst s2  }
0x8f: {  	_ = 	snop  }
0x90: {  	s2 =	sld [smem:$0x3FD0];
	(tm) =	ssettm $0x1  }
0x91: {  	s18 =	sld [smem:$0x3FFB];
	_ =	sdelay $0x3  }
0x92: {  	_ =	strace s18  }
0x93: {  	s3 =	sld [smem:$0x3FFC];
	_ =	sdelay $0x3  }
0x94: {  	_ =	strace s3  }
0x95: {  	s3 =	sld [smem:$0x3FFD];
	_ =	sdelay $0x3  }
0x96: {  	_ =	strace s3  }
0x97: {  	_ =	strace $0x8FFFFFFF  }
0x98: {  	s19 =	sld [smem:$0x3FDB];
	_ =	sdelay $0x1  }
0x99: {  	s4 =	simm.s32 $_scs_section_size  }
0x9a: {  	s5 =	simm.s32 $_size__tile_overlayer_lowered;
	s6 =	simm.s32 $_tile_overlayer_lowered  }
0x9b: {  	s22 =	simm.s32 $0x1BFF;
	s21 =	sshll.u32 s6, $0x1;
	s3 =	sadd.s32 s4, s19  }
0x9c: {  	s7 =	simm.s32 $0x0;
	s20 =	sshll.u32 s5, $0x1;
	s5 =	sadd.s32 s21, s3  }
0x9d: {  	[timem:s7], [sflag:s22] =	dma.local [hbm:s5], s20  }
0x9e: {  	_ =	swait.ge [sflag:s22], s20  }
0x9f: {  	s4 =	ssub.s32 $0x0, s20;
	[sflag:s22] =	ssyncset.done $0x0  }
0xa0: {  	[sflag:s22] =	ssyncadd.s32 s4;
	_ =	sdelay $0x1  }
0xa1: {  	s23 =	simm.s32 $0x1B8B  }
0xa2: {  	_ =	swait.ge [sflag:s23], $0x1  }
0xa3: {  	[sflag:s23] =	ssyncset.done $0x0  }
0xa4: {  	s25 =	simm.s32 $0x1B8E;
	s24 =	sld [smem:$0x3FFE];
	[sflag:s23] =	ssyncadd.s32 $0xFFFFFFFF  }
0xa5: {  	s26 =	simm.s32 $execute0_lowered;
	[smem:$0x3FD2] =	sst s25  }
0xa6: {  	s5 =	sshll.u32 s26, $0x1;
	_ =	strace $0x8000004C;
	[dreg:$0x1] =	wrdreg $0xFFFFFFFF  }
0xa7: {  	s28 =	simm.s32 $_size_execute0_lowered;
	s3 =	sadd.s32 s3, s5;
	[dreg:$0x0] =	wrdreg $0x0  }
0xa8: {  	s5 =	sshll.u32 s28, $0x1;
	[dreg:$0x2] =	wrdreg s3  }
0xa9: {  	[dreg:$0x3] =	wrdreg s5  }
0xaa: {  	[dreg:$0x4] =	wrdreg $0xC0  }
0xab: {  	_ =	task [dreg:s7], $0x5FFFF  }
0xac: {  	[dreg:$0x1] =	wrdreg $0xFFFFFFFF  }
0xad: {  	[dreg:$0x0] =	wrdreg $0x60  }
0xae: {  	[dreg:$0x2] =	wrdreg s24  }
0xaf: {  	[dreg:$0x3] =	wrdreg s2  }
0xb0: {  	[dreg:$0x4] =	wrdreg $0x9  }
0xb1: {  	_ =	task.clear_ibuf [dreg:s7], $0x5FFFF;
	_ =	strace $0x9000004C  }
0xb2: {  	s29 =	simm.s32 $0x9;
	_ =	strace $0x8000004E  }
0xb3: {  	_ =	swait.ge [sflag:s29], $0x1  }
0xb4: {  	[sflag:s29] =	ssyncadd.s32 $0xFFFFFFFF  }
0xb5: {  	_ =	strace $0x9000004E  }
0xb6: {  	_ =	sfence  }
0xb7: {  	s30 =	sld [smem:$0x0];
	_ =	sdelay $0x2  }
0xb8: {  	s31 =	sshll.u32 s1, $0xD;
	s1 =	sshrl.u32 s1, $0x2  }
0xb9: {  	s3 =	sand.u32 $0x4000, s31;
	s1 =	sadd.s32 s1, s30  }
0xba: {  	s0 =	sor.u32 s3, s0;
	s1 =	sshll.u32 s1, $0x11  }
0xbb: {  	s0 =	sor.u32 s1, s0  }
0xbc: {  	s0 =	sadd.s32 $0x8F2B, s0  }
0xbd: {  	[sflag:s0] =	ssyncadd.remote.s32 $0x1  }
0xbe: {  	_ =	sfence.sel $0xFFFF  }
0xbf: {  	[dreg:$0x0] =	wrdreg $0xFFFFFFFF;
	(pc) =	sbr.abs _section_cstart, $3  }
0xc0: {  	[dreg:$0x1] =	wrdreg $0xFFFFFFFF  }
0xc1: {  	_ =	task.clear_ibuf [dreg:s7], $0x2FFFF;
	_ =	strace $0x9FFFFFFF  }
0xc2: {  	(tm) =	ssettm $0x7FFFFFFF  }
0xc3: {  	_ =	shalt  }
tec
execute0_lowered:
.L_overlay_start_1:
0x0: {  	(tag) =	ssettag $0x1  }
0x1: {  	s9 =	rddreg [dreg:$0x0]  }
0x2: {  	s1 =	rddreg [dreg:$0x1]  }
0x3: {  	s2 =	srdreg.scid;
	s0 =	rddreg [dreg:$0x2]  }
0x4: {  	s3 =	simm.s32 $0x0;
	s13 =	simm.s32 $0xCD00;
	s14 =	simm.s32 $0x1  }
0x5: {  	s15 =	simm.s32 $0x50;
	s16 =	simm.s32 $0xA400;
	s17 =	simm.s32 $0xA500  }
0x6: {  	s18 =	simm.s32 $0x0;
	s7 =	sand.u32 $0x1, s2;
	[smem:$0x7FF] =	sst s3  }
0x7: {  	s2 =	stileid.u32;
	s4 =	sadd.s32 $0x146400, s9;
	s5 =	sshll.u32 s7, $0x4  }
.Ltmp0:
0x8: {  	s6 =	sadd.s32 $0xDA00, s9;
	s5 =	sor.u32 s2, s5;
	(pc) =	sbr.rel .LBB2_1-.Ltmp0, $4  }
0x9: {  	_ =	strace $0x8000004D;
	s11 =	ssub.s32 $0x2, s7;
	s10 =	smul.u32 $0x1400, s5  }
0xa: {  	s7 =	sadd.s32 $0x146200, s9;
	s12 =	sshrl.u32 s11, $0x1;
	s8 =	smul.u32 $0xFFFFFEC0, s5  }
0xb: {  	s11 =	ssub.s32 s11, s12;
	s12 =	simm.s32 $0x2;
	s10 =	sadd.s32 s10, s9  }
0xc: {  	s11 =	smax.u32 s11, $0x1;
	s9 =	smul.u32 $0x4E200, s5;
	s10 =	sadd.s32 $0x16E400, s10  }
.LBB2_7:
0xd: {  	s18 =	sadd.s32 $0x1, s18  }
0xe: {  	p0 =	sne.s32 s18, s11  }
.Ltmp1:
0xf: {  	_ = 	snop;
	(pc) =	sbr.rel @!p0 .LBB2_8-.Ltmp1, $4  }
0x10: {  	[hbm4b:s10+s3] =	stream.linear.scatter [tilespmem:s3], [sflag:$0x2], $0xA000, $0x38;
	[tilespmem:$0xCD80] =	vst v63  }
0x11: {  	_ =	swait.ge [sflag:s12], $0xA000  }
0x12: {  	[sflag:s12] =	ssyncset.done $0x0  }
0x13: {  	[sflag:s12] =	ssyncadd.s32 $0xFFFF6000  }
.LBB2_1:
0x14: {  	[tilespmem:s3], [sflag:$0x2] =	stream.linear.gather [hbm4b:s1+s3], $0xA400, $0x38;
	[tilespmem:$0xCD80] =	vst v63  }
0x15: {  	_ =	swait.ge [sflag:s12], $0xA400  }
0x16: {  	[sflag:s12] =	ssyncset.done $0x0  }
0x17: {  	[sflag:s12] =	ssyncadd.s32 $0xFFFF5C00  }
0x18: {  	[tilespmem:s13], [sflag:$0x2] =	stream.linear.gather [hbm4b:s7+s3], $0x80, $0x38;
	[tilespmem:$0xCD80] =	vst v63  }
0x19: {  	_ =	swait.ge [sflag:s12], $0x80  }
0x1a: {  	[sflag:s12] =	ssyncset.done $0x0  }
0x1b: {  	[sflag:s12] =	ssyncadd.s32 $0xFFFFFF80  }
0x1c: {  	v0 =	vld [tilespmem:s5+$0xCD00];
	_ =	sdelay $0x4  }
0x1d: {  	(v2sf) =	vpush v0, $0x0;
	_ =	sdelay $0xe  }
0x1e: {  	s19 =	spop (v2sf)  }
0x1f: {  	s20 =	sadd.s32 $0x4F, s19  }
0x20: {  	s21 =	smulhi.u32 $0x66666667, s20;
	s22 =	sshra.s32 s20, $0x1F  }
0x21: {  	s22 =	smul.u32 $0x66666667, s22;
	_ =	sdelay $0x1  }
0x22: {  	s21 =	sadd.s32 s22, s21  }
0x23: {  	s22 =	sshrl.u32 s21, $0x1F;
	s21 =	sshra.s32 s21, $0x5  }
0x24: {  	s21 =	sadd.s32 s22, s21  }
0x25: {  	s22 =	smul.u32 $0xFFFFFFB0, s21  }
0x26: {  	s23 =	ssub.s32 $0xFFFFFFB1, s19  }
0x27: {  	p0 =	slt.s32 s20, $0x1;
	p1 =	sne.s32 s22, s23  }
0x28: {  	p0 =	por !p0, !p1  }
0x29: {  	s20 =	simm.s32 $0x1;
	p0 =	por !p0, !p0  }
0x2a: {  	s20 =	simm.s32 @!p0 $0x0  }
0x2b: {  	s20 =	ssub.s32 s21, s20  }
0x2c: {  	p0 =	slt.s32 s20, $0x1  }
.Ltmp2:
0x2d: {  	_ = 	snop;
	(pc) =	sbr.rel @!p0 .LBB2_2-.Ltmp2, $4  }
.Ltmp3:
0x2e: {  	_ = 	snop;
	(pc) =	sbr.rel @p0 .LBB2_7-.Ltmp3, $4  }
0x2f: {  	_ = 	snop  }
0x30: {  	_ = 	snop  }
0x31: {  	s22 =	simm.s32 $0x0;
	s21 =	smov.u32 s19  }
0x32: {  	_ = 	snop  }
.LBB2_5:
0x33: {  	[tilespmem:s26+$0x70] =	vst v0  }
.LBB2_6:
0x34: {  	s22 =	sadd.s32 $0x1, s22  }
0x35: {  	p0 =	sne.s32 s22, s20  }
.Ltmp4:
0x36: {  	_ = 	snop;
	(pc) =	sbr.rel @!p0 .LBB2_7-.Ltmp4, $2  }
0x37: {  	_ =	sdelay $0x2  }
0x38: {  	s21 =	sadd.s32 $0xFFFFFFB0, s21  }
.LBB2_2:
0x39: {  	s24 =	smul.u32 $0x50, s22;
	_ =	sdelay $0x1  }
0x3a: {  	s23 =	sadd.s32 s9, s24  }
0x3b: {  	s23 =	sshrl.u32 s23, $0x3  }
0x3c: {  	s25 =	sadd.s32 s6, s23;
	s23 =	simm.s32 $0xA480  }
0x3d: {  	[tilespmem:s23], [sflag:$0x2] =	stream.linear.gather [hbm4b:s25+s3], $0x50, $0x38;
	[tilespmem:$0xCD80] =	vst v63  }
0x3e: {  	_ =	swait.ge [sflag:s12], $0x50  }
0x3f: {  	[sflag:s12] =	ssyncset.done $0x0  }
0x40: {  	[sflag:s12] =	ssyncadd.s32 $0xFFFFFFB0  }
0x41: {  	v0 =	vld [tilespmem:$0xA480]  }
0x42: {  	v1 =	vld [tilespmem:$0xA490]  }
0x43: {  	v2 =	vld [tilespmem:$0xA4A0]  }
0x44: {  	v3 =	vld [tilespmem:$0xA4B0]  }
0x45: {  	v4 =	vld [tilespmem:$0xA4C0];
	_ =	sdelay $0x2  }
0x46: {  	v0 =	vshra.s32 v0, $0xE;
	v1 =	vshra.s32 v1, $0xE  }
0x47: {  	v2 =	vshra.s32 v2, $0xE;
	v3 =	vshra.s32 v3, $0xE;
	vm0 =	vgt.s32 v0, $0x0  }
0x48: {  	v61 =	vshra.s32 v4, $0xE;
	vm12 =	vgt.s32 v1, $0x0;
	v0 =	vnsel vm0, $0x0, v0  }
0x49: {  	vm13 =	vgt.s32 v2, $0x0;
	v1 =	vnsel vm12, $0x0, v1;
	v0 =	vmin.u32 v0, $0x27FF  }
0x4a: {  	vm14 =	vgt.s32 v3, $0x0;
	v60 =	vnsel vm13, $0x0, v2;
	v1 =	vmin.u32 v1, $0x27FF;
	[tilespmem:$0xA400] =	vst v0  }
0x4b: {  	vm15 =	vgt.s32 v61, $0x0;
	v62 =	vnsel vm14, $0x0, v3;
	[tilespmem:$0xA410] =	vst v1;
	v0 =	vmin.u32 v60, $0x27FF  }
0x4c: {  	s24 =	ssub.s32 s19, s24;
	v63 =	vnsel vm15, $0x0, v61;
	v1 =	vmin.u32 v62, $0x27FF;
	[tilespmem:$0xA420] =	vst v0  }
0x4d: {  	p0 =	slt.s32 s24, $0x1;
	[tilespmem:$0xA430] =	vst v1;
	v0 =	vmin.u32 v63, $0x27FF  }
.Ltmp5:
0x4e: {  	[tilespmem:$0xA440] =	vst v0;
	(pc) =	sbr.rel @p0 .LBB2_6-.Ltmp5, $4  }
0x4f: {  	[tilespmem:s17], [sflag:$0x1] =	stream.indirect.gather [hbm4b:s4+s15], $0x80, s16, s15, $0xb8;
	[tilespmem:$0xCD80] =	vst v63  }
0x50: {  	_ =	swait.ge [sflag:s14], $0x2800  }
0x51: {  	[sflag:s14] =	ssyncset.done $0x0  }
0x52: {  	[sflag:s14] =	ssyncadd.s32 $0xFFFFD800  }
0x53: {  	v0 =	vld [tilespmem:s23+$0x0];
	_ =	sdelay $0x4  }
0x54: {  	(v2sf) =	vpush v0, $0x0;
	_ =	sdelay $0xe  }
0x55: {  	s24 =	spop (v2sf)  }
0x56: {  	s24 =	sand.u32 $0x3FFF, s24  }
0x57: {  	s25 =	sadd.s32 s8, s24  }
0x58: {  	p0 =	sgt.s32 s25, $0x0  }
0x59: {  	s25 =	simm.s32 @!p0 $0x0  }
0x5a: {  	s24 =	simm.s32 $0xA540;
	s25 =	smin.u32 s25, $0x140  }
0x5b: {  	v0 =	vld [tilespmem:s24+$0xFFFFFFC0];
	s26 =	sshll.u32 s25, $0x7  }
0x5c: {  	v1 =	vld [tilespmem:s26+$0x0];
	_ =	sdelay $0x4  }
0x5d: {  	v0 =	vadd.f32 v0, v1;
	_ =	sdelay $0x1  }
0x5e: {  	[tilespmem:s26+$0x0] =	vst v0;
	v0 =	vld [tilespmem:s26+$0x10]  }
0x5f: {  	v1 =	vld [tilespmem:s24+$0xFFFFFFD0];
	_ =	sdelay $0x4  }
0x60: {  	v0 =	vadd.f32 v1, v0;
	_ =	sdelay $0x1  }
0x61: {  	[tilespmem:s26+$0x10] =	vst v0;
	v0 =	vld [tilespmem:s26+$0x20]  }
0x62: {  	v1 =	vld [tilespmem:s24+$0xFFFFFFE0];
	_ =	sdelay $0x4  }
0x63: {  	v0 =	vadd.f32 v1, v0;
	_ =	sdelay $0x1  }
0x64: {  	[tilespmem:s26+$0x20] =	vst v0;
	v0 =	vld [tilespmem:s26+$0x30]  }
0x65: {  	v1 =	vld [tilespmem:s24+$0xFFFFFFF0];
	_ =	sdelay $0x4  }
0x66: {  	v0 =	vadd.f32 v1, v0;
	_ =	sdelay $0x1  }
0x67: {  	[tilespmem:s26+$0x30] =	vst v0;
	v0 =	vld [tilespmem:s26+$0x40]  }
0x68: {  	v1 =	vld [tilespmem:s24+$0x0];
	_ =	sdelay $0x4  }
0x69: {  	v0 =	vadd.f32 v1, v0;
	_ =	sdelay $0x1  }
0x6a: {  	[tilespmem:s26+$0x40] =	vst v0;
	v0 =	vld [tilespmem:s26+$0x50]  }
0x6b: {  	v1 =	vld [tilespmem:s24+$0x10];
	_ =	sdelay $0x4  }
0x6c: {  	v0 =	vadd.f32 v1, v0;
	_ =	sdelay $0x1  }
0x6d: {  	[tilespmem:s26+$0x50] =	vst v0;
	v0 =	vld [tilespmem:s26+$0x60]  }
0x6e: {  	v1 =	vld [tilespmem:s24+$0x20];
	_ =	sdelay $0x4  }
0x6f: {  	v0 =	vadd.f32 v1, v0  }
0x70: {  	p0 =	sgt.s32 s21, $0x1;
	s25 =	smov.u32 s21  }
0x71: {  	s25 =	simm.s32 @!p0 $0x1;
	[tilespmem:s26+$0x60] =	vst v0;
	v0 =	vld [tilespmem:s26+$0x70]  }
0x72: {  	s25 =	smin.u32 s25, $0x50;
	v1 =	vld [tilespmem:s24+$0x30]  }
0x73: {  	p0 =	sne.s32 s25, $0x1  }
.Ltmp6:
0x74: {  	_ = 	snop;
	(pc) =	sbr.rel @!p0 .LBB2_5-.Ltmp6, $3  }
0x75: {  	_ =	sdelay $0x1  }
0x76: {  	v0 =	vadd.f32 v1, v0  }
0x77: {  	s25 =	sadd.s32 $0xFFFFFFFF, s25  }
.LBB2_4:
0x78: {  	p0 =	sne.s32 s25, $0x1;
	[tilespmem:s26+$0x70] =	vst v0;
	s23 =	sadd.s32 $0x1, s23;
	s24 =	sadd.s32 $0x80, s24  }
0x79: {  	s25 =	sadd.s32 $0xFFFFFFFF, s25;
	v0 =	vld [tilespmem:s23+$0x0];
	_ =	sdelay $0x4  }
0x7a: {  	(v2sf) =	vpush v0, $0x0;
	_ =	sdelay $0xe  }
0x7b: {  	s26 =	spop (v2sf)  }
0x7c: {  	s26 =	sand.u32 $0x3FFF, s26  }
0x7d: {  	s26 =	sadd.s32 s8, s26  }
0x7e: {  	p1 =	sgt.s32 s26, $0x0  }
0x7f: {  	s26 =	simm.s32 @!p1 $0x0  }
0x80: {  	s26 =	smin.u32 s26, $0x140  }
0x81: {  	s26 =	sshll.u32 s26, $0x7;
	v0 =	vld [tilespmem:s24+$0xFFFFFFC0]  }
0x82: {  	v1 =	vld [tilespmem:s26+$0x0];
	_ =	sdelay $0x4  }
0x83: {  	v0 =	vadd.f32 v0, v1;
	_ =	sdelay $0x1  }
0x84: {  	[tilespmem:s26+$0x0] =	vst v0;
	v0 =	vld [tilespmem:s26+$0x10]  }
0x85: {  	v1 =	vld [tilespmem:s24+$0xFFFFFFD0];
	_ =	sdelay $0x4  }
0x86: {  	v0 =	vadd.f32 v1, v0;
	_ =	sdelay $0x1  }
0x87: {  	[tilespmem:s26+$0x10] =	vst v0;
	v0 =	vld [tilespmem:s26+$0x20]  }
0x88: {  	v1 =	vld [tilespmem:s24+$0xFFFFFFE0];
	_ =	sdelay $0x4  }
0x89: {  	v0 =	vadd.f32 v1, v0;
	_ =	sdelay $0x1  }
0x8a: {  	[tilespmem:s26+$0x20] =	vst v0;
	v0 =	vld [tilespmem:s26+$0x30]  }
0x8b: {  	v1 =	vld [tilespmem:s24+$0xFFFFFFF0];
	_ =	sdelay $0x4  }
0x8c: {  	v0 =	vadd.f32 v1, v0;
	_ =	sdelay $0x1  }
0x8d: {  	[tilespmem:s26+$0x30] =	vst v0;
	v0 =	vld [tilespmem:s26+$0x40]  }
0x8e: {  	v1 =	vld [tilespmem:s24+$0x0];
	_ =	sdelay $0x4  }
0x8f: {  	v0 =	vadd.f32 v1, v0;
	_ =	sdelay $0x1  }
0x90: {  	[tilespmem:s26+$0x40] =	vst v0;
	v0 =	vld [tilespmem:s26+$0x50]  }
0x91: {  	v1 =	vld [tilespmem:s24+$0x10];
	_ =	sdelay $0x4  }
0x92: {  	v0 =	vadd.f32 v1, v0;
	_ =	sdelay $0x1  }
0x93: {  	[tilespmem:s26+$0x50] =	vst v0;
	v0 =	vld [tilespmem:s26+$0x60]  }
0x94: {  	v1 =	vld [tilespmem:s24+$0x20];
	_ =	sdelay $0x4  }
0x95: {  	v0 =	vadd.f32 v1, v0;
	_ =	sdelay $0x1  }
0x96: {  	[tilespmem:s26+$0x60] =	vst v0;
	v0 =	vld [tilespmem:s26+$0x70]  }
0x97: {  	v1 =	vld [tilespmem:s24+$0x30]  }
.Ltmp7:
0x98: {  	(pc) =	sbr.rel @p0 .LBB2_4-.Ltmp7, $2  }
0x99: {  	_ =	sdelay $0x2  }
0x9a: {  	v0 =	vadd.f32 v1, v0  }
.Ltmp8:
0x9b: {  	_ = 	snop;
	(pc) =	sbr.rel .LBB2_5-.Ltmp8, $1  }
0x9c: {  	_ =	sdelay $0x3  }
.LBB2_8:
0x9d: {  	_ =	sfence.sel $0x180000  }
0x9e: {  	[bflag:$0x0] =	sbarrier.arrive $0xFFFF  }
0x9f: {  	p0 =	sne.s32 s2, $0x0;
	_ =	strace $0x9000004D  }
0xa0: {  	s0 =	sadd.s32 @!p0 $0x100000, s0;
	[bflag:$0x2] =	sbarrier.arrive $0xFFFF  }
0xa1: {  	[sflag:s0] =	ssyncadd.tile.s32 @!p0 $0x1;
	_ =	shalt  }
.Lfunc_end2:
_tile_overlayer_lowered:
.L_overlay_start_2:
0xa2: {  	(tag) =	ssettag $0x2  }
0xa3: {  	s0 =	rddreg [dreg:$0x0];
	s2 =	stileid.u32  }
0xa4: {  	s1 =	rddreg [dreg:$0x1];
	p0 =	sne.s32 s2, $0x0  }
0xa5: {  	s3 =	rddreg [dreg:$0x2];
	[bflag:$0x3] =	sbarrier.arrive $0xFFFF;
	s2 =	simm.s32 @!p0 $0x1C02  }
0xa6: {  	[timem:s3], [sflag:s2] =	dma.local @!p0 [hbm:s0], s1  }
0xa7: {  	s0 =	simm.s32 @!p0 $0x2  }
0xa8: {  	_ =	swait.ge @!p0 [sflag:s0], s1  }
0xa9: {  	s1 =	ssub.s32 @!p0 $0x0, s1;
	[sflag:s0] =	ssyncset.done @!p0 $0x0  }
0xaa: {  	[sflag:s0] =	ssyncadd.s32 @!p0 s1  }
0xab: {  	[bflag:$0x3] =	sbarrier.arrive $0xFFFF  }
0xac: {  	_ =	shalt  }

// kernel: kernel.8.cloned.1.call-start
scs
__scs_entry_jumppad:
0x0: {  	(pc) =	sbr.rel $0x88, $3  }
0x1: {  	(tag) =	ssettag $0x0;
	lr =	simm.s32 $0x1  }
0x2: {  	[smem:$0x3F97] =	sst lr;
	_ =	strace $0xD0000000  }
0x3: {  	_ = 	snop  }
0x4: {  	_ = 	snop  }
0x5: {  	_ = 	snop  }
0x6: {  	_ = 	snop  }
0x7: {  	_ = 	snop  }
__scs_overlays_trampoline_lowered:
0x8: {  	[smem:$0x3FA6] =	sst s0  }
0x9: {  	[smem:$0x3FA7] =	sst s1  }
0xa: {  	[smem:$0x3FA8] =	sst s2  }
0xb: {  	[smem:$0x3FA9] =	sst s3  }
0xc: {  	[smem:$0x3FAA] =	sst s4  }
0xd: {  	[smem:$0x3FAB] =	sst s5  }
0xe: {  	[smem:$0x3FAC] =	sst s6  }
0xf: {  	[smem:$0x3FAD] =	sst s7  }
0x10: {  	[smem:$0x3FAE] =	sst s8  }
0x11: {  	[smem:$0x3FAF] =	sst s9;
	s0 =	simm.s32 @!p0 $0x0  }
0x12: {  	s1 =	sld [smem:$0x3F95];
	s0 =	simm.s32 @p0 $0x1  }
0x13: {  	[smem:$0x3FB0] =	sst s0;
	s0 =	simm.s32 @!p1 $0x0  }
0x14: {  	s2 =	sld [smem:$0x3F94];
	s0 =	simm.s32 @p1 $0x1  }
0x15: {  	[smem:$0x3FB1] =	sst s0;
	s0 =	simm.s32 @!p2 $0x0  }
0x16: {  	s3 =	sld [smem:$0x3FDB];
	s0 =	simm.s32 @p2 $0x1  }
0x17: {  	s4 =	simm.s32 $0x1BF5;
	[smem:$0x3FB3] =	sst s0  }
0x18: {  	s0 =	sld [smem:$0x3F96];
	_ =	swait.ge [sflag:s4], $0x0  }
0x19: {  	s7 =	sld [smem:$0x3F97]  }
0x1a: {  	s8 =	sadd.s32 $0xFFFFE003, lr  }
0x1b: {  	s9 =	sadd.s32 $0xFFFFFEF7, lr;
	s5 =	simm.s32 $0xFFFFFFFF;
	p2 =	slt.u32 s8, $0xFFFFF086  }
0x1c: {  	p1 =	slt.u32 s9, $0xF7A;
	s5 =	simm.s32 @!p2 $0x0  }
0x1d: {  	s5 =	simm.s32 @p1 $0x1;
	p0 =	seq.s32 s7, s2  }
0x1e: {  	s7 =	smul.u32 @!p0 $0xF7A, s2;
	p2 =	seq.s32 @!p0 s5, $0x0  }
0x1f: {  	s9 =	smul.u32 $0xF7A, s1;
	s8 =	simm.s32 @!p0 $0x1BF5;
	p2 =	por !p2, p0  }
0x20: {  	[sflag:s8] =	ssyncset.s32 @!p0 $0xFFFFF086;
	s6 =	sadd.s32 @!p0 s3, s7;
	s7 =	simm.s32 @!p0 $0x108  }
0x21: {  	s3 =	sadd.s32 s3, s9;
	s6 =	sadd.s32 @!p0 $0x88, s6;
	s7 =	simm.s32 @p2 $0x1082  }
0x22: {  	[simem:s7], [sflag:s8] =	dma.local @!p0 [hbm:s6], $0xF7A  }
0x23: {  	s9 =	sor.u32 $0xD0000000, s2;
	s6 =	simm.s32 $0x108;
	_ =	swait.ge @!p0 [sflag:s8], $0x0  }
0x24: {  	s3 =	sadd.s32 $0x88, s3;
	s6 =	simm.s32 @!p1 $0x1082;
	[sflag:s4] =	ssyncset.s32 $0xFFFFF086  }
0x25: {  	[simem:s6], [sflag:s4] =	dma.local [hbm:s3], $0xF7A  }
0x26: {  	[smem:$0x3F97] =	sst s1;
	(tag) =	ssettag s2;
	_ =	strace s9  }
0x27: {  	s1 =	sld [smem:$0x3FA7]  }
0x28: {  	s2 =	sld [smem:$0x3FA8]  }
0x29: {  	s4 =	sld [smem:$0x3FAA]  }
0x2a: {  	p0 =	seq.s32 s5, $0x0;
	s5 =	sld [smem:$0x3FAB]  }
0x2b: {  	s6 =	sld [smem:$0x3FAC]  }
0x2c: {  	s7 =	sld [smem:$0x3FAD]  }
0x2d: {  	s3 =	simm.s32 $0x108;
	s8 =	sld [smem:$0x3FAE]  }
0x2e: {  	s3 =	simm.s32 @!p0 $0x1082;
	s9 =	sld [smem:$0x3FAF]  }
0x2f: {  	lr =	sadd.s32 s0, s3;
	s0 =	sld [smem:$0x3FA6]  }
0x30: {  	s3 =	sld [smem:$0x3FA9]  }
0x31: {  	[smem:$0x3FB2] =	sst s10  }
0x32: {  	s10 =	sld [smem:$0x3FB0];
	_ =	sdelay $0x3  }
0x33: {  	p0 =	seq.s32 s10, $0x1;
	s10 =	sld [smem:$0x3FB2];
	_ =	sdelay $0x3  }
0x34: {  	[smem:$0x3FB2] =	sst s10  }
0x35: {  	s10 =	sld [smem:$0x3FB1];
	_ =	sdelay $0x3  }
0x36: {  	p1 =	seq.s32 s10, $0x1;
	s10 =	sld [smem:$0x3FB2];
	_ =	sdelay $0x3  }
0x37: {  	[smem:$0x3FB2] =	sst s10  }
0x38: {  	s10 =	sld [smem:$0x3FB3]  }
0x39: {  	_ = 	snop;
	(pc) =	sbr.ind lr, $3  }
0x3a: {  	_ = 	snop  }
0x3b: {  	_ = 	snop  }
0x3c: {  	p2 =	seq.s32 s10, $0x1;
	s10 =	sld [smem:$0x3FB2]  }
0x3d: {  	_ =	shalt  }
0x3e: {  	_ =	shalt  }
0x3f: {  	_ =	shalt  }
0x40: {  	_ =	shalt  }
0x41: {  	_ =	shalt  }
0x42: {  	_ =	shalt  }
0x43: {  	_ =	shalt  }
0x44: {  	_ =	shalt  }
0x45: {  	_ =	shalt  }
0x46: {  	_ =	shalt  }
0x47: {  	_ =	shalt  }
0x48: {  	_ =	shalt  }
0x49: {  	_ =	shalt  }
0x4a: {  	_ =	shalt  }
0x4b: {  	_ =	shalt  }
0x4c: {  	_ =	shalt  }
0x4d: {  	_ =	shalt  }
0x4e: {  	_ =	shalt  }
0x4f: {  	_ =	shalt  }
0x50: {  	_ =	shalt  }
0x51: {  	_ =	shalt  }
0x52: {  	_ =	shalt  }
0x53: {  	_ =	shalt  }
0x54: {  	_ =	shalt  }
0x55: {  	_ =	shalt  }
0x56: {  	_ =	shalt  }
0x57: {  	_ =	shalt  }
0x58: {  	_ =	shalt  }
0x59: {  	_ =	shalt  }
0x5a: {  	_ =	shalt  }
0x5b: {  	_ =	shalt  }
0x5c: {  	_ =	shalt  }
0x5d: {  	_ =	shalt  }
0x5e: {  	_ =	shalt  }
0x5f: {  	_ =	shalt  }
0x60: {  	_ =	shalt  }
0x61: {  	_ =	shalt  }
0x62: {  	_ =	shalt  }
0x63: {  	_ =	shalt  }
0x64: {  	_ =	shalt  }
0x65: {  	_ =	shalt  }
0x66: {  	_ =	shalt  }
0x67: {  	_ =	shalt  }
0x68: {  	_ =	shalt  }
0x69: {  	_ =	shalt  }
0x6a: {  	_ =	shalt  }
0x6b: {  	_ =	shalt  }
0x6c: {  	_ =	shalt  }
0x6d: {  	_ =	shalt  }
0x6e: {  	_ =	shalt  }
0x6f: {  	_ =	shalt  }
0x70: {  	_ =	shalt  }
0x71: {  	_ =	shalt  }
0x72: {  	_ =	shalt  }
0x73: {  	_ =	shalt  }
0x74: {  	_ =	shalt  }
0x75: {  	_ =	shalt  }
0x76: {  	_ =	shalt  }
0x77: {  	_ =	shalt  }
0x78: {  	_ =	shalt  }
0x79: {  	_ =	shalt  }
0x7a: {  	_ =	shalt  }
0x7b: {  	_ =	shalt  }
0x7c: {  	_ =	shalt  }
0x7d: {  	_ =	shalt  }
0x7e: {  	_ =	shalt  }
0x7f: {  	_ =	shalt  }
0x80: {  	_ =	shalt  }
0x81: {  	_ =	shalt  }
0x82: {  	_ =	shalt  }
0x83: {  	_ =	shalt  }
0x84: {  	_ =	shalt  }
0x85: {  	_ =	shalt  }
0x86: {  	_ =	shalt  }
0x87: {  	_ =	shalt  }
.Lfunc_end0:
.L_simem_size_0:
called_computation_lowered:
.L_overlay_start_0:
0x88: {  	s2 =	sld [smem:$0x3FD9]  }
0x89: {  	s3 =	sld [smem:$0x3FFE];
	_ =	sdelay $0x1  }
0x8a: {  	s1 =	srdreg.scid  }
0x8b: {  	s0 =	sand.u32 $0x1, s1  }
0x8c: {  	s17 =	sshll.u32 s0, $0xA;
	s2 =	sadd.s32 s3, s2  }
0x8d: {  	s2 =	sadd.s32 s2, s17  }
0x8e: {  	[smem:$0x3FBE] =	sst s2  }
0x8f: {  	_ = 	snop  }
0x90: {  	s2 =	sld [smem:$0x3FD0];
	(tm) =	ssettm $0x1  }
0x91: {  	s18 =	sld [smem:$0x3FFB];
	_ =	sdelay $0x3  }
0x92: {  	_ =	strace s18  }
0x93: {  	s3 =	sld [smem:$0x3FFC];
	_ =	sdelay $0x3  }
0x94: {  	_ =	strace s3  }
0x95: {  	s3 =	sld [smem:$0x3FFD];
	_ =	sdelay $0x3  }
0x96: {  	_ =	strace s3  }
0x97: {  	_ =	strace $0x8FFFFFFF  }
0x98: {  	s19 =	sld [smem:$0x3FDB];
	_ =	sdelay $0x1  }
0x99: {  	s4 =	simm.s32 $_scs_section_size  }
0x9a: {  	s5 =	simm.s32 $_size__tile_overlayer_lowered;
	s6 =	simm.s32 $_tile_overlayer_lowered  }
0x9b: {  	s22 =	simm.s32 $0x1BFF;
	s21 =	sshll.u32 s6, $0x1;
	s3 =	sadd.s32 s4, s19  }
0x9c: {  	s7 =	simm.s32 $0x0;
	s20 =	sshll.u32 s5, $0x1;
	s5 =	sadd.s32 s21, s3  }
0x9d: {  	[timem:s7], [sflag:s22] =	dma.local [hbm:s5], s20  }
0x9e: {  	_ =	swait.ge [sflag:s22], s20  }
0x9f: {  	s4 =	ssub.s32 $0x0, s20;
	[sflag:s22] =	ssyncset.done $0x0  }
0xa0: {  	[sflag:s22] =	ssyncadd.s32 s4;
	_ =	sdelay $0x1  }
0xa1: {  	s23 =	simm.s32 $0x1B8B  }
0xa2: {  	_ =	swait.ge [sflag:s23], $0x1  }
0xa3: {  	[sflag:s23] =	ssyncset.done $0x0  }
0xa4: {  	s25 =	simm.s32 $0x1B8E;
	s24 =	sld [smem:$0x3FFE];
	[sflag:s23] =	ssyncadd.s32 $0xFFFFFFFF  }
0xa5: {  	s26 =	simm.s32 $execute0_lowered;
	[smem:$0x3FD2] =	sst s25  }
0xa6: {  	s5 =	sshll.u32 s26, $0x1;
	_ =	strace $0x80000046;
	[dreg:$0x1] =	wrdreg $0xFFFFFFFF  }
0xa7: {  	s28 =	simm.s32 $_size_execute0_lowered;
	s3 =	sadd.s32 s3, s5;
	[dreg:$0x0] =	wrdreg $0x0  }
0xa8: {  	s5 =	sshll.u32 s28, $0x1;
	[dreg:$0x2] =	wrdreg s3  }
0xa9: {  	[dreg:$0x3] =	wrdreg s5  }
0xaa: {  	[dreg:$0x4] =	wrdreg $0xC0  }
0xab: {  	_ =	task [dreg:s7], $0x5FFFF  }
0xac: {  	[dreg:$0x1] =	wrdreg $0xFFFFFFFF  }
0xad: {  	[dreg:$0x0] =	wrdreg $0x60  }
0xae: {  	[dreg:$0x2] =	wrdreg s2  }
0xaf: {  	[dreg:$0x3] =	wrdreg s24  }
0xb0: {  	[dreg:$0x4] =	wrdreg $0x9  }
0xb1: {  	_ =	task.clear_ibuf [dreg:s7], $0x5FFFF;
	_ =	strace $0x90000046  }
0xb2: {  	s29 =	simm.s32 $0x9;
	_ =	strace $0x80000048  }
0xb3: {  	_ =	swait.ge [sflag:s29], $0x1  }
0xb4: {  	[sflag:s29] =	ssyncadd.s32 $0xFFFFFFFF  }
0xb5: {  	_ =	strace $0x90000048  }
0xb6: {  	_ =	sfence  }
0xb7: {  	s30 =	sld [smem:$0x0];
	_ =	sdelay $0x2  }
0xb8: {  	s31 =	sshll.u32 s1, $0xD;
	s1 =	sshrl.u32 s1, $0x2  }
0xb9: {  	s3 =	sand.u32 $0x4000, s31;
	s1 =	sadd.s32 s1, s30  }
0xba: {  	s0 =	sor.u32 s3, s0;
	s1 =	sshll.u32 s1, $0x11  }
0xbb: {  	s0 =	sor.u32 s1, s0  }
0xbc: {  	s0 =	sadd.s32 $0x8F2B, s0  }
0xbd: {  	[sflag:s0] =	ssyncadd.remote.s32 $0x1  }
0xbe: {  	_ =	sfence.sel $0xFFFF  }
0xbf: {  	[dreg:$0x0] =	wrdreg $0xFFFFFFFF;
	(pc) =	sbr.abs _section_cstart, $3  }
0xc0: {  	[dreg:$0x1] =	wrdreg $0xFFFFFFFF  }
0xc1: {  	_ =	task.clear_ibuf [dreg:s7], $0x2FFFF;
	_ =	strace $0x9FFFFFFF  }
0xc2: {  	(tm) =	ssettm $0x7FFFFFFF  }
0xc3: {  	_ =	shalt  }
tec
execute0_lowered:
.L_overlay_start_1:
0x0: {  	(tag) =	ssettag $0x1  }
0x1: {  	s6 =	rddreg [dreg:$0x0]  }
0x2: {  	s0 =	srdreg.scid;
	s5 =	rddreg [dreg:$0x1]  }
0x3: {  	s1 =	rddreg [dreg:$0x2];
	s3 =	sand.u32 $0x1, s0  }
0x4: {  	s0 =	stileid.u32;
	s4 =	smul.u32 $0x27100, s3  }
0x5: {  	s2 =	simm.s32 $0x0;
	s9 =	simm.s32 $0x50;
	s7 =	smul.u32 $0x2710, s0  }
0x6: {  	s10 =	simm.s32 $0x0;
	[smem:$0x7FF] =	sst s2;
	s3 =	ssub.s32 $0x2, s3  }
0x7: {  	_ =	strace $0x80000047;
	s29 =	sshrl.u32 s3, $0x1;
	s4 =	sadd.s32 s7, s4  }
0x8: {  	s30 =	ssub.s32 s3, s29;
	s3 =	sadd.s32 $0xDA00, s5;
	s8 =	sshrl.u32 s4, $0x3  }
0x9: {  	s7 =	simm.s32 $0x80;
	s4 =	smax.u32 s30, $0x1;
	s31 =	sadd.s32 s8, s5  }
0xa: {  	s6 =	sadd.s32 s8, s6;
	s8 =	simm.s32 $0x1;
	s5 =	sadd.s32 $0x3C00, s31  }
.LBB2_1:
0xb: {  	s11 =	sadd.s32 $0x0, s6  }
0xc: {  	[tilespmem:s7], [sflag:$0x1] =	stream.linear.gather [hbm4b:s11+s2], $0x50, $0x38;
	[tilespmem:$0x100] =	vst v63  }
0xd: {  	_ =	swait.ge [sflag:s8], $0x50  }
0xe: {  	[sflag:s8] =	ssyncset.done $0x0  }
0xf: {  	s31 =	sadd.s32 $0x0, s5;
	[sflag:s8] =	ssyncadd.s32 $0xFFFFFFB0  }
0x10: {  	[tilespmem:s2], [sflag:$0x1] =	stream.linear.gather [hbm4b:s31+s2], $0x50, $0x38;
	[tilespmem:$0x100] =	vst v63  }
0x11: {  	_ =	swait.ge [sflag:s8], $0x50  }
0x12: {  	[sflag:s8] =	ssyncset.done $0x0  }
0x13: {  	[sflag:s8] =	ssyncadd.s32 $0xFFFFFFB0  }
0x14: {  	[hbm4b:s3+s9] =	stream.indirect.scatter [tilespmem:s7], [sflag:$0x1], $0x1, s2, s9, $0xb8;
	[tilespmem:$0x100] =	vst v63  }
0x15: {  	_ =	swait.ge [sflag:s8], $0x50  }
0x16: {  	s12 =	simm.s32 $0x14;
	s11 =	simm.s32 $0xA;
	[sflag:s8] =	ssyncset.done $0x0  }
.LBB2_2:
0x17: {  	s13 =	sadd.s32 s11, s6  }
0x18: {  	[sflag:s8] =	ssyncadd.s32 $0xFFFFFFB0;
	s14 =	smov.u32 s12;
	s15 =	sadd.s32 $0xA, s12  }
0x19: {  	[tilespmem:s7], [sflag:$0x1] =	stream.linear.gather [hbm4b:s13+s2], $0x50, $0x38;
	[tilespmem:$0x100] =	vst v63  }
0x1a: {  	p0 =	sne.s32 s12, $0x4D8;
	_ =	swait.ge [sflag:s8], $0x50  }
0x1b: {  	[sflag:s8] =	ssyncset.done $0x0  }
0x1c: {  	s12 =	sadd.s32 s11, s5;
	s11 =	smov.u32 s14;
	[sflag:s8] =	ssyncadd.s32 $0xFFFFFFB0  }
0x1d: {  	[tilespmem:s2], [sflag:$0x1] =	stream.linear.gather [hbm4b:s12+s2], $0x50, $0x38;
	[tilespmem:$0x100] =	vst v63  }
0x1e: {  	_ =	swait.ge [sflag:s8], $0x50  }
.Ltmp0:
0x1f: {  	[sflag:s8] =	ssyncset.done $0x0;
	(pc) =	sbr.rel @p0 .LBB2_2-.Ltmp0, $4  }
0x20: {  	[sflag:s8] =	ssyncadd.s32 $0xFFFFFFB0  }
0x21: {  	[hbm4b:s3+s9] =	stream.indirect.scatter [tilespmem:s7], [sflag:$0x1], $0x1, s2, s9, $0xb8;
	[tilespmem:$0x100] =	vst v63  }
0x22: {  	_ =	swait.ge [sflag:s8], $0x50  }
0x23: {  	s12 =	smov.u32 s15;
	[sflag:s8] =	ssyncset.done $0x0  }
0x24: {  	s12 =	sadd.s32 s11, s6;
	[sflag:s8] =	ssyncadd.s32 $0xFFFFFFB0  }
0x25: {  	[tilespmem:s7], [sflag:$0x1] =	stream.linear.gather [hbm4b:s12+s2], $0x50, $0x38;
	[tilespmem:$0x100] =	vst v63  }
0x26: {  	_ =	swait.ge [sflag:s8], $0x50  }
0x27: {  	[sflag:s8] =	ssyncset.done $0x0  }
0x28: {  	s31 =	sadd.s32 s11, s5;
	[sflag:s8] =	ssyncadd.s32 $0xFFFFFFB0  }
0x29: {  	[tilespmem:s2], [sflag:$0x1] =	stream.linear.gather [hbm4b:s31+s2], $0x50, $0x38;
	[tilespmem:$0x100] =	vst v63  }
0x2a: {  	s10 =	sadd.s32 $0x1, s10;
	_ =	swait.ge [sflag:s8], $0x50  }
0x2b: {  	p0 =	sne.s32 s10, s4;
	[sflag:s8] =	ssyncset.done $0x0  }
.Ltmp1:
0x2c: {  	[sflag:s8] =	ssyncadd.s32 $0xFFFFFFB0;
	(pc) =	sbr.rel @p0 .LBB2_1-.Ltmp1, $4  }
0x2d: {  	[hbm4b:s3+s9] =	stream.indirect.scatter [tilespmem:s7], [sflag:$0x1], $0x1, s2, s9, $0xb8;
	[tilespmem:$0x100] =	vst v63  }
0x2e: {  	_ =	swait.ge [sflag:s8], $0x50  }
0x2f: {  	[sflag:s8] =	ssyncset.done $0x0  }
0x30: {  	[sflag:s8] =	ssyncadd.s32 $0xFFFFFFB0  }
0x31: {  	_ =	sfence.sel $0x180000  }
0x32: {  	[bflag:$0x0] =	sbarrier.arrive $0xFFFF  }
0x33: {  	p0 =	sne.s32 s0, $0x0;
	_ =	strace $0x90000047  }
0x34: {  	s0 =	sadd.s32 @!p0 $0x100000, s1;
	[bflag:$0x2] =	sbarrier.arrive $0xFFFF  }
0x35: {  	[sflag:s0] =	ssyncadd.tile.s32 @!p0 $0x1;
	_ =	shalt  }
.Lfunc_end2:
_tile_overlayer_lowered:
.L_overlay_start_2:
0x36: {  	(tag) =	ssettag $0x2  }
0x37: {  	s0 =	rddreg [dreg:$0x0];
	s2 =	stileid.u32  }
0x38: {  	s1 =	rddreg [dreg:$0x1];
	p0 =	sne.s32 s2, $0x0  }
0x39: {  	s3 =	rddreg [dreg:$0x2];
	[bflag:$0x3] =	sbarrier.arrive $0xFFFF;
	s2 =	simm.s32 @!p0 $0x1C01  }
0x3a: {  	[timem:s3], [sflag:s2] =	dma.local @!p0 [hbm:s0], s1  }
0x3b: {  	s0 =	simm.s32 @!p0 $0x1  }
0x3c: {  	_ =	swait.ge @!p0 [sflag:s0], s1  }
0x3d: {  	s1 =	ssub.s32 @!p0 $0x0, s1;
	[sflag:s0] =	ssyncset.done @!p0 $0x0  }
0x3e: {  	[sflag:s0] =	ssyncadd.s32 @!p0 s1  }
0x3f: {  	[bflag:$0x3] =	sbarrier.arrive $0xFFFF  }
0x40: {  	_ =	shalt  }

</sc_bundles>
